<compile_context>
chip_gen: v7x
topology: tpu7x:2x2x1
jax: 0.10.2.dev20260603
libtpu: 0.0.44.dev20260713+nightly
codegen_flags: <defaults>
</compile_context>

<pallas_src>
import functools

import jax
import jax.numpy as jnp
from jax import lax
from jax.experimental import pallas as pl
from jax.experimental.pallas import tpu as pltpu
from jax.experimental.pallas import tpu_sc as plsc

D_MODEL = 1024
NUM_WAVES = 3
N_TOKENS = 4 * 8192
NUM_CORES = 2
NUM_SUBCORES = 16
NUM_WORKERS = NUM_CORES * NUM_SUBCORES
TOK_PER_W = N_TOKENS // NUM_WORKERS
LANES = 16
NGROUP = TOK_PER_W // LANES
LIST_ROWS = NGROUP + 1
FLAT_STRIDE = TOK_PER_W + LANES
REP = 48
NREPLICA = 8

_mesh = plsc.VectorSubcoreMesh(core_axis_name="c", subcore_axis_name="s")


@functools.partial(
    pl.kernel,
    mesh=_mesh,
    out_type=jax.ShapeDtypeStruct((N_TOKENS, D_MODEL), jnp.float32),
    scratch_types=[
        pltpu.VMEM((TOK_PER_W,), jnp.float32),
        pltpu.VMEM((TOK_PER_W,), jnp.float32),
        pltpu.VMEM((TOK_PER_W,), jnp.float32),
        pltpu.VMEM((NUM_WAVES * FLAT_STRIDE + LANES,), jnp.int32),
        pltpu.VMEM((NUM_WAVES * LIST_ROWS, LANES), jnp.int32),
        pltpu.VMEM((REP, D_MODEL), jnp.float32),
        pltpu.SemaphoreType.DMA,
        pltpu.SemaphoreType.DMA,
        pltpu.SemaphoreType.DMA,
    ],
)
def _sc_kernel(m0_h, m1_h, m2_h, rep_h, out_h,
               m0_v, m1_v, m2_v, flat_v, list2_v, rep_v, sem, rsem, msem):
    wid = lax.axis_index("s") * NUM_CORES + lax.axis_index("c")
    base = wid * TOK_PER_W

    pltpu.async_copy(
        rep_h.at[pl.ds((wid % NREPLICA) * REP, REP)], rep_v, rsem)
    pltpu.async_copy(m0_h.at[pl.ds(base, TOK_PER_W)], m0_v, msem)
    pltpu.async_copy(m1_h.at[pl.ds(base, TOK_PER_W)], m1_v, msem)
    pltpu.async_copy(m2_h.at[pl.ds(base, TOK_PER_W)], m2_v, msem)
    for _ in range(3):
        pltpu.make_async_copy(
            m0_h.at[pl.ds(base, TOK_PER_W)], m0_v, msem).wait()

    one = jnp.full((LANES,), 1, jnp.int32)
    zero = jnp.full((LANES,), 0, jnp.int32)
    two = jnp.full((LANES,), 2, jnp.int32)

    def compact_step(i, counts):
        n0, n1, n2 = counts
        a0 = m0_v[pl.ds(i * LANES, LANES)]
        a1 = m1_v[pl.ds(i * LANES, LANES)]
        a2 = m2_v[pl.ds(i * LANES, LANES)]
        lbl = jnp.where(a1 > a0, one, zero)
        mx = jnp.maximum(a0, a1)
        lbl = jnp.where(a2 > mx, two, lbl)
        gbase = base + i * LANES
        for l in range(LANES):
            lv = lbl[l]
            is0 = lv == 0
            is1 = lv == 1
            nsel = jnp.where(is0, n0, jnp.where(is1, n1, n2))
            off = lv * FLAT_STRIDE + nsel
            flat_v[pl.ds(off, LANES)] = zero + (gbase + l)
            n0 = n0 + jnp.where(is0, 1, 0)
            n1 = n1 + jnp.where(is1, 1, 0)
            n2 = n2 + jnp.where(jnp.logical_or(is0, is1), 0, 1)
        return (n0, n1, n2)

    def relayout_and_fire(c, row_lo, row_hi):
        src = rep_v.at[pl.ds(c * LANES, LANES)]

        def row_step(j, carry):
            list2_v[c * LIST_ROWS + j, :] = (
                flat_v[pl.ds(c * FLAT_STRIDE + j * LANES, LANES)])
            return carry

        lax.fori_loop(row_lo, row_hi, row_step, 0)

        def fire_step(j, carry):
            pltpu.async_copy(
                src, out_h.at[list2_v.at[c * LIST_ROWS + j]], sem)
            return carry

        lax.fori_loop(row_lo, row_hi, fire_step, 0)

    counts_half = lax.fori_loop(
        0, NGROUP // 2, compact_step,
        (jnp.int32(0), jnp.int32(0), jnp.int32(0)))

    pltpu.make_async_copy(
        rep_h.at[pl.ds((wid % NREPLICA) * REP, REP)], rep_v, rsem).wait()

    for c in range(NUM_WAVES):
        nfull = counts_half[c] // LANES

        @pl.when(nfull > 0)
        def _(c=c, nfull=nfull):
            relayout_and_fire(c, 0, nfull)

    counts = lax.fori_loop(
        NGROUP // 2, NGROUP, compact_step, counts_half)

    for c in range(NUM_WAVES):
        n_c = counts[c]

        @pl.when(n_c > 0)
        def _(c=c, n_c=n_c, start_row=counts_half[c] // LANES):
            lastv = flat_v[pl.ds(c * FLAT_STRIDE + n_c - 1, LANES)]
            flat_v[pl.ds(c * FLAT_STRIDE + n_c, LANES)] = zero + lastv[0]
            nrows = (n_c + LANES - 1) // LANES
            relayout_and_fire(c, start_row, nrows)

    total_rows = sum(
        (counts[c] + LANES - 1) // LANES for c in range(NUM_WAVES))

    def drain_step(j, carry):
        pltpu.make_async_copy(
            rep_v.at[pl.ds(0, LANES)], out_h.at[list2_v.at[0]], sem).wait()
        return carry

    lax.fori_loop(0, total_rows, drain_step, 0)


def kernel(wave_mask, wave_embedding):
    B, S, W = wave_mask.shape
    maskT = wave_mask.reshape(B * S, W).T
    rep48 = jnp.repeat(wave_embedding, LANES, axis=0)
    rep_all = jnp.tile(rep48, (NREPLICA, 1))
    out = _sc_kernel(maskT[0], maskT[1], maskT[2], rep_all)
    return out.reshape(B, S, D_MODEL)

# --- scband reference (transcript-rebuilt; emitter-appended) ---
"""Pipeline reference for scband-wave-type-encoding-5995774345691 (READ-ONLY COPY).

The authoritative reference and input builder live on the scoring server;
editing this copy changes nothing except your own understanding.
"""

import jax, jax.numpy as jnp
import numpy as np

D_MODEL = 1024
NUM_WAVES = 3
B, S = 4, 8192


def setup_inputs(seed: int = 0) -> dict:
    key = jax.random.key(seed)
    k1, k2 = jax.random.split(key)
    wave_mask = jax.random.uniform(k1, (B, S, NUM_WAVES), dtype=jnp.float32)
    wave_embedding = jax.random.normal(k2, (NUM_WAVES, D_MODEL), dtype=jnp.float32)
    return {"wave_mask": wave_mask, "wave_embedding": wave_embedding}


def reference(wave_mask, wave_embedding):
    # wave_labels = argmax over last dim -> int indices in [0, NUM_WAVES)
    wave_labels = jnp.argmax(wave_mask, axis=-1)
    # embedding lookup: gather rows of the table
    wave_encoding = jnp.take(wave_embedding, wave_labels, axis=0)
    return wave_encoding

if __name__ == "__main__":
    import jax
    _d = setup_inputs()
    print(jax.jit(kernel)(*tuple(_d.values())))

</pallas_src>

<mosaic_0001>
#map = affine_map<(d0, d1) -> (0)>
#map1 = affine_map<(d0, d1) -> (0, 0)>
module attributes {stable_mosaic.version = 14 : i64} {
  func.func @_sc_kernel(%arg0: i32, %arg1: i32, %arg2: memref<32768xf32, #tpu.memory_space<hbm>>, %arg3: memref<32768xf32, #tpu.memory_space<hbm>>, %arg4: memref<32768xf32, #tpu.memory_space<hbm>>, %arg5: memref<384x1024xf32, #tpu.memory_space<hbm>>, %arg6: memref<32768x1024xf32, #tpu.memory_space<hbm>>, %arg7: memref<1024xf32, #tpu.memory_space<vmem>>, %arg8: memref<1024xf32, #tpu.memory_space<vmem>>, %arg9: memref<1024xf32, #tpu.memory_space<vmem>>, %arg10: memref<3136xi32, #tpu.memory_space<vmem>>, %arg11: memref<195x16xi32, #tpu.memory_space<vmem>>, %arg12: memref<48x1024xf32, #tpu.memory_space<vmem>>, %arg13: memref<!tpu.dma_semaphore, #tpu.memory_space<semaphore_mem>>, %arg14: memref<!tpu.dma_semaphore, #tpu.memory_space<semaphore_mem>>, %arg15: memref<!tpu.dma_semaphore, #tpu.memory_space<semaphore_mem>>) attributes {dimension_semantics = [#tpu.dimension_semantics<core_parallel>, #tpu.dimension_semantics<subcore_parallel>], iteration_bounds = array<i64: 2, 16>, scalar_prefetch = 0 : i64, scratch_operands = 9 : i64, tpu.core_type = #tpu.core_type<sc_vector_subcore>, window_params = [{transform_indices = #map}, {transform_indices = #map}, {transform_indices = #map}, {transform_indices = #map1}, {transform_indices = #map1}]} {
    %mul3A = arith.constant 2 : i32
    %mul3A_0 = arith.muli %arg1, %mul3A : i32
    %add3A = arith.addi %mul3A_0, %arg0 : i32
    %mul3A_1 = arith.constant 1024 : i32
    %mul3A_2 = arith.muli %add3A, %mul3A_1 : i32
    %jit3A = arith.constant 8 : i32
    %eq3A = arith.constant 0 : i32
    %eq3A_3 = arith.cmpi eq, %jit3A, %eq3A : i32
    %jit3A_4 = arith.constant 1 : i32
    %select_n3A = arith.select %eq3A_3, %jit3A_4, %jit3A : i32
    %rem3A = arith.remsi %add3A, %select_n3A : i32
    %ne3A = arith.constant 0 : i32
    %ne3A_5 = arith.cmpi ne, %rem3A, %ne3A : i32
    %lt3A = arith.constant 0 : i32
    %lt3A_6 = arith.cmpi slt, %rem3A, %lt3A : i32
    %lt3A_7 = arith.constant 0 : i32
    %lt3A_8 = arith.cmpi slt, %select_n3A, %lt3A_7 : i32
    %ne3A_9 = arith.xori %lt3A_6, %lt3A_8 : i1
    %and3A = arith.andi %ne3A_9, %ne3A_5 : i1
    %add3A_10 = arith.addi %rem3A, %select_n3A : i32
    %select_n3A_11 = arith.select %and3A, %add3A_10, %rem3A : i32
    %mul3A_12 = arith.constant 48 : i32
    %mul3A_13 = arith.muli %select_n3A_11, %mul3A_12 : i32
    %dma_start3A = arith.constant 0 : i32
    %dma_start3A_14 = tpu.memref_slice %arg5[%mul3A_13, %dma_start3A] : memref<384x1024xf32, #tpu.memory_space<hbm>> -> memref<48x1024xf32, #tpu.memory_space<hbm>>
    %dma_start3A_15 = arith.constant 0 : i32
    %dma_start3A_16 = tpu.memref_slice %arg5[%mul3A_13, %dma_start3A_15] : memref<384x1024xf32, #tpu.memory_space<hbm>> -> memref<48x1024xf32, #tpu.memory_space<hbm>>
    tpu.enqueue_dma source(%dma_start3A_16 : memref<48x1024xf32, #tpu.memory_space<hbm>>) target(%arg12 : memref<48x1024xf32, #tpu.memory_space<vmem>>) target_semaphore(%arg14 : memref<!tpu.dma_semaphore, #tpu.memory_space<semaphore_mem>>)
    %dma_start3A_17 = tpu.memref_slice %arg2[%mul3A_2] : memref<32768xf32, #tpu.memory_space<hbm>> -> memref<1024xf32, #tpu.memory_space<hbm>>
    %dma_start3A_18 = tpu.memref_slice %arg2[%mul3A_2] : memref<32768xf32, #tpu.memory_space<hbm>> -> memref<1024xf32, #tpu.memory_space<hbm>>
    tpu.enqueue_dma source(%dma_start3A_18 : memref<1024xf32, #tpu.memory_space<hbm>>) target(%arg7 : memref<1024xf32, #tpu.memory_space<vmem>>) target_semaphore(%arg15 : memref<!tpu.dma_semaphore, #tpu.memory_space<semaphore_mem>>)
    %dma_start3A_19 = tpu.memref_slice %arg3[%mul3A_2] : memref<32768xf32, #tpu.memory_space<hbm>> -> memref<1024xf32, #tpu.memory_space<hbm>>
    %dma_start3A_20 = tpu.memref_slice %arg3[%mul3A_2] : memref<32768xf32, #tpu.memory_space<hbm>> -> memref<1024xf32, #tpu.memory_space<hbm>>
    tpu.enqueue_dma source(%dma_start3A_20 : memref<1024xf32, #tpu.memory_space<hbm>>) target(%arg8 : memref<1024xf32, #tpu.memory_space<vmem>>) target_semaphore(%arg15 : memref<!tpu.dma_semaphore, #tpu.memory_space<semaphore_mem>>)
    %dma_start3A_21 = tpu.memref_slice %arg4[%mul3A_2] : memref<32768xf32, #tpu.memory_space<hbm>> -> memref<1024xf32, #tpu.memory_space<hbm>>
    %dma_start3A_22 = tpu.memref_slice %arg4[%mul3A_2] : memref<32768xf32, #tpu.memory_space<hbm>> -> memref<1024xf32, #tpu.memory_space<hbm>>
    tpu.enqueue_dma source(%dma_start3A_22 : memref<1024xf32, #tpu.memory_space<hbm>>) target(%arg9 : memref<1024xf32, #tpu.memory_space<vmem>>) target_semaphore(%arg15 : memref<!tpu.dma_semaphore, #tpu.memory_space<semaphore_mem>>)
    %dma_wait3A = tpu.memref_slice %arg2[%mul3A_2] : memref<32768xf32, #tpu.memory_space<hbm>> -> memref<1024xf32, #tpu.memory_space<hbm>>
    %dma_wait3A_23 = tpu.memref_slice %arg2[%mul3A_2] : memref<32768xf32, #tpu.memory_space<hbm>> -> memref<1024xf32, #tpu.memory_space<hbm>>
    tpu.wait_dma2 semaphore(%arg15 : memref<!tpu.dma_semaphore, #tpu.memory_space<semaphore_mem>>) src(%dma_wait3A_23 : memref<1024xf32, #tpu.memory_space<hbm>>) dst(%arg7 : memref<1024xf32, #tpu.memory_space<vmem>>)
    %dma_wait3A_24 = tpu.memref_slice %arg2[%mul3A_2] : memref<32768xf32, #tpu.memory_space<hbm>> -> memref<1024xf32, #tpu.memory_space<hbm>>
    %dma_wait3A_25 = tpu.memref_slice %arg2[%mul3A_2] : memref<32768xf32, #tpu.memory_space<hbm>> -> memref<1024xf32, #tpu.memory_space<hbm>>
    tpu.wait_dma2 semaphore(%arg15 : memref<!tpu.dma_semaphore, #tpu.memory_space<semaphore_mem>>) src(%dma_wait3A_25 : memref<1024xf32, #tpu.memory_space<hbm>>) dst(%arg7 : memref<1024xf32, #tpu.memory_space<vmem>>)
    %dma_wait3A_26 = tpu.memref_slice %arg2[%mul3A_2] : memref<32768xf32, #tpu.memory_space<hbm>> -> memref<1024xf32, #tpu.memory_space<hbm>>
    %dma_wait3A_27 = tpu.memref_slice %arg2[%mul3A_2] : memref<32768xf32, #tpu.memory_space<hbm>> -> memref<1024xf32, #tpu.memory_space<hbm>>
    tpu.wait_dma2 semaphore(%arg15 : memref<!tpu.dma_semaphore, #tpu.memory_space<semaphore_mem>>) src(%dma_wait3A_27 : memref<1024xf32, #tpu.memory_space<hbm>>) dst(%arg7 : memref<1024xf32, #tpu.memory_space<vmem>>)
    %broadcast_in_dim3A = arith.constant 1 : i32
    %broadcast_in_dim3A_28 = vector.broadcast %broadcast_in_dim3A : i32 to vector<16xi32>
    %broadcast_in_dim3A_29 = arith.constant 0 : i32
    %broadcast_in_dim3A_30 = vector.broadcast %broadcast_in_dim3A_29 : i32 to vector<16xi32>
    %broadcast_in_dim3A_31 = arith.constant 2 : i32
    %broadcast_in_dim3A_32 = vector.broadcast %broadcast_in_dim3A_31 : i32 to vector<16xi32>
    %scan3A = arith.constant 0 : i32
    %scan3A_33 = arith.constant 0 : i32
    %scan3A_34 = arith.constant 0 : i32
    %scan3A_35 = arith.constant 0 : i32
    %scan3A_36 = arith.constant 32 : i32
    %scan3A_37 = arith.addi %scan3A_35, %scan3A_36 : i32
    %scan3A_38 = arith.constant 1 : i32
    %scan3A_39:3 = scf.for %scan3A_334 = %scan3A_35 to %scan3A_37 step %scan3A_38 iter_args(%scan3A_335 = %scan3A, %scan3A_336 = %scan3A_33, %scan3A_337 = %scan3A_34) -> (i32, i32, i32)  : i32 {
      %mul3A_338 = arith.constant 16 : i32
      %mul3A_339 = arith.muli %scan3A_334, %mul3A_338 : i32
      %get3A = arith.index_cast %mul3A_339 : i32 to index
      %get3A_340 = tpu.vector_load %arg7[%get3A] {strides = array<i32>} : memref<1024xf32, #tpu.memory_space<vmem>>, vector<16xf32>,
      %get3A_341 = vector.shape_cast %get3A_340 : vector<16xf32> to vector<16xf32>
      %mul3A_342 = arith.constant 16 : i32
      %mul3A_343 = arith.muli %scan3A_334, %mul3A_342 : i32
      %get3A_344 = arith.index_cast %mul3A_343 : i32 to index
      %get3A_345 = tpu.vector_load %arg8[%get3A_344] {strides = array<i32>} : memref<1024xf32, #tpu.memory_space<vmem>>, vector<16xf32>,
      %get3A_346 = vector.shape_cast %get3A_345 : vector<16xf32> to vector<16xf32>
      %mul3A_347 = arith.constant 16 : i32
      %mul3A_348 = arith.muli %scan3A_334, %mul3A_347 : i32
      %get3A_349 = arith.index_cast %mul3A_348 : i32 to index
      %get3A_350 = tpu.vector_load %arg9[%get3A_349] {strides = array<i32>} : memref<1024xf32, #tpu.memory_space<vmem>>, vector<16xf32>,
      %get3A_351 = vector.shape_cast %get3A_350 : vector<16xf32> to vector<16xf32>
      %gt3A_352 = arith.cmpf ogt, %get3A_346, %get3A_341 : vector<16xf32>
      %select_n3A_353 = arith.select %gt3A_352, %broadcast_in_dim3A_28, %broadcast_in_dim3A_30 : vector<16xi1>, vector<16xi32>
      %max3A = arith.maximumf %get3A_341, %get3A_346 : vector<16xf32>
      %gt3A_354 = arith.cmpf ogt, %get3A_351, %max3A : vector<16xf32>
      %select_n3A_355 = arith.select %gt3A_354, %broadcast_in_dim3A_32, %select_n3A_353 : vector<16xi1>, vector<16xi32>
      %mul3A_356 = arith.constant 16 : i32
      %mul3A_357 = arith.muli %scan3A_334, %mul3A_356 : i32
      %add3A_358 = arith.addi %mul3A_2, %mul3A_357 : i32
      %slice3A = vector.extract_strided_slice %select_n3A_355 {offsets = [0], sizes = [1], strides = [1]} : vector<16xi32> to vector<1xi32>
      %squeeze3A = vector.extract %slice3A[0] : i32 from vector<1xi32>
      %eq3A_359 = arith.constant 0 : i32
      %eq3A_360 = arith.cmpi eq, %squeeze3A, %eq3A_359 : i32
      %eq3A_361 = arith.constant 1 : i32
      %eq3A_362 = arith.cmpi eq, %squeeze3A, %eq3A_361 : i32
      %select_n3A_363 = arith.select %eq3A_362, %scan3A_336, %scan3A_337 : i32
      %select_n3A_364 = arith.select %eq3A_360, %scan3A_335, %select_n3A_363 : i32
      %mul3A_365 = arith.constant 1040 : i32
      %mul3A_366 = arith.muli %squeeze3A, %mul3A_365 : i32
      %add3A_367 = arith.addi %mul3A_366, %select_n3A_364 : i32
      %add3A_368 = arith.constant 0 : i32
      %add3A_369 = arith.addi %add3A_358, %add3A_368 : i32
      %add3A_370 = vector.broadcast %add3A_369 : i32 to vector<16xi32>
      %add3A_371 = arith.addi %broadcast_in_dim3A_30, %add3A_370 : vector<16xi32>
      %swap3A = arith.index_cast %add3A_367 : i32 to index
      %swap3A_372 = tpu.vector_load %arg10[%swap3A] {strides = array<i32>} : memref<3136xi32, #tpu.memory_space<vmem>>, vector<16xi32>,
      %swap3A_373 = vector.shape_cast %swap3A_372 : vector<16xi32> to vector<16xi32>
      %swap3A_374 = vector.shape_cast %add3A_371 : vector<16xi32> to vector<16xi32>
      tpu.vector_store %arg10[%swap3A], %swap3A_374 {strides = array<i32>} : memref<3136xi32, #tpu.memory_space<vmem>>, vector<16xi32>,
      %jit3A_375 = arith.constant 1 : i32
      %jit3A_376 = arith.constant 0 : i32
      %select_n3A_377 = arith.select %eq3A_360, %jit3A_375, %jit3A_376 : i32
      %add3A_378 = arith.addi %scan3A_335, %select_n3A_377 : i32
      %jit3A_379 = arith.constant 1 : i32
      %jit3A_380 = arith.constant 0 : i32
      %select_n3A_381 = arith.select %eq3A_362, %jit3A_379, %jit3A_380 : i32
      %add3A_382 = arith.addi %scan3A_336, %select_n3A_381 : i32
      %or3A = arith.ori %eq3A_360, %eq3A_362 : i1
      %jit3A_383 = arith.constant 0 : i32
      %jit3A_384 = arith.constant 1 : i32
      %select_n3A_385 = arith.select %or3A, %jit3A_383, %jit3A_384 : i32
      %add3A_386 = arith.addi %scan3A_337, %select_n3A_385 : i32
      %slice3A_387 = vector.extract_strided_slice %select_n3A_355 {offsets = [1], sizes = [1], strides = [1]} : vector<16xi32> to vector<1xi32>
      %squeeze3A_388 = vector.extract %slice3A_387[0] : i32 from vector<1xi32>
      %eq3A_389 = arith.constant 0 : i32
      %eq3A_390 = arith.cmpi eq, %squeeze3A_388, %eq3A_389 : i32
      %eq3A_391 = arith.constant 1 : i32
      %eq3A_392 = arith.cmpi eq, %squeeze3A_388, %eq3A_391 : i32
      %select_n3A_393 = arith.select %eq3A_392, %add3A_382, %add3A_386 : i32
      %select_n3A_394 = arith.select %eq3A_390, %add3A_378, %select_n3A_393 : i32
      %mul3A_395 = arith.constant 1040 : i32
      %mul3A_396 = arith.muli %squeeze3A_388, %mul3A_395 : i32
      %add3A_397 = arith.addi %mul3A_396, %select_n3A_394 : i32
      %add3A_398 = arith.constant 1 : i32
      %add3A_399 = arith.addi %add3A_358, %add3A_398 : i32
      %add3A_400 = vector.broadcast %add3A_399 : i32 to vector<16xi32>
      %add3A_401 = arith.addi %broadcast_in_dim3A_30, %add3A_400 : vector<16xi32>
      %swap3A_402 = arith.index_cast %add3A_397 : i32 to index
      %swap3A_403 = tpu.vector_load %arg10[%swap3A_402] {strides = array<i32>} : memref<3136xi32, #tpu.memory_space<vmem>>, vector<16xi32>,
      %swap3A_404 = vector.shape_cast %swap3A_403 : vector<16xi32> to vector<16xi32>
      %swap3A_405 = vector.shape_cast %add3A_401 : vector<16xi32> to vector<16xi32>
      tpu.vector_store %arg10[%swap3A_402], %swap3A_405 {strides = array<i32>} : memref<3136xi32, #tpu.memory_space<vmem>>, vector<16xi32>,
      %jit3A_406 = arith.constant 1 : i32
      %jit3A_407 = arith.constant 0 : i32
      %select_n3A_408 = arith.select %eq3A_390, %jit3A_406, %jit3A_407 : i32
      %add3A_409 = arith.addi %add3A_378, %select_n3A_408 : i32
      %jit3A_410 = arith.constant 1 : i32
      %jit3A_411 = arith.constant 0 : i32
      %select_n3A_412 = arith.select %eq3A_392, %jit3A_410, %jit3A_411 : i32
      %add3A_413 = arith.addi %add3A_382, %select_n3A_412 : i32
      %or3A_414 = arith.ori %eq3A_390, %eq3A_392 : i1
      %jit3A_415 = arith.constant 0 : i32
      %jit3A_416 = arith.constant 1 : i32
      %select_n3A_417 = arith.select %or3A_414, %jit3A_415, %jit3A_416 : i32
      %add3A_418 = arith.addi %add3A_386, %select_n3A_417 : i32
      %slice3A_419 = vector.extract_strided_slice %select_n3A_355 {offsets = [2], sizes = [1], strides = [1]} : vector<16xi32> to vector<1xi32>
      %squeeze3A_420 = vector.extract %slice3A_419[0] : i32 from vector<1xi32>
      %eq3A_421 = arith.constant 0 : i32
      %eq3A_422 = arith.cmpi eq, %squeeze3A_420, %eq3A_421 : i32
      %eq3A_423 = arith.constant 1 : i32
      %eq3A_424 = arith.cmpi eq, %squeeze3A_420, %eq3A_423 : i32
      %select_n3A_425 = arith.select %eq3A_424, %add3A_413, %add3A_418 : i32
      %select_n3A_426 = arith.select %eq3A_422, %add3A_409, %select_n3A_425 : i32
      %mul3A_427 = arith.constant 1040 : i32
      %mul3A_428 = arith.muli %squeeze3A_420, %mul3A_427 : i32
      %add3A_429 = arith.addi %mul3A_428, %select_n3A_426 : i32
      %add3A_430 = arith.constant 2 : i32
      %add3A_431 = arith.addi %add3A_358, %add3A_430 : i32
      %add3A_432 = vector.broadcast %add3A_431 : i32 to vector<16xi32>
      %add3A_433 = arith.addi %broadcast_in_dim3A_30, %add3A_432 : vector<16xi32>
      %swap3A_434 = arith.index_cast %add3A_429 : i32 to index
      %swap3A_435 = tpu.vector_load %arg10[%swap3A_434] {strides = array<i32>} : memref<3136xi32, #tpu.memory_space<vmem>>, vector<16xi32>,
      %swap3A_436 = vector.shape_cast %swap3A_435 : vector<16xi32> to vector<16xi32>
      %swap3A_437 = vector.shape_cast %add3A_433 : vector<16xi32> to vector<16xi32>
      tpu.vector_store %arg10[%swap3A_434], %swap3A_437 {strides = array<i32>} : memref<3136xi32, #tpu.memory_space<vmem>>, vector<16xi32>,
      %jit3A_438 = arith.constant 1 : i32
      %jit3A_439 = arith.constant 0 : i32
      %select_n3A_440 = arith.select %eq3A_422, %jit3A_438, %jit3A_439 : i32
      %add3A_441 = arith.addi %add3A_409, %select_n3A_440 : i32
      %jit3A_442 = arith.constant 1 : i32
      %jit3A_443 = arith.constant 0 : i32
      %select_n3A_444 = arith.select %eq3A_424, %jit3A_442, %jit3A_443 : i32
      %add3A_445 = arith.addi %add3A_413, %select_n3A_444 : i32
      %or3A_446 = arith.ori %eq3A_422, %eq3A_424 : i1
      %jit3A_447 = arith.constant 0 : i32
      %jit3A_448 = arith.constant 1 : i32
      %select_n3A_449 = arith.select %or3A_446, %jit3A_447, %jit3A_448 : i32
      %add3A_450 = arith.addi %add3A_418, %select_n3A_449 : i32
      %slice3A_451 = vector.extract_strided_slice %select_n3A_355 {offsets = [3], sizes = [1], strides = [1]} : vector<16xi32> to vector<1xi32>
      %squeeze3A_452 = vector.extract %slice3A_451[0] : i32 from vector<1xi32>
      %eq3A_453 = arith.constant 0 : i32
      %eq3A_454 = arith.cmpi eq, %squeeze3A_452, %eq3A_453 : i32
      %eq3A_455 = arith.constant 1 : i32
      %eq3A_456 = arith.cmpi eq, %squeeze3A_452, %eq3A_455 : i32
      %select_n3A_457 = arith.select %eq3A_456, %add3A_445, %add3A_450 : i32
      %select_n3A_458 = arith.select %eq3A_454, %add3A_441, %select_n3A_457 : i32
      %mul3A_459 = arith.constant 1040 : i32
      %mul3A_460 = arith.muli %squeeze3A_452, %mul3A_459 : i32
      %add3A_461 = arith.addi %mul3A_460, %select_n3A_458 : i32
      %add3A_462 = arith.constant 3 : i32
      %add3A_463 = arith.addi %add3A_358, %add3A_462 : i32
      %add3A_464 = vector.broadcast %add3A_463 : i32 to vector<16xi32>
      %add3A_465 = arith.addi %broadcast_in_dim3A_30, %add3A_464 : vector<16xi32>
      %swap3A_466 = arith.index_cast %add3A_461 : i32 to index
      %swap3A_467 = tpu.vector_load %arg10[%swap3A_466] {strides = array<i32>} : memref<3136xi32, #tpu.memory_space<vmem>>, vector<16xi32>,
      %swap3A_468 = vector.shape_cast %swap3A_467 : vector<16xi32> to vector<16xi32>
      %swap3A_469 = vector.shape_cast %add3A_465 : vector<16xi32> to vector<16xi32>
      tpu.vector_store %arg10[%swap3A_466], %swap3A_469 {strides = array<i32>} : memref<3136xi32, #tpu.memory_space<vmem>>, vector<16xi32>,
      %jit3A_470 = arith.constant 1 : i32
      %jit3A_471 = arith.constant 0 : i32
      %select_n3A_472 = arith.select %eq3A_454, %jit3A_470, %jit3A_471 : i32
      %add3A_473 = arith.addi %add3A_441, %select_n3A_472 : i32
      %jit3A_474 = arith.constant 1 : i32
      %jit3A_475 = arith.constant 0 : i32
      %select_n3A_476 = arith.select %eq3A_456, %jit3A_474, %jit3A_475 : i32
      %add3A_477 = arith.addi %add3A_445, %select_n3A_476 : i32
      %or3A_478 = arith.ori %eq3A_454, %eq3A_456 : i1
      %jit3A_479 = arith.constant 0 : i32
      %jit3A_480 = arith.constant 1 : i32
      %select_n3A_481 = arith.select %or3A_478, %jit3A_479, %jit3A_480 : i32
      %add3A_482 = arith.addi %add3A_450, %select_n3A_481 : i32
      %slice3A_483 = vector.extract_strided_slice %select_n3A_355 {offsets = [4], sizes = [1], strides = [1]} : vector<16xi32> to vector<1xi32>
      %squeeze3A_484 = vector.extract %slice3A_483[0] : i32 from vector<1xi32>
      %eq3A_485 = arith.constant 0 : i32
      %eq3A_486 = arith.cmpi eq, %squeeze3A_484, %eq3A_485 : i32
      %eq3A_487 = arith.constant 1 : i32
      %eq3A_488 = arith.cmpi eq, %squeeze3A_484, %eq3A_487 : i32
      %select_n3A_489 = arith.select %eq3A_488, %add3A_477, %add3A_482 : i32
      %select_n3A_490 = arith.select %eq3A_486, %add3A_473, %select_n3A_489 : i32
      %mul3A_491 = arith.constant 1040 : i32
      %mul3A_492 = arith.muli %squeeze3A_484, %mul3A_491 : i32
      %add3A_493 = arith.addi %mul3A_492, %select_n3A_490 : i32
      %add3A_494 = arith.constant 4 : i32
      %add3A_495 = arith.addi %add3A_358, %add3A_494 : i32
      %add3A_496 = vector.broadcast %add3A_495 : i32 to vector<16xi32>
      %add3A_497 = arith.addi %broadcast_in_dim3A_30, %add3A_496 : vector<16xi32>
      %swap3A_498 = arith.index_cast %add3A_493 : i32 to index
      %swap3A_499 = tpu.vector_load %arg10[%swap3A_498] {strides = array<i32>} : memref<3136xi32, #tpu.memory_space<vmem>>, vector<16xi32>,
      %swap3A_500 = vector.shape_cast %swap3A_499 : vector<16xi32> to vector<16xi32>
      %swap3A_501 = vector.shape_cast %add3A_497 : vector<16xi32> to vector<16xi32>
      tpu.vector_store %arg10[%swap3A_498], %swap3A_501 {strides = array<i32>} : memref<3136xi32, #tpu.memory_space<vmem>>, vector<16xi32>,
      %jit3A_502 = arith.constant 1 : i32
      %jit3A_503 = arith.constant 0 : i32
      %select_n3A_504 = arith.select %eq3A_486, %jit3A_502, %jit3A_503 : i32
      %add3A_505 = arith.addi %add3A_473, %select_n3A_504 : i32
      %jit3A_506 = arith.constant 1 : i32
      %jit3A_507 = arith.constant 0 : i32
      %select_n3A_508 = arith.select %eq3A_488, %jit3A_506, %jit3A_507 : i32
      %add3A_509 = arith.addi %add3A_477, %select_n3A_508 : i32
      %or3A_510 = arith.ori %eq3A_486, %eq3A_488 : i1
      %jit3A_511 = arith.constant 0 : i32
      %jit3A_512 = arith.constant 1 : i32
      %select_n3A_513 = arith.select %or3A_510, %jit3A_511, %jit3A_512 : i32
      %add3A_514 = arith.addi %add3A_482, %select_n3A_513 : i32
      %slice3A_515 = vector.extract_strided_slice %select_n3A_355 {offsets = [5], sizes = [1], strides = [1]} : vector<16xi32> to vector<1xi32>
      %squeeze3A_516 = vector.extract %slice3A_515[0] : i32 from vector<1xi32>
      %eq3A_517 = arith.constant 0 : i32
      %eq3A_518 = arith.cmpi eq, %squeeze3A_516, %eq3A_517 : i32
      %eq3A_519 = arith.constant 1 : i32
      %eq3A_520 = arith.cmpi eq, %squeeze3A_516, %eq3A_519 : i32
      %select_n3A_521 = arith.select %eq3A_520, %add3A_509, %add3A_514 : i32
      %select_n3A_522 = arith.select %eq3A_518, %add3A_505, %select_n3A_521 : i32
      %mul3A_523 = arith.constant 1040 : i32
      %mul3A_524 = arith.muli %squeeze3A_516, %mul3A_523 : i32
      %add3A_525 = arith.addi %mul3A_524, %select_n3A_522 : i32
      %add3A_526 = arith.constant 5 : i32
      %add3A_527 = arith.addi %add3A_358, %add3A_526 : i32
      %add3A_528 = vector.broadcast %add3A_527 : i32 to vector<16xi32>
      %add3A_529 = arith.addi %broadcast_in_dim3A_30, %add3A_528 : vector<16xi32>
      %swap3A_530 = arith.index_cast %add3A_525 : i32 to index
      %swap3A_531 = tpu.vector_load %arg10[%swap3A_530] {strides = array<i32>} : memref<3136xi32, #tpu.memory_space<vmem>>, vector<16xi32>,
      %swap3A_532 = vector.shape_cast %swap3A_531 : vector<16xi32> to vector<16xi32>
      %swap3A_533 = vector.shape_cast %add3A_529 : vector<16xi32> to vector<16xi32>
      tpu.vector_store %arg10[%swap3A_530], %swap3A_533 {strides = array<i32>} : memref<3136xi32, #tpu.memory_space<vmem>>, vector<16xi32>,
      %jit3A_534 = arith.constant 1 : i32
      %jit3A_535 = arith.constant 0 : i32
      %select_n3A_536 = arith.select %eq3A_518, %jit3A_534, %jit3A_535 : i32
      %add3A_537 = arith.addi %add3A_505, %select_n3A_536 : i32
      %jit3A_538 = arith.constant 1 : i32
      %jit3A_539 = arith.constant 0 : i32
      %select_n3A_540 = arith.select %eq3A_520, %jit3A_538, %jit3A_539 : i32
      %add3A_541 = arith.addi %add3A_509, %select_n3A_540 : i32
      %or3A_542 = arith.ori %eq3A_518, %eq3A_520 : i1
      %jit3A_543 = arith.constant 0 : i32
      %jit3A_544 = arith.constant 1 : i32
      %select_n3A_545 = arith.select %or3A_542, %jit3A_543, %jit3A_544 : i32
      %add3A_546 = arith.addi %add3A_514, %select_n3A_545 : i32
      %slice3A_547 = vector.extract_strided_slice %select_n3A_355 {offsets = [6], sizes = [1], strides = [1]} : vector<16xi32> to vector<1xi32>
      %squeeze3A_548 = vector.extract %slice3A_547[0] : i32 from vector<1xi32>
      %eq3A_549 = arith.constant 0 : i32
      %eq3A_550 = arith.cmpi eq, %squeeze3A_548, %eq3A_549 : i32
      %eq3A_551 = arith.constant 1 : i32
      %eq3A_552 = arith.cmpi eq, %squeeze3A_548, %eq3A_551 : i32
      %select_n3A_553 = arith.select %eq3A_552, %add3A_541, %add3A_546 : i32
      %select_n3A_554 = arith.select %eq3A_550, %add3A_537, %select_n3A_553 : i32
      %mul3A_555 = arith.constant 1040 : i32
      %mul3A_556 = arith.muli %squeeze3A_548, %mul3A_555 : i32
      %add3A_557 = arith.addi %mul3A_556, %select_n3A_554 : i32
      %add3A_558 = arith.constant 6 : i32
      %add3A_559 = arith.addi %add3A_358, %add3A_558 : i32
      %add3A_560 = vector.broadcast %add3A_559 : i32 to vector<16xi32>
      %add3A_561 = arith.addi %broadcast_in_dim3A_30, %add3A_560 : vector<16xi32>
      %swap3A_562 = arith.index_cast %add3A_557 : i32 to index
      %swap3A_563 = tpu.vector_load %arg10[%swap3A_562] {strides = array<i32>} : memref<3136xi32, #tpu.memory_space<vmem>>, vector<16xi32>,
      %swap3A_564 = vector.shape_cast %swap3A_563 : vector<16xi32> to vector<16xi32>
      %swap3A_565 = vector.shape_cast %add3A_561 : vector<16xi32> to vector<16xi32>
      tpu.vector_store %arg10[%swap3A_562], %swap3A_565 {strides = array<i32>} : memref<3136xi32, #tpu.memory_space<vmem>>, vector<16xi32>,
      %jit3A_566 = arith.constant 1 : i32
      %jit3A_567 = arith.constant 0 : i32
      %select_n3A_568 = arith.select %eq3A_550, %jit3A_566, %jit3A_567 : i32
      %add3A_569 = arith.addi %add3A_537, %select_n3A_568 : i32
      %jit3A_570 = arith.constant 1 : i32
      %jit3A_571 = arith.constant 0 : i32
      %select_n3A_572 = arith.select %eq3A_552, %jit3A_570, %jit3A_571 : i32
      %add3A_573 = arith.addi %add3A_541, %select_n3A_572 : i32
      %or3A_574 = arith.ori %eq3A_550, %eq3A_552 : i1
      %jit3A_575 = arith.constant 0 : i32
      %jit3A_576 = arith.constant 1 : i32
      %select_n3A_577 = arith.select %or3A_574, %jit3A_575, %jit3A_576 : i32
      %add3A_578 = arith.addi %add3A_546, %select_n3A_577 : i32
      %slice3A_579 = vector.extract_strided_slice %select_n3A_355 {offsets = [7], sizes = [1], strides = [1]} : vector<16xi32> to vector<1xi32>
      %squeeze3A_580 = vector.extract %slice3A_579[0] : i32 from vector<1xi32>
      %eq3A_581 = arith.constant 0 : i32
      %eq3A_582 = arith.cmpi eq, %squeeze3A_580, %eq3A_581 : i32
      %eq3A_583 = arith.constant 1 : i32
      %eq3A_584 = arith.cmpi eq, %squeeze3A_580, %eq3A_583 : i32
      %select_n3A_585 = arith.select %eq3A_584, %add3A_573, %add3A_578 : i32
      %select_n3A_586 = arith.select %eq3A_582, %add3A_569, %select_n3A_585 : i32
      %mul3A_587 = arith.constant 1040 : i32
      %mul3A_588 = arith.muli %squeeze3A_580, %mul3A_587 : i32
      %add3A_589 = arith.addi %mul3A_588, %select_n3A_586 : i32
      %add3A_590 = arith.constant 7 : i32
      %add3A_591 = arith.addi %add3A_358, %add3A_590 : i32
      %add3A_592 = vector.broadcast %add3A_591 : i32 to vector<16xi32>
      %add3A_593 = arith.addi %broadcast_in_dim3A_30, %add3A_592 : vector<16xi32>
      %swap3A_594 = arith.index_cast %add3A_589 : i32 to index
      %swap3A_595 = tpu.vector_load %arg10[%swap3A_594] {strides = array<i32>} : memref<3136xi32, #tpu.memory_space<vmem>>, vector<16xi32>,
      %swap3A_596 = vector.shape_cast %swap3A_595 : vector<16xi32> to vector<16xi32>
      %swap3A_597 = vector.shape_cast %add3A_593 : vector<16xi32> to vector<16xi32>
      tpu.vector_store %arg10[%swap3A_594], %swap3A_597 {strides = array<i32>} : memref<3136xi32, #tpu.memory_space<vmem>>, vector<16xi32>,
      %jit3A_598 = arith.constant 1 : i32
      %jit3A_599 = arith.constant 0 : i32
      %select_n3A_600 = arith.select %eq3A_582, %jit3A_598, %jit3A_599 : i32
      %add3A_601 = arith.addi %add3A_569, %select_n3A_600 : i32
      %jit3A_602 = arith.constant 1 : i32
      %jit3A_603 = arith.constant 0 : i32
      %select_n3A_604 = arith.select %eq3A_584, %jit3A_602, %jit3A_603 : i32
      %add3A_605 = arith.addi %add3A_573, %select_n3A_604 : i32
      %or3A_606 = arith.ori %eq3A_582, %eq3A_584 : i1
      %jit3A_607 = arith.constant 0 : i32
      %jit3A_608 = arith.constant 1 : i32
      %select_n3A_609 = arith.select %or3A_606, %jit3A_607, %jit3A_608 : i32
      %add3A_610 = arith.addi %add3A_578, %select_n3A_609 : i32
      %slice3A_611 = vector.extract_strided_slice %select_n3A_355 {offsets = [8], sizes = [1], strides = [1]} : vector<16xi32> to vector<1xi32>
      %squeeze3A_612 = vector.extract %slice3A_611[0] : i32 from vector<1xi32>
      %eq3A_613 = arith.constant 0 : i32
      %eq3A_614 = arith.cmpi eq, %squeeze3A_612, %eq3A_613 : i32
      %eq3A_615 = arith.constant 1 : i32
      %eq3A_616 = arith.cmpi eq, %squeeze3A_612, %eq3A_615 : i32
      %select_n3A_617 = arith.select %eq3A_616, %add3A_605, %add3A_610 : i32
      %select_n3A_618 = arith.select %eq3A_614, %add3A_601, %select_n3A_617 : i32
      %mul3A_619 = arith.constant 1040 : i32
      %mul3A_620 = arith.muli %squeeze3A_612, %mul3A_619 : i32
      %add3A_621 = arith.addi %mul3A_620, %select_n3A_618 : i32
      %add3A_622 = arith.constant 8 : i32
      %add3A_623 = arith.addi %add3A_358, %add3A_622 : i32
      %add3A_624 = vector.broadcast %add3A_623 : i32 to vector<16xi32>
      %add3A_625 = arith.addi %broadcast_in_dim3A_30, %add3A_624 : vector<16xi32>
      %swap3A_626 = arith.index_cast %add3A_621 : i32 to index
      %swap3A_627 = tpu.vector_load %arg10[%swap3A_626] {strides = array<i32>} : memref<3136xi32, #tpu.memory_space<vmem>>, vector<16xi32>,
      %swap3A_628 = vector.shape_cast %swap3A_627 : vector<16xi32> to vector<16xi32>
      %swap3A_629 = vector.shape_cast %add3A_625 : vector<16xi32> to vector<16xi32>
      tpu.vector_store %arg10[%swap3A_626], %swap3A_629 {strides = array<i32>} : memref<3136xi32, #tpu.memory_space<vmem>>, vector<16xi32>,
      %jit3A_630 = arith.constant 1 : i32
      %jit3A_631 = arith.constant 0 : i32
      %select_n3A_632 = arith.select %eq3A_614, %jit3A_630, %jit3A_631 : i32
      %add3A_633 = arith.addi %add3A_601, %select_n3A_632 : i32
      %jit3A_634 = arith.constant 1 : i32
      %jit3A_635 = arith.constant 0 : i32
      %select_n3A_636 = arith.select %eq3A_616, %jit3A_634, %jit3A_635 : i32
      %add3A_637 = arith.addi %add3A_605, %select_n3A_636 : i32
      %or3A_638 = arith.ori %eq3A_614, %eq3A_616 : i1
      %jit3A_639 = arith.constant 0 : i32
      %jit3A_640 = arith.constant 1 : i32
      %select_n3A_641 = arith.select %or3A_638, %jit3A_639, %jit3A_640 : i32
      %add3A_642 = arith.addi %add3A_610, %select_n3A_641 : i32
      %slice3A_643 = vector.extract_strided_slice %select_n3A_355 {offsets = [9], sizes = [1], strides = [1]} : vector<16xi32> to vector<1xi32>
      %squeeze3A_644 = vector.extract %slice3A_643[0] : i32 from vector<1xi32>
      %eq3A_645 = arith.constant 0 : i32
      %eq3A_646 = arith.cmpi eq, %squeeze3A_644, %eq3A_645 : i32
      %eq3A_647 = arith.constant 1 : i32
      %eq3A_648 = arith.cmpi eq, %squeeze3A_644, %eq3A_647 : i32
      %select_n3A_649 = arith.select %eq3A_648, %add3A_637, %add3A_642 : i32
      %select_n3A_650 = arith.select %eq3A_646, %add3A_633, %select_n3A_649 : i32
      %mul3A_651 = arith.constant 1040 : i32
      %mul3A_652 = arith.muli %squeeze3A_644, %mul3A_651 : i32
      %add3A_653 = arith.addi %mul3A_652, %select_n3A_650 : i32
      %add3A_654 = arith.constant 9 : i32
      %add3A_655 = arith.addi %add3A_358, %add3A_654 : i32
      %add3A_656 = vector.broadcast %add3A_655 : i32 to vector<16xi32>
      %add3A_657 = arith.addi %broadcast_in_dim3A_30, %add3A_656 : vector<16xi32>
      %swap3A_658 = arith.index_cast %add3A_653 : i32 to index
      %swap3A_659 = tpu.vector_load %arg10[%swap3A_658] {strides = array<i32>} : memref<3136xi32, #tpu.memory_space<vmem>>, vector<16xi32>,
      %swap3A_660 = vector.shape_cast %swap3A_659 : vector<16xi32> to vector<16xi32>
      %swap3A_661 = vector.shape_cast %add3A_657 : vector<16xi32> to vector<16xi32>
      tpu.vector_store %arg10[%swap3A_658], %swap3A_661 {strides = array<i32>} : memref<3136xi32, #tpu.memory_space<vmem>>, vector<16xi32>,
      %jit3A_662 = arith.constant 1 : i32
      %jit3A_663 = arith.constant 0 : i32
      %select_n3A_664 = arith.select %eq3A_646, %jit3A_662, %jit3A_663 : i32
      %add3A_665 = arith.addi %add3A_633, %select_n3A_664 : i32
      %jit3A_666 = arith.constant 1 : i32
      %jit3A_667 = arith.constant 0 : i32
      %select_n3A_668 = arith.select %eq3A_648, %jit3A_666, %jit3A_667 : i32
      %add3A_669 = arith.addi %add3A_637, %select_n3A_668 : i32
      %or3A_670 = arith.ori %eq3A_646, %eq3A_648 : i1
      %jit3A_671 = arith.constant 0 : i32
      %jit3A_672 = arith.constant 1 : i32
      %select_n3A_673 = arith.select %or3A_670, %jit3A_671, %jit3A_672 : i32
      %add3A_674 = arith.addi %add3A_642, %select_n3A_673 : i32
      %slice3A_675 = vector.extract_strided_slice %select_n3A_355 {offsets = [10], sizes = [1], strides = [1]} : vector<16xi32> to vector<1xi32>
      %squeeze3A_676 = vector.extract %slice3A_675[0] : i32 from vector<1xi32>
      %eq3A_677 = arith.constant 0 : i32
      %eq3A_678 = arith.cmpi eq, %squeeze3A_676, %eq3A_677 : i32
      %eq3A_679 = arith.constant 1 : i32
      %eq3A_680 = arith.cmpi eq, %squeeze3A_676, %eq3A_679 : i32
      %select_n3A_681 = arith.select %eq3A_680, %add3A_669, %add3A_674 : i32
      %select_n3A_682 = arith.select %eq3A_678, %add3A_665, %select_n3A_681 : i32
      %mul3A_683 = arith.constant 1040 : i32
      %mul3A_684 = arith.muli %squeeze3A_676, %mul3A_683 : i32
      %add3A_685 = arith.addi %mul3A_684, %select_n3A_682 : i32
      %add3A_686 = arith.constant 10 : i32
      %add3A_687 = arith.addi %add3A_358, %add3A_686 : i32
      %add3A_688 = vector.broadcast %add3A_687 : i32 to vector<16xi32>
      %add3A_689 = arith.addi %broadcast_in_dim3A_30, %add3A_688 : vector<16xi32>
      %swap3A_690 = arith.index_cast %add3A_685 : i32 to index
      %swap3A_691 = tpu.vector_load %arg10[%swap3A_690] {strides = array<i32>} : memref<3136xi32, #tpu.memory_space<vmem>>, vector<16xi32>,
      %swap3A_692 = vector.shape_cast %swap3A_691 : vector<16xi32> to vector<16xi32>
      %swap3A_693 = vector.shape_cast %add3A_689 : vector<16xi32> to vector<16xi32>
      tpu.vector_store %arg10[%swap3A_690], %swap3A_693 {strides = array<i32>} : memref<3136xi32, #tpu.memory_space<vmem>>, vector<16xi32>,
      %jit3A_694 = arith.constant 1 : i32
      %jit3A_695 = arith.constant 0 : i32
      %select_n3A_696 = arith.select %eq3A_678, %jit3A_694, %jit3A_695 : i32
      %add3A_697 = arith.addi %add3A_665, %select_n3A_696 : i32
      %jit3A_698 = arith.constant 1 : i32
      %jit3A_699 = arith.constant 0 : i32
      %select_n3A_700 = arith.select %eq3A_680, %jit3A_698, %jit3A_699 : i32
      %add3A_701 = arith.addi %add3A_669, %select_n3A_700 : i32
      %or3A_702 = arith.ori %eq3A_678, %eq3A_680 : i1
      %jit3A_703 = arith.constant 0 : i32
      %jit3A_704 = arith.constant 1 : i32
      %select_n3A_705 = arith.select %or3A_702, %jit3A_703, %jit3A_704 : i32
      %add3A_706 = arith.addi %add3A_674, %select_n3A_705 : i32
      %slice3A_707 = vector.extract_strided_slice %select_n3A_355 {offsets = [11], sizes = [1], strides = [1]} : vector<16xi32> to vector<1xi32>
      %squeeze3A_708 = vector.extract %slice3A_707[0] : i32 from vector<1xi32>
      %eq3A_709 = arith.constant 0 : i32
      %eq3A_710 = arith.cmpi eq, %squeeze3A_708, %eq3A_709 : i32
      %eq3A_711 = arith.constant 1 : i32
      %eq3A_712 = arith.cmpi eq, %squeeze3A_708, %eq3A_711 : i32
      %select_n3A_713 = arith.select %eq3A_712, %add3A_701, %add3A_706 : i32
      %select_n3A_714 = arith.select %eq3A_710, %add3A_697, %select_n3A_713 : i32
      %mul3A_715 = arith.constant 1040 : i32
      %mul3A_716 = arith.muli %squeeze3A_708, %mul3A_715 : i32
      %add3A_717 = arith.addi %mul3A_716, %select_n3A_714 : i32
      %add3A_718 = arith.constant 11 : i32
      %add3A_719 = arith.addi %add3A_358, %add3A_718 : i32
      %add3A_720 = vector.broadcast %add3A_719 : i32 to vector<16xi32>
      %add3A_721 = arith.addi %broadcast_in_dim3A_30, %add3A_720 : vector<16xi32>
      %swap3A_722 = arith.index_cast %add3A_717 : i32 to index
      %swap3A_723 = tpu.vector_load %arg10[%swap3A_722] {strides = array<i32>} : memref<3136xi32, #tpu.memory_space<vmem>>, vector<16xi32>,
      %swap3A_724 = vector.shape_cast %swap3A_723 : vector<16xi32> to vector<16xi32>
      %swap3A_725 = vector.shape_cast %add3A_721 : vector<16xi32> to vector<16xi32>
      tpu.vector_store %arg10[%swap3A_722], %swap3A_725 {strides = array<i32>} : memref<3136xi32, #tpu.memory_space<vmem>>, vector<16xi32>,
      %jit3A_726 = arith.constant 1 : i32
      %jit3A_727 = arith.constant 0 : i32
      %select_n3A_728 = arith.select %eq3A_710, %jit3A_726, %jit3A_727 : i32
      %add3A_729 = arith.addi %add3A_697, %select_n3A_728 : i32
      %jit3A_730 = arith.constant 1 : i32
      %jit3A_731 = arith.constant 0 : i32
      %select_n3A_732 = arith.select %eq3A_712, %jit3A_730, %jit3A_731 : i32
      %add3A_733 = arith.addi %add3A_701, %select_n3A_732 : i32
      %or3A_734 = arith.ori %eq3A_710, %eq3A_712 : i1
      %jit3A_735 = arith.constant 0 : i32
      %jit3A_736 = arith.constant 1 : i32
      %select_n3A_737 = arith.select %or3A_734, %jit3A_735, %jit3A_736 : i32
      %add3A_738 = arith.addi %add3A_706, %select_n3A_737 : i32
      %slice3A_739 = vector.extract_strided_slice %select_n3A_355 {offsets = [12], sizes = [1], strides = [1]} : vector<16xi32> to vector<1xi32>
      %squeeze3A_740 = vector.extract %slice3A_739[0] : i32 from vector<1xi32>
      %eq3A_741 = arith.constant 0 : i32
      %eq3A_742 = arith.cmpi eq, %squeeze3A_740, %eq3A_741 : i32
      %eq3A_743 = arith.constant 1 : i32
      %eq3A_744 = arith.cmpi eq, %squeeze3A_740, %eq3A_743 : i32
      %select_n3A_745 = arith.select %eq3A_744, %add3A_733, %add3A_738 : i32
      %select_n3A_746 = arith.select %eq3A_742, %add3A_729, %select_n3A_745 : i32
      %mul3A_747 = arith.constant 1040 : i32
      %mul3A_748 = arith.muli %squeeze3A_740, %mul3A_747 : i32
      %add3A_749 = arith.addi %mul3A_748, %select_n3A_746 : i32
      %add3A_750 = arith.constant 12 : i32
      %add3A_751 = arith.addi %add3A_358, %add3A_750 : i32
      %add3A_752 = vector.broadcast %add3A_751 : i32 to vector<16xi32>
      %add3A_753 = arith.addi %broadcast_in_dim3A_30, %add3A_752 : vector<16xi32>
      %swap3A_754 = arith.index_cast %add3A_749 : i32 to index
      %swap3A_755 = tpu.vector_load %arg10[%swap3A_754] {strides = array<i32>} : memref<3136xi32, #tpu.memory_space<vmem>>, vector<16xi32>,
      %swap3A_756 = vector.shape_cast %swap3A_755 : vector<16xi32> to vector<16xi32>
      %swap3A_757 = vector.shape_cast %add3A_753 : vector<16xi32> to vector<16xi32>
      tpu.vector_store %arg10[%swap3A_754], %swap3A_757 {strides = array<i32>} : memref<3136xi32, #tpu.memory_space<vmem>>, vector<16xi32>,
      %jit3A_758 = arith.constant 1 : i32
      %jit3A_759 = arith.constant 0 : i32
      %select_n3A_760 = arith.select %eq3A_742, %jit3A_758, %jit3A_759 : i32
      %add3A_761 = arith.addi %add3A_729, %select_n3A_760 : i32
      %jit3A_762 = arith.constant 1 : i32
      %jit3A_763 = arith.constant 0 : i32
      %select_n3A_764 = arith.select %eq3A_744, %jit3A_762, %jit3A_763 : i32
      %add3A_765 = arith.addi %add3A_733, %select_n3A_764 : i32
      %or3A_766 = arith.ori %eq3A_742, %eq3A_744 : i1
      %jit3A_767 = arith.constant 0 : i32
      %jit3A_768 = arith.constant 1 : i32
      %select_n3A_769 = arith.select %or3A_766, %jit3A_767, %jit3A_768 : i32
      %add3A_770 = arith.addi %add3A_738, %select_n3A_769 : i32
      %slice3A_771 = vector.extract_strided_slice %select_n3A_355 {offsets = [13], sizes = [1], strides = [1]} : vector<16xi32> to vector<1xi32>
      %squeeze3A_772 = vector.extract %slice3A_771[0] : i32 from vector<1xi32>
      %eq3A_773 = arith.constant 0 : i32
      %eq3A_774 = arith.cmpi eq, %squeeze3A_772, %eq3A_773 : i32
      %eq3A_775 = arith.constant 1 : i32
      %eq3A_776 = arith.cmpi eq, %squeeze3A_772, %eq3A_775 : i32
      %select_n3A_777 = arith.select %eq3A_776, %add3A_765, %add3A_770 : i32
      %select_n3A_778 = arith.select %eq3A_774, %add3A_761, %select_n3A_777 : i32
      %mul3A_779 = arith.constant 1040 : i32
      %mul3A_780 = arith.muli %squeeze3A_772, %mul3A_779 : i32
      %add3A_781 = arith.addi %mul3A_780, %select_n3A_778 : i32
      %add3A_782 = arith.constant 13 : i32
      %add3A_783 = arith.addi %add3A_358, %add3A_782 : i32
      %add3A_784 = vector.broadcast %add3A_783 : i32 to vector<16xi32>
      %add3A_785 = arith.addi %broadcast_in_dim3A_30, %add3A_784 : vector<16xi32>
      %swap3A_786 = arith.index_cast %add3A_781 : i32 to index
      %swap3A_787 = tpu.vector_load %arg10[%swap3A_786] {strides = array<i32>} : memref<3136xi32, #tpu.memory_space<vmem>>, vector<16xi32>,
      %swap3A_788 = vector.shape_cast %swap3A_787 : vector<16xi32> to vector<16xi32>
      %swap3A_789 = vector.shape_cast %add3A_785 : vector<16xi32> to vector<16xi32>
      tpu.vector_store %arg10[%swap3A_786], %swap3A_789 {strides = array<i32>} : memref<3136xi32, #tpu.memory_space<vmem>>, vector<16xi32>,
      %jit3A_790 = arith.constant 1 : i32
      %jit3A_791 = arith.constant 0 : i32
      %select_n3A_792 = arith.select %eq3A_774, %jit3A_790, %jit3A_791 : i32
      %add3A_793 = arith.addi %add3A_761, %select_n3A_792 : i32
      %jit3A_794 = arith.constant 1 : i32
      %jit3A_795 = arith.constant 0 : i32
      %select_n3A_796 = arith.select %eq3A_776, %jit3A_794, %jit3A_795 : i32
      %add3A_797 = arith.addi %add3A_765, %select_n3A_796 : i32
      %or3A_798 = arith.ori %eq3A_774, %eq3A_776 : i1
      %jit3A_799 = arith.constant 0 : i32
      %jit3A_800 = arith.constant 1 : i32
      %select_n3A_801 = arith.select %or3A_798, %jit3A_799, %jit3A_800 : i32
      %add3A_802 = arith.addi %add3A_770, %select_n3A_801 : i32
      %slice3A_803 = vector.extract_strided_slice %select_n3A_355 {offsets = [14], sizes = [1], strides = [1]} : vector<16xi32> to vector<1xi32>
      %squeeze3A_804 = vector.extract %slice3A_803[0] : i32 from vector<1xi32>
      %eq3A_805 = arith.constant 0 : i32
      %eq3A_806 = arith.cmpi eq, %squeeze3A_804, %eq3A_805 : i32
      %eq3A_807 = arith.constant 1 : i32
      %eq3A_808 = arith.cmpi eq, %squeeze3A_804, %eq3A_807 : i32
      %select_n3A_809 = arith.select %eq3A_808, %add3A_797, %add3A_802 : i32
      %select_n3A_810 = arith.select %eq3A_806, %add3A_793, %select_n3A_809 : i32
      %mul3A_811 = arith.constant 1040 : i32
      %mul3A_812 = arith.muli %squeeze3A_804, %mul3A_811 : i32
      %add3A_813 = arith.addi %mul3A_812, %select_n3A_810 : i32
      %add3A_814 = arith.constant 14 : i32
      %add3A_815 = arith.addi %add3A_358, %add3A_814 : i32
      %add3A_816 = vector.broadcast %add3A_815 : i32 to vector<16xi32>
      %add3A_817 = arith.addi %broadcast_in_dim3A_30, %add3A_816 : vector<16xi32>
      %swap3A_818 = arith.index_cast %add3A_813 : i32 to index
      %swap3A_819 = tpu.vector_load %arg10[%swap3A_818] {strides = array<i32>} : memref<3136xi32, #tpu.memory_space<vmem>>, vector<16xi32>,
      %swap3A_820 = vector.shape_cast %swap3A_819 : vector<16xi32> to vector<16xi32>
      %swap3A_821 = vector.shape_cast %add3A_817 : vector<16xi32> to vector<16xi32>
      tpu.vector_store %arg10[%swap3A_818], %swap3A_821 {strides = array<i32>} : memref<3136xi32, #tpu.memory_space<vmem>>, vector<16xi32>,
      %jit3A_822 = arith.constant 1 : i32
      %jit3A_823 = arith.constant 0 : i32
      %select_n3A_824 = arith.select %eq3A_806, %jit3A_822, %jit3A_823 : i32
      %add3A_825 = arith.addi %add3A_793, %select_n3A_824 : i32
      %jit3A_826 = arith.constant 1 : i32
      %jit3A_827 = arith.constant 0 : i32
      %select_n3A_828 = arith.select %eq3A_808, %jit3A_826, %jit3A_827 : i32
      %add3A_829 = arith.addi %add3A_797, %select_n3A_828 : i32
      %or3A_830 = arith.ori %eq3A_806, %eq3A_808 : i1
      %jit3A_831 = arith.constant 0 : i32
      %jit3A_832 = arith.constant 1 : i32
      %select_n3A_833 = arith.select %or3A_830, %jit3A_831, %jit3A_832 : i32
      %add3A_834 = arith.addi %add3A_802, %select_n3A_833 : i32
      %slice3A_835 = vector.extract_strided_slice %select_n3A_355 {offsets = [15], sizes = [1], strides = [1]} : vector<16xi32> to vector<1xi32>
      %squeeze3A_836 = vector.extract %slice3A_835[0] : i32 from vector<1xi32>
      %eq3A_837 = arith.constant 0 : i32
      %eq3A_838 = arith.cmpi eq, %squeeze3A_836, %eq3A_837 : i32
      %eq3A_839 = arith.constant 1 : i32
      %eq3A_840 = arith.cmpi eq, %squeeze3A_836, %eq3A_839 : i32
      %select_n3A_841 = arith.select %eq3A_840, %add3A_829, %add3A_834 : i32
      %select_n3A_842 = arith.select %eq3A_838, %add3A_825, %select_n3A_841 : i32
      %mul3A_843 = arith.constant 1040 : i32
      %mul3A_844 = arith.muli %squeeze3A_836, %mul3A_843 : i32
      %add3A_845 = arith.addi %mul3A_844, %select_n3A_842 : i32
      %add3A_846 = arith.constant 15 : i32
      %add3A_847 = arith.addi %add3A_358, %add3A_846 : i32
      %add3A_848 = vector.broadcast %add3A_847 : i32 to vector<16xi32>
      %add3A_849 = arith.addi %broadcast_in_dim3A_30, %add3A_848 : vector<16xi32>
      %swap3A_850 = arith.index_cast %add3A_845 : i32 to index
      %swap3A_851 = tpu.vector_load %arg10[%swap3A_850] {strides = array<i32>} : memref<3136xi32, #tpu.memory_space<vmem>>, vector<16xi32>,
      %swap3A_852 = vector.shape_cast %swap3A_851 : vector<16xi32> to vector<16xi32>
      %swap3A_853 = vector.shape_cast %add3A_849 : vector<16xi32> to vector<16xi32>
      tpu.vector_store %arg10[%swap3A_850], %swap3A_853 {strides = array<i32>} : memref<3136xi32, #tpu.memory_space<vmem>>, vector<16xi32>,
      %jit3A_854 = arith.constant 1 : i32
      %jit3A_855 = arith.constant 0 : i32
      %select_n3A_856 = arith.select %eq3A_838, %jit3A_854, %jit3A_855 : i32
      %add3A_857 = arith.addi %add3A_825, %select_n3A_856 : i32
      %jit3A_858 = arith.constant 1 : i32
      %jit3A_859 = arith.constant 0 : i32
      %select_n3A_860 = arith.select %eq3A_840, %jit3A_858, %jit3A_859 : i32
      %add3A_861 = arith.addi %add3A_829, %select_n3A_860 : i32
      %or3A_862 = arith.ori %eq3A_838, %eq3A_840 : i1
      %jit3A_863 = arith.constant 0 : i32
      %jit3A_864 = arith.constant 1 : i32
      %select_n3A_865 = arith.select %or3A_862, %jit3A_863, %jit3A_864 : i32
      %add3A_866 = arith.addi %add3A_834, %select_n3A_865 : i32
      scf.yield %add3A_857, %add3A_861, %add3A_866 : i32, i32, i32
    }
    %scan3A_40 = arith.constant 32 : i32
    %jit3A_41 = arith.constant 8 : i32
    %eq3A_42 = arith.constant 0 : i32
    %eq3A_43 = arith.cmpi eq, %jit3A_41, %eq3A_42 : i32
    %jit3A_44 = arith.constant 1 : i32
    %select_n3A_45 = arith.select %eq3A_43, %jit3A_44, %jit3A_41 : i32
    %rem3A_46 = arith.remsi %add3A, %select_n3A_45 : i32
    %ne3A_47 = arith.constant 0 : i32
    %ne3A_48 = arith.cmpi ne, %rem3A_46, %ne3A_47 : i32
    %lt3A_49 = arith.constant 0 : i32
    %lt3A_50 = arith.cmpi slt, %rem3A_46, %lt3A_49 : i32
    %lt3A_51 = arith.constant 0 : i32
    %lt3A_52 = arith.cmpi slt, %select_n3A_45, %lt3A_51 : i32
    %ne3A_53 = arith.xori %lt3A_50, %lt3A_52 : i1
    %and3A_54 = arith.andi %ne3A_53, %ne3A_48 : i1
    %add3A_55 = arith.addi %rem3A_46, %select_n3A_45 : i32
    %select_n3A_56 = arith.select %and3A_54, %add3A_55, %rem3A_46 : i32
    %mul3A_57 = arith.constant 48 : i32
    %mul3A_58 = arith.muli %select_n3A_56, %mul3A_57 : i32
    %dma_wait3A_59 = arith.constant 0 : i32
    %dma_wait3A_60 = tpu.memref_slice %arg5[%mul3A_58, %dma_wait3A_59] : memref<384x1024xf32, #tpu.memory_space<hbm>> -> memref<48x1024xf32, #tpu.memory_space<hbm>>
    %dma_wait3A_61 = arith.constant 0 : i32
    %dma_wait3A_62 = tpu.memref_slice %arg5[%mul3A_58, %dma_wait3A_61] : memref<384x1024xf32, #tpu.memory_space<hbm>> -> memref<48x1024xf32, #tpu.memory_space<hbm>>
    tpu.wait_dma2 semaphore(%arg14 : memref<!tpu.dma_semaphore, #tpu.memory_space<semaphore_mem>>) src(%dma_wait3A_62 : memref<48x1024xf32, #tpu.memory_space<hbm>>) dst(%arg12 : memref<48x1024xf32, #tpu.memory_space<vmem>>)
    %jit3A_63 = arith.constant 16 : i32
    %div3A = arith.divsi %scan3A_39#0, %jit3A_63 : i32
    %sign3A = arith.constant 0 : i32
    %sign3A_64 = arith.cmpi sgt, %scan3A_39#0, %sign3A : i32
    %sign3A_65 = arith.extui %sign3A_64 : i1 to i32
    %sign3A_66 = arith.constant 0 : i32
    %sign3A_67 = arith.cmpi slt, %scan3A_39#0, %sign3A_66 : i32
    %sign3A_68 = arith.extui %sign3A_67 : i1 to i32
    %sign3A_69 = arith.subi %sign3A_65, %sign3A_68 : i32
    %sign3A_70 = arith.constant 0 : i32
    %sign3A_71 = arith.cmpi sgt, %jit3A_63, %sign3A_70 : i32
    %sign3A_72 = arith.extui %sign3A_71 : i1 to i32
    %sign3A_73 = arith.constant 0 : i32
    %sign3A_74 = arith.cmpi slt, %jit3A_63, %sign3A_73 : i32
    %sign3A_75 = arith.extui %sign3A_74 : i1 to i32
    %sign3A_76 = arith.subi %sign3A_72, %sign3A_75 : i32
    %ne3A_77 = arith.cmpi ne, %sign3A_69, %sign3A_76 : i32
    %rem3A_78 = arith.remsi %scan3A_39#0, %jit3A_63 : i32
    %ne3A_79 = arith.constant 0 : i32
    %ne3A_80 = arith.cmpi ne, %rem3A_78, %ne3A_79 : i32
    %and3A_81 = arith.andi %ne3A_77, %ne3A_80 : i1
    %sub3A = arith.constant 1 : i32
    %sub3A_82 = arith.subi %div3A, %sub3A : i32
    %select_n3A_83 = arith.select %and3A_81, %sub3A_82, %div3A : i32
    %gt3A = arith.constant 0 : i32
    %gt3A_84 = arith.cmpi sgt, %select_n3A_83, %gt3A : i32
    %convert_element_type3A = arith.extui %gt3A_84 : i1 to i32
    %cond3A = arith.constant 0 : i32
    %cond3A_85 = arith.cmpi ne, %convert_element_type3A, %cond3A : i32
    scf.if %cond3A_85 {
      %while3A_334 = arith.constant 0 : i32
      %while3A_335 = arith.constant 0 : i32
      %while3A_336 = arith.subi %select_n3A_83, %while3A_335 : i32
      %while3A_337 = arith.addi %while3A_335, %while3A_336 : i32
      %while3A_338 = arith.constant 1 : i32
      %while3A_339 = arith.divsi %while3A_336, %while3A_338 : i32
      %while3A_340 = arith.muli %while3A_339, %while3A_338 : i32
      %while3A_341 = arith.addi %while3A_335, %while3A_340 : i32
      %while3A_342 = arith.constant 1 : i32
      scf.for %while3A_354 = %while3A_335 to %while3A_341 step %while3A_342  : i32 {
        %mul3A_355 = arith.constant 16 : i32
        %mul3A_356 = arith.muli %while3A_354, %mul3A_355 : i32
        %add3A_357 = arith.constant 0 : i32
        %add3A_358 = arith.addi %add3A_357, %mul3A_356 : i32
        %get3A = arith.index_cast %add3A_358 : i32 to index
        %get3A_359 = tpu.vector_load %arg10[%get3A] {strides = array<i32>} : memref<3136xi32, #tpu.memory_space<vmem>>, vector<16xi32>,
        %get3A_360 = vector.shape_cast %get3A_359 : vector<16xi32> to vector<16xi32>
        %add3A_361 = arith.constant 0 : i32
        %add3A_362 = arith.addi %add3A_361, %while3A_354 : i32
        %swap3A = arith.index_cast %add3A_362 : i32 to index
        %swap3A_363 = arith.constant 0 : index
        %swap3A_364 = tpu.vector_load %arg11[%swap3A, %swap3A_363] {strides = array<i32>} : memref<195x16xi32, #tpu.memory_space<vmem>>, vector<1x16xi32>,
        %swap3A_365 = vector.shape_cast %swap3A_364 : vector<1x16xi32> to vector<16xi32>
        %swap3A_366 = vector.shape_cast %get3A_360 : vector<16xi32> to vector<1x16xi32>
        tpu.vector_store %arg11[%swap3A, %swap3A_363], %swap3A_366 {strides = array<i32>} : memref<195x16xi32, #tpu.memory_space<vmem>>, vector<1x16xi32>,
      }
      %while3A_343 = arith.constant 1 : i32
      scf.for %while3A_354 = %while3A_341 to %while3A_337 step %while3A_343  : i32 {
        %mul3A_355 = arith.constant 16 : i32
        %mul3A_356 = arith.muli %while3A_354, %mul3A_355 : i32
        %add3A_357 = arith.constant 0 : i32
        %add3A_358 = arith.addi %add3A_357, %mul3A_356 : i32
        %get3A = arith.index_cast %add3A_358 : i32 to index
        %get3A_359 = tpu.vector_load %arg10[%get3A] {strides = array<i32>} : memref<3136xi32, #tpu.memory_space<vmem>>, vector<16xi32>,
        %get3A_360 = vector.shape_cast %get3A_359 : vector<16xi32> to vector<16xi32>
        %add3A_361 = arith.constant 0 : i32
        %add3A_362 = arith.addi %add3A_361, %while3A_354 : i32
        %swap3A = arith.index_cast %add3A_362 : i32 to index
        %swap3A_363 = arith.constant 0 : index
        %swap3A_364 = tpu.vector_load %arg11[%swap3A, %swap3A_363] {strides = array<i32>} : memref<195x16xi32, #tpu.memory_space<vmem>>, vector<1x16xi32>,
        %swap3A_365 = vector.shape_cast %swap3A_364 : vector<1x16xi32> to vector<16xi32>
        %swap3A_366 = vector.shape_cast %get3A_360 : vector<16xi32> to vector<1x16xi32>
        tpu.vector_store %arg11[%swap3A, %swap3A_363], %swap3A_366 {strides = array<i32>} : memref<195x16xi32, #tpu.memory_space<vmem>>, vector<1x16xi32>,
      }
      %while3A_344 = arith.constant 0 : i32
      %while3A_345 = arith.constant 0 : i32
      %while3A_346 = arith.subi %select_n3A_83, %while3A_345 : i32
      %while3A_347 = arith.addi %while3A_345, %while3A_346 : i32
      %while3A_348 = arith.constant 1 : i32
      %while3A_349 = arith.divsi %while3A_346, %while3A_348 : i32
      %while3A_350 = arith.muli %while3A_349, %while3A_348 : i32
      %while3A_351 = arith.addi %while3A_345, %while3A_350 : i32
      %while3A_352 = arith.constant 1 : i32
      scf.for %while3A_354 = %while3A_345 to %while3A_351 step %while3A_352  : i32 {
        %add3A_355 = arith.constant 0 : i32
        %add3A_356 = arith.addi %add3A_355, %while3A_354 : i32
        %dma_start3A_357 = arith.constant 0 : i32
        %dma_start3A_358 = arith.constant 0 : i32
        %dma_start3A_359 = tpu.memref_slice %arg12[%dma_start3A_357, %dma_start3A_358] : memref<48x1024xf32, #tpu.memory_space<vmem>> -> memref<16x1024xf32, #tpu.memory_space<vmem>>
        %dma_start3A_360 = arith.constant 0 : i32
        %dma_start3A_361 = tpu.memref_slice %arg11[%add3A_356, %dma_start3A_360] : memref<195x16xi32, #tpu.memory_space<vmem>> -> memref<1x16xi32, #tpu.memory_space<vmem>>
        %dma_start3A_362 = tpu.memref_squeeze %dma_start3A_361 : memref<1x16xi32, #tpu.memory_space<vmem>> -> memref<16xi32, #tpu.memory_space<vmem>>
        %dma_start3A_363 = arith.constant 0 : i32
        %dma_start3A_364 = arith.constant 0 : i32
        %dma_start3A_365 = tpu.memref_slice %arg6[%dma_start3A_363, %dma_start3A_364] : memref<32768x1024xf32, #tpu.memory_space<hbm>> -> memref<32768x1024xf32, #tpu.memory_space<hbm>>
        tpu.enqueue_indirect_dma source(%dma_start3A_359 : memref<16x1024xf32, #tpu.memory_space<vmem>>) target(%dma_start3A_365 : memref<32768x1024xf32, #tpu.memory_space<hbm>>) offsets(%dma_start3A_362 : memref<16xi32, #tpu.memory_space<vmem>>) semaphore(%arg13 : memref<!tpu.dma_semaphore, #tpu.memory_space<semaphore_mem>>)
      }
      %while3A_353 = arith.constant 1 : i32
      scf.for %while3A_354 = %while3A_351 to %while3A_347 step %while3A_353  : i32 {
        %add3A_355 = arith.constant 0 : i32
        %add3A_356 = arith.addi %add3A_355, %while3A_354 : i32
        %dma_start3A_357 = arith.constant 0 : i32
        %dma_start3A_358 = arith.constant 0 : i32
        %dma_start3A_359 = tpu.memref_slice %arg12[%dma_start3A_357, %dma_start3A_358] : memref<48x1024xf32, #tpu.memory_space<vmem>> -> memref<16x1024xf32, #tpu.memory_space<vmem>>
        %dma_start3A_360 = arith.constant 0 : i32
        %dma_start3A_361 = tpu.memref_slice %arg11[%add3A_356, %dma_start3A_360] : memref<195x16xi32, #tpu.memory_space<vmem>> -> memref<1x16xi32, #tpu.memory_space<vmem>>
        %dma_start3A_362 = tpu.memref_squeeze %dma_start3A_361 : memref<1x16xi32, #tpu.memory_space<vmem>> -> memref<16xi32, #tpu.memory_space<vmem>>
        %dma_start3A_363 = arith.constant 0 : i32
        %dma_start3A_364 = arith.constant 0 : i32
        %dma_start3A_365 = tpu.memref_slice %arg6[%dma_start3A_363, %dma_start3A_364] : memref<32768x1024xf32, #tpu.memory_space<hbm>> -> memref<32768x1024xf32, #tpu.memory_space<hbm>>
        tpu.enqueue_indirect_dma source(%dma_start3A_359 : memref<16x1024xf32, #tpu.memory_space<vmem>>) target(%dma_start3A_365 : memref<32768x1024xf32, #tpu.memory_space<hbm>>) offsets(%dma_start3A_362 : memref<16xi32, #tpu.memory_space<vmem>>) semaphore(%arg13 : memref<!tpu.dma_semaphore, #tpu.memory_space<semaphore_mem>>)
      }
    } else {
    }
    %jit3A_86 = arith.constant 16 : i32
    %div3A_87 = arith.divsi %scan3A_39#1, %jit3A_86 : i32
    %sign3A_88 = arith.constant 0 : i32
    %sign3A_89 = arith.cmpi sgt, %scan3A_39#1, %sign3A_88 : i32
    %sign3A_90 = arith.extui %sign3A_89 : i1 to i32
    %sign3A_91 = arith.constant 0 : i32
    %sign3A_92 = arith.cmpi slt, %scan3A_39#1, %sign3A_91 : i32
    %sign3A_93 = arith.extui %sign3A_92 : i1 to i32
    %sign3A_94 = arith.subi %sign3A_90, %sign3A_93 : i32
    %sign3A_95 = arith.constant 0 : i32
    %sign3A_96 = arith.cmpi sgt, %jit3A_86, %sign3A_95 : i32
    %sign3A_97 = arith.extui %sign3A_96 : i1 to i32
    %sign3A_98 = arith.constant 0 : i32
    %sign3A_99 = arith.cmpi slt, %jit3A_86, %sign3A_98 : i32
    %sign3A_100 = arith.extui %sign3A_99 : i1 to i32
    %sign3A_101 = arith.subi %sign3A_97, %sign3A_100 : i32
    %ne3A_102 = arith.cmpi ne, %sign3A_94, %sign3A_101 : i32
    %rem3A_103 = arith.remsi %scan3A_39#1, %jit3A_86 : i32
    %ne3A_104 = arith.constant 0 : i32
    %ne3A_105 = arith.cmpi ne, %rem3A_103, %ne3A_104 : i32
    %and3A_106 = arith.andi %ne3A_102, %ne3A_105 : i1
    %sub3A_107 = arith.constant 1 : i32
    %sub3A_108 = arith.subi %div3A_87, %sub3A_107 : i32
    %select_n3A_109 = arith.select %and3A_106, %sub3A_108, %div3A_87 : i32
    %gt3A_110 = arith.constant 0 : i32
    %gt3A_111 = arith.cmpi sgt, %select_n3A_109, %gt3A_110 : i32
    %convert_element_type3A_112 = arith.extui %gt3A_111 : i1 to i32
    %cond3A_113 = arith.constant 0 : i32
    %cond3A_114 = arith.cmpi ne, %convert_element_type3A_112, %cond3A_113 : i32
    scf.if %cond3A_114 {
      %while3A_334 = arith.constant 0 : i32
      %while3A_335 = arith.constant 0 : i32
      %while3A_336 = arith.subi %select_n3A_109, %while3A_335 : i32
      %while3A_337 = arith.addi %while3A_335, %while3A_336 : i32
      %while3A_338 = arith.constant 1 : i32
      %while3A_339 = arith.divsi %while3A_336, %while3A_338 : i32
      %while3A_340 = arith.muli %while3A_339, %while3A_338 : i32
      %while3A_341 = arith.addi %while3A_335, %while3A_340 : i32
      %while3A_342 = arith.constant 1 : i32
      scf.for %while3A_354 = %while3A_335 to %while3A_341 step %while3A_342  : i32 {
        %mul3A_355 = arith.constant 16 : i32
        %mul3A_356 = arith.muli %while3A_354, %mul3A_355 : i32
        %add3A_357 = arith.constant 1040 : i32
        %add3A_358 = arith.addi %add3A_357, %mul3A_356 : i32
        %get3A = arith.index_cast %add3A_358 : i32 to index
        %get3A_359 = tpu.vector_load %arg10[%get3A] {strides = array<i32>} : memref<3136xi32, #tpu.memory_space<vmem>>, vector<16xi32>,
        %get3A_360 = vector.shape_cast %get3A_359 : vector<16xi32> to vector<16xi32>
        %add3A_361 = arith.constant 65 : i32
        %add3A_362 = arith.addi %add3A_361, %while3A_354 : i32
        %swap3A = arith.index_cast %add3A_362 : i32 to index
        %swap3A_363 = arith.constant 0 : index
        %swap3A_364 = tpu.vector_load %arg11[%swap3A, %swap3A_363] {strides = array<i32>} : memref<195x16xi32, #tpu.memory_space<vmem>>, vector<1x16xi32>,
        %swap3A_365 = vector.shape_cast %swap3A_364 : vector<1x16xi32> to vector<16xi32>
        %swap3A_366 = vector.shape_cast %get3A_360 : vector<16xi32> to vector<1x16xi32>
        tpu.vector_store %arg11[%swap3A, %swap3A_363], %swap3A_366 {strides = array<i32>} : memref<195x16xi32, #tpu.memory_space<vmem>>, vector<1x16xi32>,
      }
      %while3A_343 = arith.constant 1 : i32
      scf.for %while3A_354 = %while3A_341 to %while3A_337 step %while3A_343  : i32 {
        %mul3A_355 = arith.constant 16 : i32
        %mul3A_356 = arith.muli %while3A_354, %mul3A_355 : i32
        %add3A_357 = arith.constant 1040 : i32
        %add3A_358 = arith.addi %add3A_357, %mul3A_356 : i32
        %get3A = arith.index_cast %add3A_358 : i32 to index
        %get3A_359 = tpu.vector_load %arg10[%get3A] {strides = array<i32>} : memref<3136xi32, #tpu.memory_space<vmem>>, vector<16xi32>,
        %get3A_360 = vector.shape_cast %get3A_359 : vector<16xi32> to vector<16xi32>
        %add3A_361 = arith.constant 65 : i32
        %add3A_362 = arith.addi %add3A_361, %while3A_354 : i32
        %swap3A = arith.index_cast %add3A_362 : i32 to index
        %swap3A_363 = arith.constant 0 : index
        %swap3A_364 = tpu.vector_load %arg11[%swap3A, %swap3A_363] {strides = array<i32>} : memref<195x16xi32, #tpu.memory_space<vmem>>, vector<1x16xi32>,
        %swap3A_365 = vector.shape_cast %swap3A_364 : vector<1x16xi32> to vector<16xi32>
        %swap3A_366 = vector.shape_cast %get3A_360 : vector<16xi32> to vector<1x16xi32>
        tpu.vector_store %arg11[%swap3A, %swap3A_363], %swap3A_366 {strides = array<i32>} : memref<195x16xi32, #tpu.memory_space<vmem>>, vector<1x16xi32>,
      }
      %while3A_344 = arith.constant 0 : i32
      %while3A_345 = arith.constant 0 : i32
      %while3A_346 = arith.subi %select_n3A_109, %while3A_345 : i32
      %while3A_347 = arith.addi %while3A_345, %while3A_346 : i32
      %while3A_348 = arith.constant 1 : i32
      %while3A_349 = arith.divsi %while3A_346, %while3A_348 : i32
      %while3A_350 = arith.muli %while3A_349, %while3A_348 : i32
      %while3A_351 = arith.addi %while3A_345, %while3A_350 : i32
      %while3A_352 = arith.constant 1 : i32
      scf.for %while3A_354 = %while3A_345 to %while3A_351 step %while3A_352  : i32 {
        %add3A_355 = arith.constant 65 : i32
        %add3A_356 = arith.addi %add3A_355, %while3A_354 : i32
        %dma_start3A_357 = arith.constant 16 : i32
        %dma_start3A_358 = arith.constant 0 : i32
        %dma_start3A_359 = tpu.memref_slice %arg12[%dma_start3A_357, %dma_start3A_358] : memref<48x1024xf32, #tpu.memory_space<vmem>> -> memref<16x1024xf32, #tpu.memory_space<vmem>>
        %dma_start3A_360 = arith.constant 0 : i32
        %dma_start3A_361 = tpu.memref_slice %arg11[%add3A_356, %dma_start3A_360] : memref<195x16xi32, #tpu.memory_space<vmem>> -> memref<1x16xi32, #tpu.memory_space<vmem>>
        %dma_start3A_362 = tpu.memref_squeeze %dma_start3A_361 : memref<1x16xi32, #tpu.memory_space<vmem>> -> memref<16xi32, #tpu.memory_space<vmem>>
        %dma_start3A_363 = arith.constant 0 : i32
        %dma_start3A_364 = arith.constant 0 : i32
        %dma_start3A_365 = tpu.memref_slice %arg6[%dma_start3A_363, %dma_start3A_364] : memref<32768x1024xf32, #tpu.memory_space<hbm>> -> memref<32768x1024xf32, #tpu.memory_space<hbm>>
        tpu.enqueue_indirect_dma source(%dma_start3A_359 : memref<16x1024xf32, #tpu.memory_space<vmem>>) target(%dma_start3A_365 : memref<32768x1024xf32, #tpu.memory_space<hbm>>) offsets(%dma_start3A_362 : memref<16xi32, #tpu.memory_space<vmem>>) semaphore(%arg13 : memref<!tpu.dma_semaphore, #tpu.memory_space<semaphore_mem>>)
      }
      %while3A_353 = arith.constant 1 : i32
      scf.for %while3A_354 = %while3A_351 to %while3A_347 step %while3A_353  : i32 {
        %add3A_355 = arith.constant 65 : i32
        %add3A_356 = arith.addi %add3A_355, %while3A_354 : i32
        %dma_start3A_357 = arith.constant 16 : i32
        %dma_start3A_358 = arith.constant 0 : i32
        %dma_start3A_359 = tpu.memref_slice %arg12[%dma_start3A_357, %dma_start3A_358] : memref<48x1024xf32, #tpu.memory_space<vmem>> -> memref<16x1024xf32, #tpu.memory_space<vmem>>
        %dma_start3A_360 = arith.constant 0 : i32
        %dma_start3A_361 = tpu.memref_slice %arg11[%add3A_356, %dma_start3A_360] : memref<195x16xi32, #tpu.memory_space<vmem>> -> memref<1x16xi32, #tpu.memory_space<vmem>>
        %dma_start3A_362 = tpu.memref_squeeze %dma_start3A_361 : memref<1x16xi32, #tpu.memory_space<vmem>> -> memref<16xi32, #tpu.memory_space<vmem>>
        %dma_start3A_363 = arith.constant 0 : i32
        %dma_start3A_364 = arith.constant 0 : i32
        %dma_start3A_365 = tpu.memref_slice %arg6[%dma_start3A_363, %dma_start3A_364] : memref<32768x1024xf32, #tpu.memory_space<hbm>> -> memref<32768x1024xf32, #tpu.memory_space<hbm>>
        tpu.enqueue_indirect_dma source(%dma_start3A_359 : memref<16x1024xf32, #tpu.memory_space<vmem>>) target(%dma_start3A_365 : memref<32768x1024xf32, #tpu.memory_space<hbm>>) offsets(%dma_start3A_362 : memref<16xi32, #tpu.memory_space<vmem>>) semaphore(%arg13 : memref<!tpu.dma_semaphore, #tpu.memory_space<semaphore_mem>>)
      }
    } else {
    }
    %jit3A_115 = arith.constant 16 : i32
    %div3A_116 = arith.divsi %scan3A_39#2, %jit3A_115 : i32
    %sign3A_117 = arith.constant 0 : i32
    %sign3A_118 = arith.cmpi sgt, %scan3A_39#2, %sign3A_117 : i32
    %sign3A_119 = arith.extui %sign3A_118 : i1 to i32
    %sign3A_120 = arith.constant 0 : i32
    %sign3A_121 = arith.cmpi slt, %scan3A_39#2, %sign3A_120 : i32
    %sign3A_122 = arith.extui %sign3A_121 : i1 to i32
    %sign3A_123 = arith.subi %sign3A_119, %sign3A_122 : i32
    %sign3A_124 = arith.constant 0 : i32
    %sign3A_125 = arith.cmpi sgt, %jit3A_115, %sign3A_124 : i32
    %sign3A_126 = arith.extui %sign3A_125 : i1 to i32
    %sign3A_127 = arith.constant 0 : i32
    %sign3A_128 = arith.cmpi slt, %jit3A_115, %sign3A_127 : i32
    %sign3A_129 = arith.extui %sign3A_128 : i1 to i32
    %sign3A_130 = arith.subi %sign3A_126, %sign3A_129 : i32
    %ne3A_131 = arith.cmpi ne, %sign3A_123, %sign3A_130 : i32
    %rem3A_132 = arith.remsi %scan3A_39#2, %jit3A_115 : i32
    %ne3A_133 = arith.constant 0 : i32
    %ne3A_134 = arith.cmpi ne, %rem3A_132, %ne3A_133 : i32
    %and3A_135 = arith.andi %ne3A_131, %ne3A_134 : i1
    %sub3A_136 = arith.constant 1 : i32
    %sub3A_137 = arith.subi %div3A_116, %sub3A_136 : i32
    %select_n3A_138 = arith.select %and3A_135, %sub3A_137, %div3A_116 : i32
    %gt3A_139 = arith.constant 0 : i32
    %gt3A_140 = arith.cmpi sgt, %select_n3A_138, %gt3A_139 : i32
    %convert_element_type3A_141 = arith.extui %gt3A_140 : i1 to i32
    %cond3A_142 = arith.constant 0 : i32
    %cond3A_143 = arith.cmpi ne, %convert_element_type3A_141, %cond3A_142 : i32
    scf.if %cond3A_143 {
      %while3A_334 = arith.constant 0 : i32
      %while3A_335 = arith.constant 0 : i32
      %while3A_336 = arith.subi %select_n3A_138, %while3A_335 : i32
      %while3A_337 = arith.addi %while3A_335, %while3A_336 : i32
      %while3A_338 = arith.constant 1 : i32
      %while3A_339 = arith.divsi %while3A_336, %while3A_338 : i32
      %while3A_340 = arith.muli %while3A_339, %while3A_338 : i32
      %while3A_341 = arith.addi %while3A_335, %while3A_340 : i32
      %while3A_342 = arith.constant 1 : i32
      scf.for %while3A_354 = %while3A_335 to %while3A_341 step %while3A_342  : i32 {
        %mul3A_355 = arith.constant 16 : i32
        %mul3A_356 = arith.muli %while3A_354, %mul3A_355 : i32
        %add3A_357 = arith.constant 2080 : i32
        %add3A_358 = arith.addi %add3A_357, %mul3A_356 : i32
        %get3A = arith.index_cast %add3A_358 : i32 to index
        %get3A_359 = tpu.vector_load %arg10[%get3A] {strides = array<i32>} : memref<3136xi32, #tpu.memory_space<vmem>>, vector<16xi32>,
        %get3A_360 = vector.shape_cast %get3A_359 : vector<16xi32> to vector<16xi32>
        %add3A_361 = arith.constant 130 : i32
        %add3A_362 = arith.addi %add3A_361, %while3A_354 : i32
        %swap3A = arith.index_cast %add3A_362 : i32 to index
        %swap3A_363 = arith.constant 0 : index
        %swap3A_364 = tpu.vector_load %arg11[%swap3A, %swap3A_363] {strides = array<i32>} : memref<195x16xi32, #tpu.memory_space<vmem>>, vector<1x16xi32>,
        %swap3A_365 = vector.shape_cast %swap3A_364 : vector<1x16xi32> to vector<16xi32>
        %swap3A_366 = vector.shape_cast %get3A_360 : vector<16xi32> to vector<1x16xi32>
        tpu.vector_store %arg11[%swap3A, %swap3A_363], %swap3A_366 {strides = array<i32>} : memref<195x16xi32, #tpu.memory_space<vmem>>, vector<1x16xi32>,
      }
      %while3A_343 = arith.constant 1 : i32
      scf.for %while3A_354 = %while3A_341 to %while3A_337 step %while3A_343  : i32 {
        %mul3A_355 = arith.constant 16 : i32
        %mul3A_356 = arith.muli %while3A_354, %mul3A_355 : i32
        %add3A_357 = arith.constant 2080 : i32
        %add3A_358 = arith.addi %add3A_357, %mul3A_356 : i32
        %get3A = arith.index_cast %add3A_358 : i32 to index
        %get3A_359 = tpu.vector_load %arg10[%get3A] {strides = array<i32>} : memref<3136xi32, #tpu.memory_space<vmem>>, vector<16xi32>,
        %get3A_360 = vector.shape_cast %get3A_359 : vector<16xi32> to vector<16xi32>
        %add3A_361 = arith.constant 130 : i32
        %add3A_362 = arith.addi %add3A_361, %while3A_354 : i32
        %swap3A = arith.index_cast %add3A_362 : i32 to index
        %swap3A_363 = arith.constant 0 : index
        %swap3A_364 = tpu.vector_load %arg11[%swap3A, %swap3A_363] {strides = array<i32>} : memref<195x16xi32, #tpu.memory_space<vmem>>, vector<1x16xi32>,
        %swap3A_365 = vector.shape_cast %swap3A_364 : vector<1x16xi32> to vector<16xi32>
        %swap3A_366 = vector.shape_cast %get3A_360 : vector<16xi32> to vector<1x16xi32>
        tpu.vector_store %arg11[%swap3A, %swap3A_363], %swap3A_366 {strides = array<i32>} : memref<195x16xi32, #tpu.memory_space<vmem>>, vector<1x16xi32>,
      }
      %while3A_344 = arith.constant 0 : i32
      %while3A_345 = arith.constant 0 : i32
      %while3A_346 = arith.subi %select_n3A_138, %while3A_345 : i32
      %while3A_347 = arith.addi %while3A_345, %while3A_346 : i32
      %while3A_348 = arith.constant 1 : i32
      %while3A_349 = arith.divsi %while3A_346, %while3A_348 : i32
      %while3A_350 = arith.muli %while3A_349, %while3A_348 : i32
      %while3A_351 = arith.addi %while3A_345, %while3A_350 : i32
      %while3A_352 = arith.constant 1 : i32
      scf.for %while3A_354 = %while3A_345 to %while3A_351 step %while3A_352  : i32 {
        %add3A_355 = arith.constant 130 : i32
        %add3A_356 = arith.addi %add3A_355, %while3A_354 : i32
        %dma_start3A_357 = arith.constant 32 : i32
        %dma_start3A_358 = arith.constant 0 : i32
        %dma_start3A_359 = tpu.memref_slice %arg12[%dma_start3A_357, %dma_start3A_358] : memref<48x1024xf32, #tpu.memory_space<vmem>> -> memref<16x1024xf32, #tpu.memory_space<vmem>>
        %dma_start3A_360 = arith.constant 0 : i32
        %dma_start3A_361 = tpu.memref_slice %arg11[%add3A_356, %dma_start3A_360] : memref<195x16xi32, #tpu.memory_space<vmem>> -> memref<1x16xi32, #tpu.memory_space<vmem>>
        %dma_start3A_362 = tpu.memref_squeeze %dma_start3A_361 : memref<1x16xi32, #tpu.memory_space<vmem>> -> memref<16xi32, #tpu.memory_space<vmem>>
        %dma_start3A_363 = arith.constant 0 : i32
        %dma_start3A_364 = arith.constant 0 : i32
        %dma_start3A_365 = tpu.memref_slice %arg6[%dma_start3A_363, %dma_start3A_364] : memref<32768x1024xf32, #tpu.memory_space<hbm>> -> memref<32768x1024xf32, #tpu.memory_space<hbm>>
        tpu.enqueue_indirect_dma source(%dma_start3A_359 : memref<16x1024xf32, #tpu.memory_space<vmem>>) target(%dma_start3A_365 : memref<32768x1024xf32, #tpu.memory_space<hbm>>) offsets(%dma_start3A_362 : memref<16xi32, #tpu.memory_space<vmem>>) semaphore(%arg13 : memref<!tpu.dma_semaphore, #tpu.memory_space<semaphore_mem>>)
      }
      %while3A_353 = arith.constant 1 : i32
      scf.for %while3A_354 = %while3A_351 to %while3A_347 step %while3A_353  : i32 {
        %add3A_355 = arith.constant 130 : i32
        %add3A_356 = arith.addi %add3A_355, %while3A_354 : i32
        %dma_start3A_357 = arith.constant 32 : i32
        %dma_start3A_358 = arith.constant 0 : i32
        %dma_start3A_359 = tpu.memref_slice %arg12[%dma_start3A_357, %dma_start3A_358] : memref<48x1024xf32, #tpu.memory_space<vmem>> -> memref<16x1024xf32, #tpu.memory_space<vmem>>
        %dma_start3A_360 = arith.constant 0 : i32
        %dma_start3A_361 = tpu.memref_slice %arg11[%add3A_356, %dma_start3A_360] : memref<195x16xi32, #tpu.memory_space<vmem>> -> memref<1x16xi32, #tpu.memory_space<vmem>>
        %dma_start3A_362 = tpu.memref_squeeze %dma_start3A_361 : memref<1x16xi32, #tpu.memory_space<vmem>> -> memref<16xi32, #tpu.memory_space<vmem>>
        %dma_start3A_363 = arith.constant 0 : i32
        %dma_start3A_364 = arith.constant 0 : i32
        %dma_start3A_365 = tpu.memref_slice %arg6[%dma_start3A_363, %dma_start3A_364] : memref<32768x1024xf32, #tpu.memory_space<hbm>> -> memref<32768x1024xf32, #tpu.memory_space<hbm>>
        tpu.enqueue_indirect_dma source(%dma_start3A_359 : memref<16x1024xf32, #tpu.memory_space<vmem>>) target(%dma_start3A_365 : memref<32768x1024xf32, #tpu.memory_space<hbm>>) offsets(%dma_start3A_362 : memref<16xi32, #tpu.memory_space<vmem>>) semaphore(%arg13 : memref<!tpu.dma_semaphore, #tpu.memory_space<semaphore_mem>>)
      }
    } else {
    }
    %scan3A_144 = arith.constant 32 : i32
    %scan3A_145 = arith.constant 32 : i32
    %scan3A_146 = arith.addi %scan3A_144, %scan3A_145 : i32
    %scan3A_147 = arith.constant 1 : i32
    %scan3A_148:3 = scf.for %scan3A_334 = %scan3A_144 to %scan3A_146 step %scan3A_147 iter_args(%scan3A_335 = %scan3A_39#0, %scan3A_336 = %scan3A_39#1, %scan3A_337 = %scan3A_39#2) -> (i32, i32, i32)  : i32 {
      %mul3A_338 = arith.constant 16 : i32
      %mul3A_339 = arith.muli %scan3A_334, %mul3A_338 : i32
      %get3A = arith.index_cast %mul3A_339 : i32 to index
      %get3A_340 = tpu.vector_load %arg7[%get3A] {strides = array<i32>} : memref<1024xf32, #tpu.memory_space<vmem>>, vector<16xf32>,
      %get3A_341 = vector.shape_cast %get3A_340 : vector<16xf32> to vector<16xf32>
      %mul3A_342 = arith.constant 16 : i32
      %mul3A_343 = arith.muli %scan3A_334, %mul3A_342 : i32
      %get3A_344 = arith.index_cast %mul3A_343 : i32 to index
      %get3A_345 = tpu.vector_load %arg8[%get3A_344] {strides = array<i32>} : memref<1024xf32, #tpu.memory_space<vmem>>, vector<16xf32>,
      %get3A_346 = vector.shape_cast %get3A_345 : vector<16xf32> to vector<16xf32>
      %mul3A_347 = arith.constant 16 : i32
      %mul3A_348 = arith.muli %scan3A_334, %mul3A_347 : i32
      %get3A_349 = arith.index_cast %mul3A_348 : i32 to index
      %get3A_350 = tpu.vector_load %arg9[%get3A_349] {strides = array<i32>} : memref<1024xf32, #tpu.memory_space<vmem>>, vector<16xf32>,
      %get3A_351 = vector.shape_cast %get3A_350 : vector<16xf32> to vector<16xf32>
      %gt3A_352 = arith.cmpf ogt, %get3A_346, %get3A_341 : vector<16xf32>
      %select_n3A_353 = arith.select %gt3A_352, %broadcast_in_dim3A_28, %broadcast_in_dim3A_30 : vector<16xi1>, vector<16xi32>
      %max3A = arith.maximumf %get3A_341, %get3A_346 : vector<16xf32>
      %gt3A_354 = arith.cmpf ogt, %get3A_351, %max3A : vector<16xf32>
      %select_n3A_355 = arith.select %gt3A_354, %broadcast_in_dim3A_32, %select_n3A_353 : vector<16xi1>, vector<16xi32>
      %mul3A_356 = arith.constant 16 : i32
      %mul3A_357 = arith.muli %scan3A_334, %mul3A_356 : i32
      %add3A_358 = arith.addi %mul3A_2, %mul3A_357 : i32
      %slice3A = vector.extract_strided_slice %select_n3A_355 {offsets = [0], sizes = [1], strides = [1]} : vector<16xi32> to vector<1xi32>
      %squeeze3A = vector.extract %slice3A[0] : i32 from vector<1xi32>
      %eq3A_359 = arith.constant 0 : i32
      %eq3A_360 = arith.cmpi eq, %squeeze3A, %eq3A_359 : i32
      %eq3A_361 = arith.constant 1 : i32
      %eq3A_362 = arith.cmpi eq, %squeeze3A, %eq3A_361 : i32
      %select_n3A_363 = arith.select %eq3A_362, %scan3A_336, %scan3A_337 : i32
      %select_n3A_364 = arith.select %eq3A_360, %scan3A_335, %select_n3A_363 : i32
      %mul3A_365 = arith.constant 1040 : i32
      %mul3A_366 = arith.muli %squeeze3A, %mul3A_365 : i32
      %add3A_367 = arith.addi %mul3A_366, %select_n3A_364 : i32
      %add3A_368 = arith.constant 0 : i32
      %add3A_369 = arith.addi %add3A_358, %add3A_368 : i32
      %add3A_370 = vector.broadcast %add3A_369 : i32 to vector<16xi32>
      %add3A_371 = arith.addi %broadcast_in_dim3A_30, %add3A_370 : vector<16xi32>
      %swap3A = arith.index_cast %add3A_367 : i32 to index
      %swap3A_372 = tpu.vector_load %arg10[%swap3A] {strides = array<i32>} : memref<3136xi32, #tpu.memory_space<vmem>>, vector<16xi32>,
      %swap3A_373 = vector.shape_cast %swap3A_372 : vector<16xi32> to vector<16xi32>
      %swap3A_374 = vector.shape_cast %add3A_371 : vector<16xi32> to vector<16xi32>
      tpu.vector_store %arg10[%swap3A], %swap3A_374 {strides = array<i32>} : memref<3136xi32, #tpu.memory_space<vmem>>, vector<16xi32>,
      %jit3A_375 = arith.constant 1 : i32
      %jit3A_376 = arith.constant 0 : i32
      %select_n3A_377 = arith.select %eq3A_360, %jit3A_375, %jit3A_376 : i32
      %add3A_378 = arith.addi %scan3A_335, %select_n3A_377 : i32
      %jit3A_379 = arith.constant 1 : i32
      %jit3A_380 = arith.constant 0 : i32
      %select_n3A_381 = arith.select %eq3A_362, %jit3A_379, %jit3A_380 : i32
      %add3A_382 = arith.addi %scan3A_336, %select_n3A_381 : i32
      %or3A = arith.ori %eq3A_360, %eq3A_362 : i1
      %jit3A_383 = arith.constant 0 : i32
      %jit3A_384 = arith.constant 1 : i32
      %select_n3A_385 = arith.select %or3A, %jit3A_383, %jit3A_384 : i32
      %add3A_386 = arith.addi %scan3A_337, %select_n3A_385 : i32
      %slice3A_387 = vector.extract_strided_slice %select_n3A_355 {offsets = [1], sizes = [1], strides = [1]} : vector<16xi32> to vector<1xi32>
      %squeeze3A_388 = vector.extract %slice3A_387[0] : i32 from vector<1xi32>
      %eq3A_389 = arith.constant 0 : i32
      %eq3A_390 = arith.cmpi eq, %squeeze3A_388, %eq3A_389 : i32
      %eq3A_391 = arith.constant 1 : i32
      %eq3A_392 = arith.cmpi eq, %squeeze3A_388, %eq3A_391 : i32
      %select_n3A_393 = arith.select %eq3A_392, %add3A_382, %add3A_386 : i32
      %select_n3A_394 = arith.select %eq3A_390, %add3A_378, %select_n3A_393 : i32
      %mul3A_395 = arith.constant 1040 : i32
      %mul3A_396 = arith.muli %squeeze3A_388, %mul3A_395 : i32
      %add3A_397 = arith.addi %mul3A_396, %select_n3A_394 : i32
      %add3A_398 = arith.constant 1 : i32
      %add3A_399 = arith.addi %add3A_358, %add3A_398 : i32
      %add3A_400 = vector.broadcast %add3A_399 : i32 to vector<16xi32>
      %add3A_401 = arith.addi %broadcast_in_dim3A_30, %add3A_400 : vector<16xi32>
      %swap3A_402 = arith.index_cast %add3A_397 : i32 to index
      %swap3A_403 = tpu.vector_load %arg10[%swap3A_402] {strides = array<i32>} : memref<3136xi32, #tpu.memory_space<vmem>>, vector<16xi32>,
      %swap3A_404 = vector.shape_cast %swap3A_403 : vector<16xi32> to vector<16xi32>
      %swap3A_405 = vector.shape_cast %add3A_401 : vector<16xi32> to vector<16xi32>
      tpu.vector_store %arg10[%swap3A_402], %swap3A_405 {strides = array<i32>} : memref<3136xi32, #tpu.memory_space<vmem>>, vector<16xi32>,
      %jit3A_406 = arith.constant 1 : i32
      %jit3A_407 = arith.constant 0 : i32
      %select_n3A_408 = arith.select %eq3A_390, %jit3A_406, %jit3A_407 : i32
      %add3A_409 = arith.addi %add3A_378, %select_n3A_408 : i32
      %jit3A_410 = arith.constant 1 : i32
      %jit3A_411 = arith.constant 0 : i32
      %select_n3A_412 = arith.select %eq3A_392, %jit3A_410, %jit3A_411 : i32
      %add3A_413 = arith.addi %add3A_382, %select_n3A_412 : i32
      %or3A_414 = arith.ori %eq3A_390, %eq3A_392 : i1
      %jit3A_415 = arith.constant 0 : i32
      %jit3A_416 = arith.constant 1 : i32
      %select_n3A_417 = arith.select %or3A_414, %jit3A_415, %jit3A_416 : i32
      %add3A_418 = arith.addi %add3A_386, %select_n3A_417 : i32
      %slice3A_419 = vector.extract_strided_slice %select_n3A_355 {offsets = [2], sizes = [1], strides = [1]} : vector<16xi32> to vector<1xi32>
      %squeeze3A_420 = vector.extract %slice3A_419[0] : i32 from vector<1xi32>
      %eq3A_421 = arith.constant 0 : i32
      %eq3A_422 = arith.cmpi eq, %squeeze3A_420, %eq3A_421 : i32
      %eq3A_423 = arith.constant 1 : i32
      %eq3A_424 = arith.cmpi eq, %squeeze3A_420, %eq3A_423 : i32
      %select_n3A_425 = arith.select %eq3A_424, %add3A_413, %add3A_418 : i32
      %select_n3A_426 = arith.select %eq3A_422, %add3A_409, %select_n3A_425 : i32
      %mul3A_427 = arith.constant 1040 : i32
      %mul3A_428 = arith.muli %squeeze3A_420, %mul3A_427 : i32
      %add3A_429 = arith.addi %mul3A_428, %select_n3A_426 : i32
      %add3A_430 = arith.constant 2 : i32
      %add3A_431 = arith.addi %add3A_358, %add3A_430 : i32
      %add3A_432 = vector.broadcast %add3A_431 : i32 to vector<16xi32>
      %add3A_433 = arith.addi %broadcast_in_dim3A_30, %add3A_432 : vector<16xi32>
      %swap3A_434 = arith.index_cast %add3A_429 : i32 to index
      %swap3A_435 = tpu.vector_load %arg10[%swap3A_434] {strides = array<i32>} : memref<3136xi32, #tpu.memory_space<vmem>>, vector<16xi32>,
      %swap3A_436 = vector.shape_cast %swap3A_435 : vector<16xi32> to vector<16xi32>
      %swap3A_437 = vector.shape_cast %add3A_433 : vector<16xi32> to vector<16xi32>
      tpu.vector_store %arg10[%swap3A_434], %swap3A_437 {strides = array<i32>} : memref<3136xi32, #tpu.memory_space<vmem>>, vector<16xi32>,
      %jit3A_438 = arith.constant 1 : i32
      %jit3A_439 = arith.constant 0 : i32
      %select_n3A_440 = arith.select %eq3A_422, %jit3A_438, %jit3A_439 : i32
      %add3A_441 = arith.addi %add3A_409, %select_n3A_440 : i32
      %jit3A_442 = arith.constant 1 : i32
      %jit3A_443 = arith.constant 0 : i32
      %select_n3A_444 = arith.select %eq3A_424, %jit3A_442, %jit3A_443 : i32
      %add3A_445 = arith.addi %add3A_413, %select_n3A_444 : i32
      %or3A_446 = arith.ori %eq3A_422, %eq3A_424 : i1
      %jit3A_447 = arith.constant 0 : i32
      %jit3A_448 = arith.constant 1 : i32
      %select_n3A_449 = arith.select %or3A_446, %jit3A_447, %jit3A_448 : i32
      %add3A_450 = arith.addi %add3A_418, %select_n3A_449 : i32
      %slice3A_451 = vector.extract_strided_slice %select_n3A_355 {offsets = [3], sizes = [1], strides = [1]} : vector<16xi32> to vector<1xi32>
      %squeeze3A_452 = vector.extract %slice3A_451[0] : i32 from vector<1xi32>
      %eq3A_453 = arith.constant 0 : i32
      %eq3A_454 = arith.cmpi eq, %squeeze3A_452, %eq3A_453 : i32
      %eq3A_455 = arith.constant 1 : i32
      %eq3A_456 = arith.cmpi eq, %squeeze3A_452, %eq3A_455 : i32
      %select_n3A_457 = arith.select %eq3A_456, %add3A_445, %add3A_450 : i32
      %select_n3A_458 = arith.select %eq3A_454, %add3A_441, %select_n3A_457 : i32
      %mul3A_459 = arith.constant 1040 : i32
      %mul3A_460 = arith.muli %squeeze3A_452, %mul3A_459 : i32
      %add3A_461 = arith.addi %mul3A_460, %select_n3A_458 : i32
      %add3A_462 = arith.constant 3 : i32
      %add3A_463 = arith.addi %add3A_358, %add3A_462 : i32
      %add3A_464 = vector.broadcast %add3A_463 : i32 to vector<16xi32>
      %add3A_465 = arith.addi %broadcast_in_dim3A_30, %add3A_464 : vector<16xi32>
      %swap3A_466 = arith.index_cast %add3A_461 : i32 to index
      %swap3A_467 = tpu.vector_load %arg10[%swap3A_466] {strides = array<i32>} : memref<3136xi32, #tpu.memory_space<vmem>>, vector<16xi32>,
      %swap3A_468 = vector.shape_cast %swap3A_467 : vector<16xi32> to vector<16xi32>
      %swap3A_469 = vector.shape_cast %add3A_465 : vector<16xi32> to vector<16xi32>
      tpu.vector_store %arg10[%swap3A_466], %swap3A_469 {strides = array<i32>} : memref<3136xi32, #tpu.memory_space<vmem>>, vector<16xi32>,
      %jit3A_470 = arith.constant 1 : i32
      %jit3A_471 = arith.constant 0 : i32
      %select_n3A_472 = arith.select %eq3A_454, %jit3A_470, %jit3A_471 : i32
      %add3A_473 = arith.addi %add3A_441, %select_n3A_472 : i32
      %jit3A_474 = arith.constant 1 : i32
      %jit3A_475 = arith.constant 0 : i32
      %select_n3A_476 = arith.select %eq3A_456, %jit3A_474, %jit3A_475 : i32
      %add3A_477 = arith.addi %add3A_445, %select_n3A_476 : i32
      %or3A_478 = arith.ori %eq3A_454, %eq3A_456 : i1
      %jit3A_479 = arith.constant 0 : i32
      %jit3A_480 = arith.constant 1 : i32
      %select_n3A_481 = arith.select %or3A_478, %jit3A_479, %jit3A_480 : i32
      %add3A_482 = arith.addi %add3A_450, %select_n3A_481 : i32
      %slice3A_483 = vector.extract_strided_slice %select_n3A_355 {offsets = [4], sizes = [1], strides = [1]} : vector<16xi32> to vector<1xi32>
      %squeeze3A_484 = vector.extract %slice3A_483[0] : i32 from vector<1xi32>
      %eq3A_485 = arith.constant 0 : i32
      %eq3A_486 = arith.cmpi eq, %squeeze3A_484, %eq3A_485 : i32
      %eq3A_487 = arith.constant 1 : i32
      %eq3A_488 = arith.cmpi eq, %squeeze3A_484, %eq3A_487 : i32
      %select_n3A_489 = arith.select %eq3A_488, %add3A_477, %add3A_482 : i32
      %select_n3A_490 = arith.select %eq3A_486, %add3A_473, %select_n3A_489 : i32
      %mul3A_491 = arith.constant 1040 : i32
      %mul3A_492 = arith.muli %squeeze3A_484, %mul3A_491 : i32
      %add3A_493 = arith.addi %mul3A_492, %select_n3A_490 : i32
      %add3A_494 = arith.constant 4 : i32
      %add3A_495 = arith.addi %add3A_358, %add3A_494 : i32
      %add3A_496 = vector.broadcast %add3A_495 : i32 to vector<16xi32>
      %add3A_497 = arith.addi %broadcast_in_dim3A_30, %add3A_496 : vector<16xi32>
      %swap3A_498 = arith.index_cast %add3A_493 : i32 to index
      %swap3A_499 = tpu.vector_load %arg10[%swap3A_498] {strides = array<i32>} : memref<3136xi32, #tpu.memory_space<vmem>>, vector<16xi32>,
      %swap3A_500 = vector.shape_cast %swap3A_499 : vector<16xi32> to vector<16xi32>
      %swap3A_501 = vector.shape_cast %add3A_497 : vector<16xi32> to vector<16xi32>
      tpu.vector_store %arg10[%swap3A_498], %swap3A_501 {strides = array<i32>} : memref<3136xi32, #tpu.memory_space<vmem>>, vector<16xi32>,
      %jit3A_502 = arith.constant 1 : i32
      %jit3A_503 = arith.constant 0 : i32
      %select_n3A_504 = arith.select %eq3A_486, %jit3A_502, %jit3A_503 : i32
      %add3A_505 = arith.addi %add3A_473, %select_n3A_504 : i32
      %jit3A_506 = arith.constant 1 : i32
      %jit3A_507 = arith.constant 0 : i32
      %select_n3A_508 = arith.select %eq3A_488, %jit3A_506, %jit3A_507 : i32
      %add3A_509 = arith.addi %add3A_477, %select_n3A_508 : i32
      %or3A_510 = arith.ori %eq3A_486, %eq3A_488 : i1
      %jit3A_511 = arith.constant 0 : i32
      %jit3A_512 = arith.constant 1 : i32
      %select_n3A_513 = arith.select %or3A_510, %jit3A_511, %jit3A_512 : i32
      %add3A_514 = arith.addi %add3A_482, %select_n3A_513 : i32
      %slice3A_515 = vector.extract_strided_slice %select_n3A_355 {offsets = [5], sizes = [1], strides = [1]} : vector<16xi32> to vector<1xi32>
      %squeeze3A_516 = vector.extract %slice3A_515[0] : i32 from vector<1xi32>
      %eq3A_517 = arith.constant 0 : i32
      %eq3A_518 = arith.cmpi eq, %squeeze3A_516, %eq3A_517 : i32
      %eq3A_519 = arith.constant 1 : i32
      %eq3A_520 = arith.cmpi eq, %squeeze3A_516, %eq3A_519 : i32
      %select_n3A_521 = arith.select %eq3A_520, %add3A_509, %add3A_514 : i32
      %select_n3A_522 = arith.select %eq3A_518, %add3A_505, %select_n3A_521 : i32
      %mul3A_523 = arith.constant 1040 : i32
      %mul3A_524 = arith.muli %squeeze3A_516, %mul3A_523 : i32
      %add3A_525 = arith.addi %mul3A_524, %select_n3A_522 : i32
      %add3A_526 = arith.constant 5 : i32
      %add3A_527 = arith.addi %add3A_358, %add3A_526 : i32
      %add3A_528 = vector.broadcast %add3A_527 : i32 to vector<16xi32>
      %add3A_529 = arith.addi %broadcast_in_dim3A_30, %add3A_528 : vector<16xi32>
      %swap3A_530 = arith.index_cast %add3A_525 : i32 to index
      %swap3A_531 = tpu.vector_load %arg10[%swap3A_530] {strides = array<i32>} : memref<3136xi32, #tpu.memory_space<vmem>>, vector<16xi32>,
      %swap3A_532 = vector.shape_cast %swap3A_531 : vector<16xi32> to vector<16xi32>
      %swap3A_533 = vector.shape_cast %add3A_529 : vector<16xi32> to vector<16xi32>
      tpu.vector_store %arg10[%swap3A_530], %swap3A_533 {strides = array<i32>} : memref<3136xi32, #tpu.memory_space<vmem>>, vector<16xi32>,
      %jit3A_534 = arith.constant 1 : i32
      %jit3A_535 = arith.constant 0 : i32
      %select_n3A_536 = arith.select %eq3A_518, %jit3A_534, %jit3A_535 : i32
      %add3A_537 = arith.addi %add3A_505, %select_n3A_536 : i32
      %jit3A_538 = arith.constant 1 : i32
      %jit3A_539 = arith.constant 0 : i32
      %select_n3A_540 = arith.select %eq3A_520, %jit3A_538, %jit3A_539 : i32
      %add3A_541 = arith.addi %add3A_509, %select_n3A_540 : i32
      %or3A_542 = arith.ori %eq3A_518, %eq3A_520 : i1
      %jit3A_543 = arith.constant 0 : i32
      %jit3A_544 = arith.constant 1 : i32
      %select_n3A_545 = arith.select %or3A_542, %jit3A_543, %jit3A_544 : i32
      %add3A_546 = arith.addi %add3A_514, %select_n3A_545 : i32
      %slice3A_547 = vector.extract_strided_slice %select_n3A_355 {offsets = [6], sizes = [1], strides = [1]} : vector<16xi32> to vector<1xi32>
      %squeeze3A_548 = vector.extract %slice3A_547[0] : i32 from vector<1xi32>
      %eq3A_549 = arith.constant 0 : i32
      %eq3A_550 = arith.cmpi eq, %squeeze3A_548, %eq3A_549 : i32
      %eq3A_551 = arith.constant 1 : i32
      %eq3A_552 = arith.cmpi eq, %squeeze3A_548, %eq3A_551 : i32
      %select_n3A_553 = arith.select %eq3A_552, %add3A_541, %add3A_546 : i32
      %select_n3A_554 = arith.select %eq3A_550, %add3A_537, %select_n3A_553 : i32
      %mul3A_555 = arith.constant 1040 : i32
      %mul3A_556 = arith.muli %squeeze3A_548, %mul3A_555 : i32
      %add3A_557 = arith.addi %mul3A_556, %select_n3A_554 : i32
      %add3A_558 = arith.constant 6 : i32
      %add3A_559 = arith.addi %add3A_358, %add3A_558 : i32
      %add3A_560 = vector.broadcast %add3A_559 : i32 to vector<16xi32>
      %add3A_561 = arith.addi %broadcast_in_dim3A_30, %add3A_560 : vector<16xi32>
      %swap3A_562 = arith.index_cast %add3A_557 : i32 to index
      %swap3A_563 = tpu.vector_load %arg10[%swap3A_562] {strides = array<i32>} : memref<3136xi32, #tpu.memory_space<vmem>>, vector<16xi32>,
      %swap3A_564 = vector.shape_cast %swap3A_563 : vector<16xi32> to vector<16xi32>
      %swap3A_565 = vector.shape_cast %add3A_561 : vector<16xi32> to vector<16xi32>
      tpu.vector_store %arg10[%swap3A_562], %swap3A_565 {strides = array<i32>} : memref<3136xi32, #tpu.memory_space<vmem>>, vector<16xi32>,
      %jit3A_566 = arith.constant 1 : i32
      %jit3A_567 = arith.constant 0 : i32
      %select_n3A_568 = arith.select %eq3A_550, %jit3A_566, %jit3A_567 : i32
      %add3A_569 = arith.addi %add3A_537, %select_n3A_568 : i32
      %jit3A_570 = arith.constant 1 : i32
      %jit3A_571 = arith.constant 0 : i32
      %select_n3A_572 = arith.select %eq3A_552, %jit3A_570, %jit3A_571 : i32
      %add3A_573 = arith.addi %add3A_541, %select_n3A_572 : i32
      %or3A_574 = arith.ori %eq3A_550, %eq3A_552 : i1
      %jit3A_575 = arith.constant 0 : i32
      %jit3A_576 = arith.constant 1 : i32
      %select_n3A_577 = arith.select %or3A_574, %jit3A_575, %jit3A_576 : i32
      %add3A_578 = arith.addi %add3A_546, %select_n3A_577 : i32
      %slice3A_579 = vector.extract_strided_slice %select_n3A_355 {offsets = [7], sizes = [1], strides = [1]} : vector<16xi32> to vector<1xi32>
      %squeeze3A_580 = vector.extract %slice3A_579[0] : i32 from vector<1xi32>
      %eq3A_581 = arith.constant 0 : i32
      %eq3A_582 = arith.cmpi eq, %squeeze3A_580, %eq3A_581 : i32
      %eq3A_583 = arith.constant 1 : i32
      %eq3A_584 = arith.cmpi eq, %squeeze3A_580, %eq3A_583 : i32
      %select_n3A_585 = arith.select %eq3A_584, %add3A_573, %add3A_578 : i32
      %select_n3A_586 = arith.select %eq3A_582, %add3A_569, %select_n3A_585 : i32
      %mul3A_587 = arith.constant 1040 : i32
      %mul3A_588 = arith.muli %squeeze3A_580, %mul3A_587 : i32
      %add3A_589 = arith.addi %mul3A_588, %select_n3A_586 : i32
      %add3A_590 = arith.constant 7 : i32
      %add3A_591 = arith.addi %add3A_358, %add3A_590 : i32
      %add3A_592 = vector.broadcast %add3A_591 : i32 to vector<16xi32>
      %add3A_593 = arith.addi %broadcast_in_dim3A_30, %add3A_592 : vector<16xi32>
      %swap3A_594 = arith.index_cast %add3A_589 : i32 to index
      %swap3A_595 = tpu.vector_load %arg10[%swap3A_594] {strides = array<i32>} : memref<3136xi32, #tpu.memory_space<vmem>>, vector<16xi32>,
      %swap3A_596 = vector.shape_cast %swap3A_595 : vector<16xi32> to vector<16xi32>
      %swap3A_597 = vector.shape_cast %add3A_593 : vector<16xi32> to vector<16xi32>
      tpu.vector_store %arg10[%swap3A_594], %swap3A_597 {strides = array<i32>} : memref<3136xi32, #tpu.memory_space<vmem>>, vector<16xi32>,
      %jit3A_598 = arith.constant 1 : i32
      %jit3A_599 = arith.constant 0 : i32
      %select_n3A_600 = arith.select %eq3A_582, %jit3A_598, %jit3A_599 : i32
      %add3A_601 = arith.addi %add3A_569, %select_n3A_600 : i32
      %jit3A_602 = arith.constant 1 : i32
      %jit3A_603 = arith.constant 0 : i32
      %select_n3A_604 = arith.select %eq3A_584, %jit3A_602, %jit3A_603 : i32
      %add3A_605 = arith.addi %add3A_573, %select_n3A_604 : i32
      %or3A_606 = arith.ori %eq3A_582, %eq3A_584 : i1
      %jit3A_607 = arith.constant 0 : i32
      %jit3A_608 = arith.constant 1 : i32
      %select_n3A_609 = arith.select %or3A_606, %jit3A_607, %jit3A_608 : i32
      %add3A_610 = arith.addi %add3A_578, %select_n3A_609 : i32
      %slice3A_611 = vector.extract_strided_slice %select_n3A_355 {offsets = [8], sizes = [1], strides = [1]} : vector<16xi32> to vector<1xi32>
      %squeeze3A_612 = vector.extract %slice3A_611[0] : i32 from vector<1xi32>
      %eq3A_613 = arith.constant 0 : i32
      %eq3A_614 = arith.cmpi eq, %squeeze3A_612, %eq3A_613 : i32
      %eq3A_615 = arith.constant 1 : i32
      %eq3A_616 = arith.cmpi eq, %squeeze3A_612, %eq3A_615 : i32
      %select_n3A_617 = arith.select %eq3A_616, %add3A_605, %add3A_610 : i32
      %select_n3A_618 = arith.select %eq3A_614, %add3A_601, %select_n3A_617 : i32
      %mul3A_619 = arith.constant 1040 : i32
      %mul3A_620 = arith.muli %squeeze3A_612, %mul3A_619 : i32
      %add3A_621 = arith.addi %mul3A_620, %select_n3A_618 : i32
      %add3A_622 = arith.constant 8 : i32
      %add3A_623 = arith.addi %add3A_358, %add3A_622 : i32
      %add3A_624 = vector.broadcast %add3A_623 : i32 to vector<16xi32>
      %add3A_625 = arith.addi %broadcast_in_dim3A_30, %add3A_624 : vector<16xi32>
      %swap3A_626 = arith.index_cast %add3A_621 : i32 to index
      %swap3A_627 = tpu.vector_load %arg10[%swap3A_626] {strides = array<i32>} : memref<3136xi32, #tpu.memory_space<vmem>>, vector<16xi32>,
      %swap3A_628 = vector.shape_cast %swap3A_627 : vector<16xi32> to vector<16xi32>
      %swap3A_629 = vector.shape_cast %add3A_625 : vector<16xi32> to vector<16xi32>
      tpu.vector_store %arg10[%swap3A_626], %swap3A_629 {strides = array<i32>} : memref<3136xi32, #tpu.memory_space<vmem>>, vector<16xi32>,
      %jit3A_630 = arith.constant 1 : i32
      %jit3A_631 = arith.constant 0 : i32
      %select_n3A_632 = arith.select %eq3A_614, %jit3A_630, %jit3A_631 : i32
      %add3A_633 = arith.addi %add3A_601, %select_n3A_632 : i32
      %jit3A_634 = arith.constant 1 : i32
      %jit3A_635 = arith.constant 0 : i32
      %select_n3A_636 = arith.select %eq3A_616, %jit3A_634, %jit3A_635 : i32
      %add3A_637 = arith.addi %add3A_605, %select_n3A_636 : i32
      %or3A_638 = arith.ori %eq3A_614, %eq3A_616 : i1
      %jit3A_639 = arith.constant 0 : i32
      %jit3A_640 = arith.constant 1 : i32
      %select_n3A_641 = arith.select %or3A_638, %jit3A_639, %jit3A_640 : i32
      %add3A_642 = arith.addi %add3A_610, %select_n3A_641 : i32
      %slice3A_643 = vector.extract_strided_slice %select_n3A_355 {offsets = [9], sizes = [1], strides = [1]} : vector<16xi32> to vector<1xi32>
      %squeeze3A_644 = vector.extract %slice3A_643[0] : i32 from vector<1xi32>
      %eq3A_645 = arith.constant 0 : i32
      %eq3A_646 = arith.cmpi eq, %squeeze3A_644, %eq3A_645 : i32
      %eq3A_647 = arith.constant 1 : i32
      %eq3A_648 = arith.cmpi eq, %squeeze3A_644, %eq3A_647 : i32
      %select_n3A_649 = arith.select %eq3A_648, %add3A_637, %add3A_642 : i32
      %select_n3A_650 = arith.select %eq3A_646, %add3A_633, %select_n3A_649 : i32
      %mul3A_651 = arith.constant 1040 : i32
      %mul3A_652 = arith.muli %squeeze3A_644, %mul3A_651 : i32
      %add3A_653 = arith.addi %mul3A_652, %select_n3A_650 : i32
      %add3A_654 = arith.constant 9 : i32
      %add3A_655 = arith.addi %add3A_358, %add3A_654 : i32
      %add3A_656 = vector.broadcast %add3A_655 : i32 to vector<16xi32>
      %add3A_657 = arith.addi %broadcast_in_dim3A_30, %add3A_656 : vector<16xi32>
      %swap3A_658 = arith.index_cast %add3A_653 : i32 to index
      %swap3A_659 = tpu.vector_load %arg10[%swap3A_658] {strides = array<i32>} : memref<3136xi32, #tpu.memory_space<vmem>>, vector<16xi32>,
      %swap3A_660 = vector.shape_cast %swap3A_659 : vector<16xi32> to vector<16xi32>
      %swap3A_661 = vector.shape_cast %add3A_657 : vector<16xi32> to vector<16xi32>
      tpu.vector_store %arg10[%swap3A_658], %swap3A_661 {strides = array<i32>} : memref<3136xi32, #tpu.memory_space<vmem>>, vector<16xi32>,
      %jit3A_662 = arith.constant 1 : i32
      %jit3A_663 = arith.constant 0 : i32
      %select_n3A_664 = arith.select %eq3A_646, %jit3A_662, %jit3A_663 : i32
      %add3A_665 = arith.addi %add3A_633, %select_n3A_664 : i32
      %jit3A_666 = arith.constant 1 : i32
      %jit3A_667 = arith.constant 0 : i32
      %select_n3A_668 = arith.select %eq3A_648, %jit3A_666, %jit3A_667 : i32
      %add3A_669 = arith.addi %add3A_637, %select_n3A_668 : i32
      %or3A_670 = arith.ori %eq3A_646, %eq3A_648 : i1
      %jit3A_671 = arith.constant 0 : i32
      %jit3A_672 = arith.constant 1 : i32
      %select_n3A_673 = arith.select %or3A_670, %jit3A_671, %jit3A_672 : i32
      %add3A_674 = arith.addi %add3A_642, %select_n3A_673 : i32
      %slice3A_675 = vector.extract_strided_slice %select_n3A_355 {offsets = [10], sizes = [1], strides = [1]} : vector<16xi32> to vector<1xi32>
      %squeeze3A_676 = vector.extract %slice3A_675[0] : i32 from vector<1xi32>
      %eq3A_677 = arith.constant 0 : i32
      %eq3A_678 = arith.cmpi eq, %squeeze3A_676, %eq3A_677 : i32
      %eq3A_679 = arith.constant 1 : i32
      %eq3A_680 = arith.cmpi eq, %squeeze3A_676, %eq3A_679 : i32
      %select_n3A_681 = arith.select %eq3A_680, %add3A_669, %add3A_674 : i32
      %select_n3A_682 = arith.select %eq3A_678, %add3A_665, %select_n3A_681 : i32
      %mul3A_683 = arith.constant 1040 : i32
      %mul3A_684 = arith.muli %squeeze3A_676, %mul3A_683 : i32
      %add3A_685 = arith.addi %mul3A_684, %select_n3A_682 : i32
      %add3A_686 = arith.constant 10 : i32
      %add3A_687 = arith.addi %add3A_358, %add3A_686 : i32
      %add3A_688 = vector.broadcast %add3A_687 : i32 to vector<16xi32>
      %add3A_689 = arith.addi %broadcast_in_dim3A_30, %add3A_688 : vector<16xi32>
      %swap3A_690 = arith.index_cast %add3A_685 : i32 to index
      %swap3A_691 = tpu.vector_load %arg10[%swap3A_690] {strides = array<i32>} : memref<3136xi32, #tpu.memory_space<vmem>>, vector<16xi32>,
      %swap3A_692 = vector.shape_cast %swap3A_691 : vector<16xi32> to vector<16xi32>
      %swap3A_693 = vector.shape_cast %add3A_689 : vector<16xi32> to vector<16xi32>
      tpu.vector_store %arg10[%swap3A_690], %swap3A_693 {strides = array<i32>} : memref<3136xi32, #tpu.memory_space<vmem>>, vector<16xi32>,
      %jit3A_694 = arith.constant 1 : i32
      %jit3A_695 = arith.constant 0 : i32
      %select_n3A_696 = arith.select %eq3A_678, %jit3A_694, %jit3A_695 : i32
      %add3A_697 = arith.addi %add3A_665, %select_n3A_696 : i32
      %jit3A_698 = arith.constant 1 : i32
      %jit3A_699 = arith.constant 0 : i32
      %select_n3A_700 = arith.select %eq3A_680, %jit3A_698, %jit3A_699 : i32
      %add3A_701 = arith.addi %add3A_669, %select_n3A_700 : i32
      %or3A_702 = arith.ori %eq3A_678, %eq3A_680 : i1
      %jit3A_703 = arith.constant 0 : i32
      %jit3A_704 = arith.constant 1 : i32
      %select_n3A_705 = arith.select %or3A_702, %jit3A_703, %jit3A_704 : i32
      %add3A_706 = arith.addi %add3A_674, %select_n3A_705 : i32
      %slice3A_707 = vector.extract_strided_slice %select_n3A_355 {offsets = [11], sizes = [1], strides = [1]} : vector<16xi32> to vector<1xi32>
      %squeeze3A_708 = vector.extract %slice3A_707[0] : i32 from vector<1xi32>
      %eq3A_709 = arith.constant 0 : i32
      %eq3A_710 = arith.cmpi eq, %squeeze3A_708, %eq3A_709 : i32
      %eq3A_711 = arith.constant 1 : i32
      %eq3A_712 = arith.cmpi eq, %squeeze3A_708, %eq3A_711 : i32
      %select_n3A_713 = arith.select %eq3A_712, %add3A_701, %add3A_706 : i32
      %select_n3A_714 = arith.select %eq3A_710, %add3A_697, %select_n3A_713 : i32
      %mul3A_715 = arith.constant 1040 : i32
      %mul3A_716 = arith.muli %squeeze3A_708, %mul3A_715 : i32
      %add3A_717 = arith.addi %mul3A_716, %select_n3A_714 : i32
      %add3A_718 = arith.constant 11 : i32
      %add3A_719 = arith.addi %add3A_358, %add3A_718 : i32
      %add3A_720 = vector.broadcast %add3A_719 : i32 to vector<16xi32>
      %add3A_721 = arith.addi %broadcast_in_dim3A_30, %add3A_720 : vector<16xi32>
      %swap3A_722 = arith.index_cast %add3A_717 : i32 to index
      %swap3A_723 = tpu.vector_load %arg10[%swap3A_722] {strides = array<i32>} : memref<3136xi32, #tpu.memory_space<vmem>>, vector<16xi32>,
      %swap3A_724 = vector.shape_cast %swap3A_723 : vector<16xi32> to vector<16xi32>
      %swap3A_725 = vector.shape_cast %add3A_721 : vector<16xi32> to vector<16xi32>
      tpu.vector_store %arg10[%swap3A_722], %swap3A_725 {strides = array<i32>} : memref<3136xi32, #tpu.memory_space<vmem>>, vector<16xi32>,
      %jit3A_726 = arith.constant 1 : i32
      %jit3A_727 = arith.constant 0 : i32
      %select_n3A_728 = arith.select %eq3A_710, %jit3A_726, %jit3A_727 : i32
      %add3A_729 = arith.addi %add3A_697, %select_n3A_728 : i32
      %jit3A_730 = arith.constant 1 : i32
      %jit3A_731 = arith.constant 0 : i32
      %select_n3A_732 = arith.select %eq3A_712, %jit3A_730, %jit3A_731 : i32
      %add3A_733 = arith.addi %add3A_701, %select_n3A_732 : i32
      %or3A_734 = arith.ori %eq3A_710, %eq3A_712 : i1
      %jit3A_735 = arith.constant 0 : i32
      %jit3A_736 = arith.constant 1 : i32
      %select_n3A_737 = arith.select %or3A_734, %jit3A_735, %jit3A_736 : i32
      %add3A_738 = arith.addi %add3A_706, %select_n3A_737 : i32
      %slice3A_739 = vector.extract_strided_slice %select_n3A_355 {offsets = [12], sizes = [1], strides = [1]} : vector<16xi32> to vector<1xi32>
      %squeeze3A_740 = vector.extract %slice3A_739[0] : i32 from vector<1xi32>
      %eq3A_741 = arith.constant 0 : i32
      %eq3A_742 = arith.cmpi eq, %squeeze3A_740, %eq3A_741 : i32
      %eq3A_743 = arith.constant 1 : i32
      %eq3A_744 = arith.cmpi eq, %squeeze3A_740, %eq3A_743 : i32
      %select_n3A_745 = arith.select %eq3A_744, %add3A_733, %add3A_738 : i32
      %select_n3A_746 = arith.select %eq3A_742, %add3A_729, %select_n3A_745 : i32
      %mul3A_747 = arith.constant 1040 : i32
      %mul3A_748 = arith.muli %squeeze3A_740, %mul3A_747 : i32
      %add3A_749 = arith.addi %mul3A_748, %select_n3A_746 : i32
      %add3A_750 = arith.constant 12 : i32
      %add3A_751 = arith.addi %add3A_358, %add3A_750 : i32
      %add3A_752 = vector.broadcast %add3A_751 : i32 to vector<16xi32>
      %add3A_753 = arith.addi %broadcast_in_dim3A_30, %add3A_752 : vector<16xi32>
      %swap3A_754 = arith.index_cast %add3A_749 : i32 to index
      %swap3A_755 = tpu.vector_load %arg10[%swap3A_754] {strides = array<i32>} : memref<3136xi32, #tpu.memory_space<vmem>>, vector<16xi32>,
      %swap3A_756 = vector.shape_cast %swap3A_755 : vector<16xi32> to vector<16xi32>
      %swap3A_757 = vector.shape_cast %add3A_753 : vector<16xi32> to vector<16xi32>
      tpu.vector_store %arg10[%swap3A_754], %swap3A_757 {strides = array<i32>} : memref<3136xi32, #tpu.memory_space<vmem>>, vector<16xi32>,
      %jit3A_758 = arith.constant 1 : i32
      %jit3A_759 = arith.constant 0 : i32
      %select_n3A_760 = arith.select %eq3A_742, %jit3A_758, %jit3A_759 : i32
      %add3A_761 = arith.addi %add3A_729, %select_n3A_760 : i32
      %jit3A_762 = arith.constant 1 : i32
      %jit3A_763 = arith.constant 0 : i32
      %select_n3A_764 = arith.select %eq3A_744, %jit3A_762, %jit3A_763 : i32
      %add3A_765 = arith.addi %add3A_733, %select_n3A_764 : i32
      %or3A_766 = arith.ori %eq3A_742, %eq3A_744 : i1
      %jit3A_767 = arith.constant 0 : i32
      %jit3A_768 = arith.constant 1 : i32
      %select_n3A_769 = arith.select %or3A_766, %jit3A_767, %jit3A_768 : i32
      %add3A_770 = arith.addi %add3A_738, %select_n3A_769 : i32
      %slice3A_771 = vector.extract_strided_slice %select_n3A_355 {offsets = [13], sizes = [1], strides = [1]} : vector<16xi32> to vector<1xi32>
      %squeeze3A_772 = vector.extract %slice3A_771[0] : i32 from vector<1xi32>
      %eq3A_773 = arith.constant 0 : i32
      %eq3A_774 = arith.cmpi eq, %squeeze3A_772, %eq3A_773 : i32
      %eq3A_775 = arith.constant 1 : i32
      %eq3A_776 = arith.cmpi eq, %squeeze3A_772, %eq3A_775 : i32
      %select_n3A_777 = arith.select %eq3A_776, %add3A_765, %add3A_770 : i32
      %select_n3A_778 = arith.select %eq3A_774, %add3A_761, %select_n3A_777 : i32
      %mul3A_779 = arith.constant 1040 : i32
      %mul3A_780 = arith.muli %squeeze3A_772, %mul3A_779 : i32
      %add3A_781 = arith.addi %mul3A_780, %select_n3A_778 : i32
      %add3A_782 = arith.constant 13 : i32
      %add3A_783 = arith.addi %add3A_358, %add3A_782 : i32
      %add3A_784 = vector.broadcast %add3A_783 : i32 to vector<16xi32>
      %add3A_785 = arith.addi %broadcast_in_dim3A_30, %add3A_784 : vector<16xi32>
      %swap3A_786 = arith.index_cast %add3A_781 : i32 to index
      %swap3A_787 = tpu.vector_load %arg10[%swap3A_786] {strides = array<i32>} : memref<3136xi32, #tpu.memory_space<vmem>>, vector<16xi32>,
      %swap3A_788 = vector.shape_cast %swap3A_787 : vector<16xi32> to vector<16xi32>
      %swap3A_789 = vector.shape_cast %add3A_785 : vector<16xi32> to vector<16xi32>
      tpu.vector_store %arg10[%swap3A_786], %swap3A_789 {strides = array<i32>} : memref<3136xi32, #tpu.memory_space<vmem>>, vector<16xi32>,
      %jit3A_790 = arith.constant 1 : i32
      %jit3A_791 = arith.constant 0 : i32
      %select_n3A_792 = arith.select %eq3A_774, %jit3A_790, %jit3A_791 : i32
      %add3A_793 = arith.addi %add3A_761, %select_n3A_792 : i32
      %jit3A_794 = arith.constant 1 : i32
      %jit3A_795 = arith.constant 0 : i32
      %select_n3A_796 = arith.select %eq3A_776, %jit3A_794, %jit3A_795 : i32
      %add3A_797 = arith.addi %add3A_765, %select_n3A_796 : i32
      %or3A_798 = arith.ori %eq3A_774, %eq3A_776 : i1
      %jit3A_799 = arith.constant 0 : i32
      %jit3A_800 = arith.constant 1 : i32
      %select_n3A_801 = arith.select %or3A_798, %jit3A_799, %jit3A_800 : i32
      %add3A_802 = arith.addi %add3A_770, %select_n3A_801 : i32
      %slice3A_803 = vector.extract_strided_slice %select_n3A_355 {offsets = [14], sizes = [1], strides = [1]} : vector<16xi32> to vector<1xi32>
      %squeeze3A_804 = vector.extract %slice3A_803[0] : i32 from vector<1xi32>
      %eq3A_805 = arith.constant 0 : i32
      %eq3A_806 = arith.cmpi eq, %squeeze3A_804, %eq3A_805 : i32
      %eq3A_807 = arith.constant 1 : i32
      %eq3A_808 = arith.cmpi eq, %squeeze3A_804, %eq3A_807 : i32
      %select_n3A_809 = arith.select %eq3A_808, %add3A_797, %add3A_802 : i32
      %select_n3A_810 = arith.select %eq3A_806, %add3A_793, %select_n3A_809 : i32
      %mul3A_811 = arith.constant 1040 : i32
      %mul3A_812 = arith.muli %squeeze3A_804, %mul3A_811 : i32
      %add3A_813 = arith.addi %mul3A_812, %select_n3A_810 : i32
      %add3A_814 = arith.constant 14 : i32
      %add3A_815 = arith.addi %add3A_358, %add3A_814 : i32
      %add3A_816 = vector.broadcast %add3A_815 : i32 to vector<16xi32>
      %add3A_817 = arith.addi %broadcast_in_dim3A_30, %add3A_816 : vector<16xi32>
      %swap3A_818 = arith.index_cast %add3A_813 : i32 to index
      %swap3A_819 = tpu.vector_load %arg10[%swap3A_818] {strides = array<i32>} : memref<3136xi32, #tpu.memory_space<vmem>>, vector<16xi32>,
      %swap3A_820 = vector.shape_cast %swap3A_819 : vector<16xi32> to vector<16xi32>
      %swap3A_821 = vector.shape_cast %add3A_817 : vector<16xi32> to vector<16xi32>
      tpu.vector_store %arg10[%swap3A_818], %swap3A_821 {strides = array<i32>} : memref<3136xi32, #tpu.memory_space<vmem>>, vector<16xi32>,
      %jit3A_822 = arith.constant 1 : i32
      %jit3A_823 = arith.constant 0 : i32
      %select_n3A_824 = arith.select %eq3A_806, %jit3A_822, %jit3A_823 : i32
      %add3A_825 = arith.addi %add3A_793, %select_n3A_824 : i32
      %jit3A_826 = arith.constant 1 : i32
      %jit3A_827 = arith.constant 0 : i32
      %select_n3A_828 = arith.select %eq3A_808, %jit3A_826, %jit3A_827 : i32
      %add3A_829 = arith.addi %add3A_797, %select_n3A_828 : i32
      %or3A_830 = arith.ori %eq3A_806, %eq3A_808 : i1
      %jit3A_831 = arith.constant 0 : i32
      %jit3A_832 = arith.constant 1 : i32
      %select_n3A_833 = arith.select %or3A_830, %jit3A_831, %jit3A_832 : i32
      %add3A_834 = arith.addi %add3A_802, %select_n3A_833 : i32
      %slice3A_835 = vector.extract_strided_slice %select_n3A_355 {offsets = [15], sizes = [1], strides = [1]} : vector<16xi32> to vector<1xi32>
      %squeeze3A_836 = vector.extract %slice3A_835[0] : i32 from vector<1xi32>
      %eq3A_837 = arith.constant 0 : i32
      %eq3A_838 = arith.cmpi eq, %squeeze3A_836, %eq3A_837 : i32
      %eq3A_839 = arith.constant 1 : i32
      %eq3A_840 = arith.cmpi eq, %squeeze3A_836, %eq3A_839 : i32
      %select_n3A_841 = arith.select %eq3A_840, %add3A_829, %add3A_834 : i32
      %select_n3A_842 = arith.select %eq3A_838, %add3A_825, %select_n3A_841 : i32
      %mul3A_843 = arith.constant 1040 : i32
      %mul3A_844 = arith.muli %squeeze3A_836, %mul3A_843 : i32
      %add3A_845 = arith.addi %mul3A_844, %select_n3A_842 : i32
      %add3A_846 = arith.constant 15 : i32
      %add3A_847 = arith.addi %add3A_358, %add3A_846 : i32
      %add3A_848 = vector.broadcast %add3A_847 : i32 to vector<16xi32>
      %add3A_849 = arith.addi %broadcast_in_dim3A_30, %add3A_848 : vector<16xi32>
      %swap3A_850 = arith.index_cast %add3A_845 : i32 to index
      %swap3A_851 = tpu.vector_load %arg10[%swap3A_850] {strides = array<i32>} : memref<3136xi32, #tpu.memory_space<vmem>>, vector<16xi32>,
      %swap3A_852 = vector.shape_cast %swap3A_851 : vector<16xi32> to vector<16xi32>
      %swap3A_853 = vector.shape_cast %add3A_849 : vector<16xi32> to vector<16xi32>
      tpu.vector_store %arg10[%swap3A_850], %swap3A_853 {strides = array<i32>} : memref<3136xi32, #tpu.memory_space<vmem>>, vector<16xi32>,
      %jit3A_854 = arith.constant 1 : i32
      %jit3A_855 = arith.constant 0 : i32
      %select_n3A_856 = arith.select %eq3A_838, %jit3A_854, %jit3A_855 : i32
      %add3A_857 = arith.addi %add3A_825, %select_n3A_856 : i32
      %jit3A_858 = arith.constant 1 : i32
      %jit3A_859 = arith.constant 0 : i32
      %select_n3A_860 = arith.select %eq3A_840, %jit3A_858, %jit3A_859 : i32
      %add3A_861 = arith.addi %add3A_829, %select_n3A_860 : i32
      %or3A_862 = arith.ori %eq3A_838, %eq3A_840 : i1
      %jit3A_863 = arith.constant 0 : i32
      %jit3A_864 = arith.constant 1 : i32
      %select_n3A_865 = arith.select %or3A_862, %jit3A_863, %jit3A_864 : i32
      %add3A_866 = arith.addi %add3A_834, %select_n3A_865 : i32
      scf.yield %add3A_857, %add3A_861, %add3A_866 : i32, i32, i32
    }
    %scan3A_149 = arith.constant 32 : i32
    %gt3A_150 = arith.constant 0 : i32
    %gt3A_151 = arith.cmpi sgt, %scan3A_148#0, %gt3A_150 : i32
    %jit3A_152 = arith.constant 16 : i32
    %div3A_153 = arith.divsi %scan3A_39#0, %jit3A_152 : i32
    %sign3A_154 = arith.constant 0 : i32
    %sign3A_155 = arith.cmpi sgt, %scan3A_39#0, %sign3A_154 : i32
    %sign3A_156 = arith.extui %sign3A_155 : i1 to i32
    %sign3A_157 = arith.constant 0 : i32
    %sign3A_158 = arith.cmpi slt, %scan3A_39#0, %sign3A_157 : i32
    %sign3A_159 = arith.extui %sign3A_158 : i1 to i32
    %sign3A_160 = arith.subi %sign3A_156, %sign3A_159 : i32
    %sign3A_161 = arith.constant 0 : i32
    %sign3A_162 = arith.cmpi sgt, %jit3A_152, %sign3A_161 : i32
    %sign3A_163 = arith.extui %sign3A_162 : i1 to i32
    %sign3A_164 = arith.constant 0 : i32
    %sign3A_165 = arith.cmpi slt, %jit3A_152, %sign3A_164 : i32
    %sign3A_166 = arith.extui %sign3A_165 : i1 to i32
    %sign3A_167 = arith.subi %sign3A_163, %sign3A_166 : i32
    %ne3A_168 = arith.cmpi ne, %sign3A_160, %sign3A_167 : i32
    %rem3A_169 = arith.remsi %scan3A_39#0, %jit3A_152 : i32
    %ne3A_170 = arith.constant 0 : i32
    %ne3A_171 = arith.cmpi ne, %rem3A_169, %ne3A_170 : i32
    %and3A_172 = arith.andi %ne3A_168, %ne3A_171 : i1
    %sub3A_173 = arith.constant 1 : i32
    %sub3A_174 = arith.subi %div3A_153, %sub3A_173 : i32
    %select_n3A_175 = arith.select %and3A_172, %sub3A_174, %div3A_153 : i32
    %convert_element_type3A_176 = arith.extui %gt3A_151 : i1 to i32
    %cond3A_177 = arith.constant 0 : i32
    %cond3A_178 = arith.cmpi ne, %convert_element_type3A_176, %cond3A_177 : i32
    scf.if %cond3A_178 {
      %add3A_334 = arith.constant 0 : i32
      %add3A_335 = arith.addi %add3A_334, %scan3A_148#0 : i32
      %sub3A_336 = arith.constant 1 : i32
      %sub3A_337 = arith.subi %add3A_335, %sub3A_336 : i32
      %get3A = arith.index_cast %sub3A_337 : i32 to index
      %get3A_338 = tpu.vector_load %arg10[%get3A] {strides = array<i32>} : memref<3136xi32, #tpu.memory_space<vmem>>, vector<16xi32>,
      %get3A_339 = vector.shape_cast %get3A_338 : vector<16xi32> to vector<16xi32>
      %slice3A = vector.extract_strided_slice %get3A_339 {offsets = [0], sizes = [1], strides = [1]} : vector<16xi32> to vector<1xi32>
      %squeeze3A = vector.extract %slice3A[0] : i32 from vector<1xi32>
      %add3A_340 = vector.broadcast %squeeze3A : i32 to vector<16xi32>
      %add3A_341 = arith.addi %broadcast_in_dim3A_30, %add3A_340 : vector<16xi32>
      %add3A_342 = arith.constant 0 : i32
      %add3A_343 = arith.addi %add3A_342, %scan3A_148#0 : i32
      %swap3A = arith.index_cast %add3A_343 : i32 to index
      %swap3A_344 = tpu.vector_load %arg10[%swap3A] {strides = array<i32>} : memref<3136xi32, #tpu.memory_space<vmem>>, vector<16xi32>,
      %swap3A_345 = vector.shape_cast %swap3A_344 : vector<16xi32> to vector<16xi32>
      %swap3A_346 = vector.shape_cast %add3A_341 : vector<16xi32> to vector<16xi32>
      tpu.vector_store %arg10[%swap3A], %swap3A_346 {strides = array<i32>} : memref<3136xi32, #tpu.memory_space<vmem>>, vector<16xi32>,
      %add3A_347 = arith.constant 16 : i32
      %add3A_348 = arith.addi %scan3A_148#0, %add3A_347 : i32
      %sub3A_349 = arith.constant 1 : i32
      %sub3A_350 = arith.subi %add3A_348, %sub3A_349 : i32
      %jit3A_351 = arith.constant 16 : i32
      %div3A_352 = arith.divsi %sub3A_350, %jit3A_351 : i32
      %sign3A_353 = arith.constant 0 : i32
      %sign3A_354 = arith.cmpi sgt, %sub3A_350, %sign3A_353 : i32
      %sign3A_355 = arith.extui %sign3A_354 : i1 to i32
      %sign3A_356 = arith.constant 0 : i32
      %sign3A_357 = arith.cmpi slt, %sub3A_350, %sign3A_356 : i32
      %sign3A_358 = arith.extui %sign3A_357 : i1 to i32
      %sign3A_359 = arith.subi %sign3A_355, %sign3A_358 : i32
      %sign3A_360 = arith.constant 0 : i32
      %sign3A_361 = arith.cmpi sgt, %jit3A_351, %sign3A_360 : i32
      %sign3A_362 = arith.extui %sign3A_361 : i1 to i32
      %sign3A_363 = arith.constant 0 : i32
      %sign3A_364 = arith.cmpi slt, %jit3A_351, %sign3A_363 : i32
      %sign3A_365 = arith.extui %sign3A_364 : i1 to i32
      %sign3A_366 = arith.subi %sign3A_362, %sign3A_365 : i32
      %ne3A_367 = arith.cmpi ne, %sign3A_359, %sign3A_366 : i32
      %rem3A_368 = arith.remsi %sub3A_350, %jit3A_351 : i32
      %ne3A_369 = arith.constant 0 : i32
      %ne3A_370 = arith.cmpi ne, %rem3A_368, %ne3A_369 : i32
      %and3A_371 = arith.andi %ne3A_367, %ne3A_370 : i1
      %sub3A_372 = arith.constant 1 : i32
      %sub3A_373 = arith.subi %div3A_352, %sub3A_372 : i32
      %select_n3A_374 = arith.select %and3A_371, %sub3A_373, %div3A_352 : i32
      %while3A_375 = arith.constant 0 : i32
      %while3A_376 = arith.subi %select_n3A_374, %select_n3A_175 : i32
      %while3A_377 = arith.addi %select_n3A_175, %while3A_376 : i32
      %while3A_378 = arith.constant 1 : i32
      %while3A_379 = arith.divsi %while3A_376, %while3A_378 : i32
      %while3A_380 = arith.muli %while3A_379, %while3A_378 : i32
      %while3A_381 = arith.addi %select_n3A_175, %while3A_380 : i32
      %while3A_382 = arith.constant 1 : i32
      scf.for %while3A_393 = %select_n3A_175 to %while3A_381 step %while3A_382  : i32 {
        %mul3A_394 = arith.constant 16 : i32
        %mul3A_395 = arith.muli %while3A_393, %mul3A_394 : i32
        %add3A_396 = arith.constant 0 : i32
        %add3A_397 = arith.addi %add3A_396, %mul3A_395 : i32
        %get3A_398 = arith.index_cast %add3A_397 : i32 to index
        %get3A_399 = tpu.vector_load %arg10[%get3A_398] {strides = array<i32>} : memref<3136xi32, #tpu.memory_space<vmem>>, vector<16xi32>,
        %get3A_400 = vector.shape_cast %get3A_399 : vector<16xi32> to vector<16xi32>
        %add3A_401 = arith.constant 0 : i32
        %add3A_402 = arith.addi %add3A_401, %while3A_393 : i32
        %swap3A_403 = arith.index_cast %add3A_402 : i32 to index
        %swap3A_404 = arith.constant 0 : index
        %swap3A_405 = tpu.vector_load %arg11[%swap3A_403, %swap3A_404] {strides = array<i32>} : memref<195x16xi32, #tpu.memory_space<vmem>>, vector<1x16xi32>,
        %swap3A_406 = vector.shape_cast %swap3A_405 : vector<1x16xi32> to vector<16xi32>
        %swap3A_407 = vector.shape_cast %get3A_400 : vector<16xi32> to vector<1x16xi32>
        tpu.vector_store %arg11[%swap3A_403, %swap3A_404], %swap3A_407 {strides = array<i32>} : memref<195x16xi32, #tpu.memory_space<vmem>>, vector<1x16xi32>,
      }
      %while3A_383 = arith.constant 1 : i32
      scf.for %while3A_393 = %while3A_381 to %while3A_377 step %while3A_383  : i32 {
        %mul3A_394 = arith.constant 16 : i32
        %mul3A_395 = arith.muli %while3A_393, %mul3A_394 : i32
        %add3A_396 = arith.constant 0 : i32
        %add3A_397 = arith.addi %add3A_396, %mul3A_395 : i32
        %get3A_398 = arith.index_cast %add3A_397 : i32 to index
        %get3A_399 = tpu.vector_load %arg10[%get3A_398] {strides = array<i32>} : memref<3136xi32, #tpu.memory_space<vmem>>, vector<16xi32>,
        %get3A_400 = vector.shape_cast %get3A_399 : vector<16xi32> to vector<16xi32>
        %add3A_401 = arith.constant 0 : i32
        %add3A_402 = arith.addi %add3A_401, %while3A_393 : i32
        %swap3A_403 = arith.index_cast %add3A_402 : i32 to index
        %swap3A_404 = arith.constant 0 : index
        %swap3A_405 = tpu.vector_load %arg11[%swap3A_403, %swap3A_404] {strides = array<i32>} : memref<195x16xi32, #tpu.memory_space<vmem>>, vector<1x16xi32>,
        %swap3A_406 = vector.shape_cast %swap3A_405 : vector<1x16xi32> to vector<16xi32>
        %swap3A_407 = vector.shape_cast %get3A_400 : vector<16xi32> to vector<1x16xi32>
        tpu.vector_store %arg11[%swap3A_403, %swap3A_404], %swap3A_407 {strides = array<i32>} : memref<195x16xi32, #tpu.memory_space<vmem>>, vector<1x16xi32>,
      }
      %while3A_384 = arith.constant 0 : i32
      %while3A_385 = arith.subi %select_n3A_374, %select_n3A_175 : i32
      %while3A_386 = arith.addi %select_n3A_175, %while3A_385 : i32
      %while3A_387 = arith.constant 1 : i32
      %while3A_388 = arith.divsi %while3A_385, %while3A_387 : i32
      %while3A_389 = arith.muli %while3A_388, %while3A_387 : i32
      %while3A_390 = arith.addi %select_n3A_175, %while3A_389 : i32
      %while3A_391 = arith.constant 1 : i32
      scf.for %while3A_393 = %select_n3A_175 to %while3A_390 step %while3A_391  : i32 {
        %add3A_394 = arith.constant 0 : i32
        %add3A_395 = arith.addi %add3A_394, %while3A_393 : i32
        %dma_start3A_396 = arith.constant 0 : i32
        %dma_start3A_397 = arith.constant 0 : i32
        %dma_start3A_398 = tpu.memref_slice %arg12[%dma_start3A_396, %dma_start3A_397] : memref<48x1024xf32, #tpu.memory_space<vmem>> -> memref<16x1024xf32, #tpu.memory_space<vmem>>
        %dma_start3A_399 = arith.constant 0 : i32
        %dma_start3A_400 = tpu.memref_slice %arg11[%add3A_395, %dma_start3A_399] : memref<195x16xi32, #tpu.memory_space<vmem>> -> memref<1x16xi32, #tpu.memory_space<vmem>>
        %dma_start3A_401 = tpu.memref_squeeze %dma_start3A_400 : memref<1x16xi32, #tpu.memory_space<vmem>> -> memref<16xi32, #tpu.memory_space<vmem>>
        %dma_start3A_402 = arith.constant 0 : i32
        %dma_start3A_403 = arith.constant 0 : i32
        %dma_start3A_404 = tpu.memref_slice %arg6[%dma_start3A_402, %dma_start3A_403] : memref<32768x1024xf32, #tpu.memory_space<hbm>> -> memref<32768x1024xf32, #tpu.memory_space<hbm>>
        tpu.enqueue_indirect_dma source(%dma_start3A_398 : memref<16x1024xf32, #tpu.memory_space<vmem>>) target(%dma_start3A_404 : memref<32768x1024xf32, #tpu.memory_space<hbm>>) offsets(%dma_start3A_401 : memref<16xi32, #tpu.memory_space<vmem>>) semaphore(%arg13 : memref<!tpu.dma_semaphore, #tpu.memory_space<semaphore_mem>>)
      }
      %while3A_392 = arith.constant 1 : i32
      scf.for %while3A_393 = %while3A_390 to %while3A_386 step %while3A_392  : i32 {
        %add3A_394 = arith.constant 0 : i32
        %add3A_395 = arith.addi %add3A_394, %while3A_393 : i32
        %dma_start3A_396 = arith.constant 0 : i32
        %dma_start3A_397 = arith.constant 0 : i32
        %dma_start3A_398 = tpu.memref_slice %arg12[%dma_start3A_396, %dma_start3A_397] : memref<48x1024xf32, #tpu.memory_space<vmem>> -> memref<16x1024xf32, #tpu.memory_space<vmem>>
        %dma_start3A_399 = arith.constant 0 : i32
        %dma_start3A_400 = tpu.memref_slice %arg11[%add3A_395, %dma_start3A_399] : memref<195x16xi32, #tpu.memory_space<vmem>> -> memref<1x16xi32, #tpu.memory_space<vmem>>
        %dma_start3A_401 = tpu.memref_squeeze %dma_start3A_400 : memref<1x16xi32, #tpu.memory_space<vmem>> -> memref<16xi32, #tpu.memory_space<vmem>>
        %dma_start3A_402 = arith.constant 0 : i32
        %dma_start3A_403 = arith.constant 0 : i32
        %dma_start3A_404 = tpu.memref_slice %arg6[%dma_start3A_402, %dma_start3A_403] : memref<32768x1024xf32, #tpu.memory_space<hbm>> -> memref<32768x1024xf32, #tpu.memory_space<hbm>>
        tpu.enqueue_indirect_dma source(%dma_start3A_398 : memref<16x1024xf32, #tpu.memory_space<vmem>>) target(%dma_start3A_404 : memref<32768x1024xf32, #tpu.memory_space<hbm>>) offsets(%dma_start3A_401 : memref<16xi32, #tpu.memory_space<vmem>>) semaphore(%arg13 : memref<!tpu.dma_semaphore, #tpu.memory_space<semaphore_mem>>)
      }
    } else {
    }
    %gt3A_179 = arith.constant 0 : i32
    %gt3A_180 = arith.cmpi sgt, %scan3A_148#1, %gt3A_179 : i32
    %jit3A_181 = arith.constant 16 : i32
    %div3A_182 = arith.divsi %scan3A_39#1, %jit3A_181 : i32
    %sign3A_183 = arith.constant 0 : i32
    %sign3A_184 = arith.cmpi sgt, %scan3A_39#1, %sign3A_183 : i32
    %sign3A_185 = arith.extui %sign3A_184 : i1 to i32
    %sign3A_186 = arith.constant 0 : i32
    %sign3A_187 = arith.cmpi slt, %scan3A_39#1, %sign3A_186 : i32
    %sign3A_188 = arith.extui %sign3A_187 : i1 to i32
    %sign3A_189 = arith.subi %sign3A_185, %sign3A_188 : i32
    %sign3A_190 = arith.constant 0 : i32
    %sign3A_191 = arith.cmpi sgt, %jit3A_181, %sign3A_190 : i32
    %sign3A_192 = arith.extui %sign3A_191 : i1 to i32
    %sign3A_193 = arith.constant 0 : i32
    %sign3A_194 = arith.cmpi slt, %jit3A_181, %sign3A_193 : i32
    %sign3A_195 = arith.extui %sign3A_194 : i1 to i32
    %sign3A_196 = arith.subi %sign3A_192, %sign3A_195 : i32
    %ne3A_197 = arith.cmpi ne, %sign3A_189, %sign3A_196 : i32
    %rem3A_198 = arith.remsi %scan3A_39#1, %jit3A_181 : i32
    %ne3A_199 = arith.constant 0 : i32
    %ne3A_200 = arith.cmpi ne, %rem3A_198, %ne3A_199 : i32
    %and3A_201 = arith.andi %ne3A_197, %ne3A_200 : i1
    %sub3A_202 = arith.constant 1 : i32
    %sub3A_203 = arith.subi %div3A_182, %sub3A_202 : i32
    %select_n3A_204 = arith.select %and3A_201, %sub3A_203, %div3A_182 : i32
    %convert_element_type3A_205 = arith.extui %gt3A_180 : i1 to i32
    %cond3A_206 = arith.constant 0 : i32
    %cond3A_207 = arith.cmpi ne, %convert_element_type3A_205, %cond3A_206 : i32
    scf.if %cond3A_207 {
      %add3A_334 = arith.constant 1040 : i32
      %add3A_335 = arith.addi %add3A_334, %scan3A_148#1 : i32
      %sub3A_336 = arith.constant 1 : i32
      %sub3A_337 = arith.subi %add3A_335, %sub3A_336 : i32
      %get3A = arith.index_cast %sub3A_337 : i32 to index
      %get3A_338 = tpu.vector_load %arg10[%get3A] {strides = array<i32>} : memref<3136xi32, #tpu.memory_space<vmem>>, vector<16xi32>,
      %get3A_339 = vector.shape_cast %get3A_338 : vector<16xi32> to vector<16xi32>
      %slice3A = vector.extract_strided_slice %get3A_339 {offsets = [0], sizes = [1], strides = [1]} : vector<16xi32> to vector<1xi32>
      %squeeze3A = vector.extract %slice3A[0] : i32 from vector<1xi32>
      %add3A_340 = vector.broadcast %squeeze3A : i32 to vector<16xi32>
      %add3A_341 = arith.addi %broadcast_in_dim3A_30, %add3A_340 : vector<16xi32>
      %add3A_342 = arith.constant 1040 : i32
      %add3A_343 = arith.addi %add3A_342, %scan3A_148#1 : i32
      %swap3A = arith.index_cast %add3A_343 : i32 to index
      %swap3A_344 = tpu.vector_load %arg10[%swap3A] {strides = array<i32>} : memref<3136xi32, #tpu.memory_space<vmem>>, vector<16xi32>,
      %swap3A_345 = vector.shape_cast %swap3A_344 : vector<16xi32> to vector<16xi32>
      %swap3A_346 = vector.shape_cast %add3A_341 : vector<16xi32> to vector<16xi32>
      tpu.vector_store %arg10[%swap3A], %swap3A_346 {strides = array<i32>} : memref<3136xi32, #tpu.memory_space<vmem>>, vector<16xi32>,
      %add3A_347 = arith.constant 16 : i32
      %add3A_348 = arith.addi %scan3A_148#1, %add3A_347 : i32
      %sub3A_349 = arith.constant 1 : i32
      %sub3A_350 = arith.subi %add3A_348, %sub3A_349 : i32
      %jit3A_351 = arith.constant 16 : i32
      %div3A_352 = arith.divsi %sub3A_350, %jit3A_351 : i32
      %sign3A_353 = arith.constant 0 : i32
      %sign3A_354 = arith.cmpi sgt, %sub3A_350, %sign3A_353 : i32
      %sign3A_355 = arith.extui %sign3A_354 : i1 to i32
      %sign3A_356 = arith.constant 0 : i32
      %sign3A_357 = arith.cmpi slt, %sub3A_350, %sign3A_356 : i32
      %sign3A_358 = arith.extui %sign3A_357 : i1 to i32
      %sign3A_359 = arith.subi %sign3A_355, %sign3A_358 : i32
      %sign3A_360 = arith.constant 0 : i32
      %sign3A_361 = arith.cmpi sgt, %jit3A_351, %sign3A_360 : i32
      %sign3A_362 = arith.extui %sign3A_361 : i1 to i32
      %sign3A_363 = arith.constant 0 : i32
      %sign3A_364 = arith.cmpi slt, %jit3A_351, %sign3A_363 : i32
      %sign3A_365 = arith.extui %sign3A_364 : i1 to i32
      %sign3A_366 = arith.subi %sign3A_362, %sign3A_365 : i32
      %ne3A_367 = arith.cmpi ne, %sign3A_359, %sign3A_366 : i32
      %rem3A_368 = arith.remsi %sub3A_350, %jit3A_351 : i32
      %ne3A_369 = arith.constant 0 : i32
      %ne3A_370 = arith.cmpi ne, %rem3A_368, %ne3A_369 : i32
      %and3A_371 = arith.andi %ne3A_367, %ne3A_370 : i1
      %sub3A_372 = arith.constant 1 : i32
      %sub3A_373 = arith.subi %div3A_352, %sub3A_372 : i32
      %select_n3A_374 = arith.select %and3A_371, %sub3A_373, %div3A_352 : i32
      %while3A_375 = arith.constant 0 : i32
      %while3A_376 = arith.subi %select_n3A_374, %select_n3A_204 : i32
      %while3A_377 = arith.addi %select_n3A_204, %while3A_376 : i32
      %while3A_378 = arith.constant 1 : i32
      %while3A_379 = arith.divsi %while3A_376, %while3A_378 : i32
      %while3A_380 = arith.muli %while3A_379, %while3A_378 : i32
      %while3A_381 = arith.addi %select_n3A_204, %while3A_380 : i32
      %while3A_382 = arith.constant 1 : i32
      scf.for %while3A_393 = %select_n3A_204 to %while3A_381 step %while3A_382  : i32 {
        %mul3A_394 = arith.constant 16 : i32
        %mul3A_395 = arith.muli %while3A_393, %mul3A_394 : i32
        %add3A_396 = arith.constant 1040 : i32
        %add3A_397 = arith.addi %add3A_396, %mul3A_395 : i32
        %get3A_398 = arith.index_cast %add3A_397 : i32 to index
        %get3A_399 = tpu.vector_load %arg10[%get3A_398] {strides = array<i32>} : memref<3136xi32, #tpu.memory_space<vmem>>, vector<16xi32>,
        %get3A_400 = vector.shape_cast %get3A_399 : vector<16xi32> to vector<16xi32>
        %add3A_401 = arith.constant 65 : i32
        %add3A_402 = arith.addi %add3A_401, %while3A_393 : i32
        %swap3A_403 = arith.index_cast %add3A_402 : i32 to index
        %swap3A_404 = arith.constant 0 : index
        %swap3A_405 = tpu.vector_load %arg11[%swap3A_403, %swap3A_404] {strides = array<i32>} : memref<195x16xi32, #tpu.memory_space<vmem>>, vector<1x16xi32>,
        %swap3A_406 = vector.shape_cast %swap3A_405 : vector<1x16xi32> to vector<16xi32>
        %swap3A_407 = vector.shape_cast %get3A_400 : vector<16xi32> to vector<1x16xi32>
        tpu.vector_store %arg11[%swap3A_403, %swap3A_404], %swap3A_407 {strides = array<i32>} : memref<195x16xi32, #tpu.memory_space<vmem>>, vector<1x16xi32>,
      }
      %while3A_383 = arith.constant 1 : i32
      scf.for %while3A_393 = %while3A_381 to %while3A_377 step %while3A_383  : i32 {
        %mul3A_394 = arith.constant 16 : i32
        %mul3A_395 = arith.muli %while3A_393, %mul3A_394 : i32
        %add3A_396 = arith.constant 1040 : i32
        %add3A_397 = arith.addi %add3A_396, %mul3A_395 : i32
        %get3A_398 = arith.index_cast %add3A_397 : i32 to index
        %get3A_399 = tpu.vector_load %arg10[%get3A_398] {strides = array<i32>} : memref<3136xi32, #tpu.memory_space<vmem>>, vector<16xi32>,
        %get3A_400 = vector.shape_cast %get3A_399 : vector<16xi32> to vector<16xi32>
        %add3A_401 = arith.constant 65 : i32
        %add3A_402 = arith.addi %add3A_401, %while3A_393 : i32
        %swap3A_403 = arith.index_cast %add3A_402 : i32 to index
        %swap3A_404 = arith.constant 0 : index
        %swap3A_405 = tpu.vector_load %arg11[%swap3A_403, %swap3A_404] {strides = array<i32>} : memref<195x16xi32, #tpu.memory_space<vmem>>, vector<1x16xi32>,
        %swap3A_406 = vector.shape_cast %swap3A_405 : vector<1x16xi32> to vector<16xi32>
        %swap3A_407 = vector.shape_cast %get3A_400 : vector<16xi32> to vector<1x16xi32>
        tpu.vector_store %arg11[%swap3A_403, %swap3A_404], %swap3A_407 {strides = array<i32>} : memref<195x16xi32, #tpu.memory_space<vmem>>, vector<1x16xi32>,
      }
      %while3A_384 = arith.constant 0 : i32
      %while3A_385 = arith.subi %select_n3A_374, %select_n3A_204 : i32
      %while3A_386 = arith.addi %select_n3A_204, %while3A_385 : i32
      %while3A_387 = arith.constant 1 : i32
      %while3A_388 = arith.divsi %while3A_385, %while3A_387 : i32
      %while3A_389 = arith.muli %while3A_388, %while3A_387 : i32
      %while3A_390 = arith.addi %select_n3A_204, %while3A_389 : i32
      %while3A_391 = arith.constant 1 : i32
      scf.for %while3A_393 = %select_n3A_204 to %while3A_390 step %while3A_391  : i32 {
        %add3A_394 = arith.constant 65 : i32
        %add3A_395 = arith.addi %add3A_394, %while3A_393 : i32
        %dma_start3A_396 = arith.constant 16 : i32
        %dma_start3A_397 = arith.constant 0 : i32
        %dma_start3A_398 = tpu.memref_slice %arg12[%dma_start3A_396, %dma_start3A_397] : memref<48x1024xf32, #tpu.memory_space<vmem>> -> memref<16x1024xf32, #tpu.memory_space<vmem>>
        %dma_start3A_399 = arith.constant 0 : i32
        %dma_start3A_400 = tpu.memref_slice %arg11[%add3A_395, %dma_start3A_399] : memref<195x16xi32, #tpu.memory_space<vmem>> -> memref<1x16xi32, #tpu.memory_space<vmem>>
        %dma_start3A_401 = tpu.memref_squeeze %dma_start3A_400 : memref<1x16xi32, #tpu.memory_space<vmem>> -> memref<16xi32, #tpu.memory_space<vmem>>
        %dma_start3A_402 = arith.constant 0 : i32
        %dma_start3A_403 = arith.constant 0 : i32
        %dma_start3A_404 = tpu.memref_slice %arg6[%dma_start3A_402, %dma_start3A_403] : memref<32768x1024xf32, #tpu.memory_space<hbm>> -> memref<32768x1024xf32, #tpu.memory_space<hbm>>
        tpu.enqueue_indirect_dma source(%dma_start3A_398 : memref<16x1024xf32, #tpu.memory_space<vmem>>) target(%dma_start3A_404 : memref<32768x1024xf32, #tpu.memory_space<hbm>>) offsets(%dma_start3A_401 : memref<16xi32, #tpu.memory_space<vmem>>) semaphore(%arg13 : memref<!tpu.dma_semaphore, #tpu.memory_space<semaphore_mem>>)
      }
      %while3A_392 = arith.constant 1 : i32
      scf.for %while3A_393 = %while3A_390 to %while3A_386 step %while3A_392  : i32 {
        %add3A_394 = arith.constant 65 : i32
        %add3A_395 = arith.addi %add3A_394, %while3A_393 : i32
        %dma_start3A_396 = arith.constant 16 : i32
        %dma_start3A_397 = arith.constant 0 : i32
        %dma_start3A_398 = tpu.memref_slice %arg12[%dma_start3A_396, %dma_start3A_397] : memref<48x1024xf32, #tpu.memory_space<vmem>> -> memref<16x1024xf32, #tpu.memory_space<vmem>>
        %dma_start3A_399 = arith.constant 0 : i32
        %dma_start3A_400 = tpu.memref_slice %arg11[%add3A_395, %dma_start3A_399] : memref<195x16xi32, #tpu.memory_space<vmem>> -> memref<1x16xi32, #tpu.memory_space<vmem>>
        %dma_start3A_401 = tpu.memref_squeeze %dma_start3A_400 : memref<1x16xi32, #tpu.memory_space<vmem>> -> memref<16xi32, #tpu.memory_space<vmem>>
        %dma_start3A_402 = arith.constant 0 : i32
        %dma_start3A_403 = arith.constant 0 : i32
        %dma_start3A_404 = tpu.memref_slice %arg6[%dma_start3A_402, %dma_start3A_403] : memref<32768x1024xf32, #tpu.memory_space<hbm>> -> memref<32768x1024xf32, #tpu.memory_space<hbm>>
        tpu.enqueue_indirect_dma source(%dma_start3A_398 : memref<16x1024xf32, #tpu.memory_space<vmem>>) target(%dma_start3A_404 : memref<32768x1024xf32, #tpu.memory_space<hbm>>) offsets(%dma_start3A_401 : memref<16xi32, #tpu.memory_space<vmem>>) semaphore(%arg13 : memref<!tpu.dma_semaphore, #tpu.memory_space<semaphore_mem>>)
      }
    } else {
    }
    %gt3A_208 = arith.constant 0 : i32
    %gt3A_209 = arith.cmpi sgt, %scan3A_148#2, %gt3A_208 : i32
    %jit3A_210 = arith.constant 16 : i32
    %div3A_211 = arith.divsi %scan3A_39#2, %jit3A_210 : i32
    %sign3A_212 = arith.constant 0 : i32
    %sign3A_213 = arith.cmpi sgt, %scan3A_39#2, %sign3A_212 : i32
    %sign3A_214 = arith.extui %sign3A_213 : i1 to i32
    %sign3A_215 = arith.constant 0 : i32
    %sign3A_216 = arith.cmpi slt, %scan3A_39#2, %sign3A_215 : i32
    %sign3A_217 = arith.extui %sign3A_216 : i1 to i32
    %sign3A_218 = arith.subi %sign3A_214, %sign3A_217 : i32
    %sign3A_219 = arith.constant 0 : i32
    %sign3A_220 = arith.cmpi sgt, %jit3A_210, %sign3A_219 : i32
    %sign3A_221 = arith.extui %sign3A_220 : i1 to i32
    %sign3A_222 = arith.constant 0 : i32
    %sign3A_223 = arith.cmpi slt, %jit3A_210, %sign3A_222 : i32
    %sign3A_224 = arith.extui %sign3A_223 : i1 to i32
    %sign3A_225 = arith.subi %sign3A_221, %sign3A_224 : i32
    %ne3A_226 = arith.cmpi ne, %sign3A_218, %sign3A_225 : i32
    %rem3A_227 = arith.remsi %scan3A_39#2, %jit3A_210 : i32
    %ne3A_228 = arith.constant 0 : i32
    %ne3A_229 = arith.cmpi ne, %rem3A_227, %ne3A_228 : i32
    %and3A_230 = arith.andi %ne3A_226, %ne3A_229 : i1
    %sub3A_231 = arith.constant 1 : i32
    %sub3A_232 = arith.subi %div3A_211, %sub3A_231 : i32
    %select_n3A_233 = arith.select %and3A_230, %sub3A_232, %div3A_211 : i32
    %convert_element_type3A_234 = arith.extui %gt3A_209 : i1 to i32
    %cond3A_235 = arith.constant 0 : i32
    %cond3A_236 = arith.cmpi ne, %convert_element_type3A_234, %cond3A_235 : i32
    scf.if %cond3A_236 {
      %add3A_334 = arith.constant 2080 : i32
      %add3A_335 = arith.addi %add3A_334, %scan3A_148#2 : i32
      %sub3A_336 = arith.constant 1 : i32
      %sub3A_337 = arith.subi %add3A_335, %sub3A_336 : i32
      %get3A = arith.index_cast %sub3A_337 : i32 to index
      %get3A_338 = tpu.vector_load %arg10[%get3A] {strides = array<i32>} : memref<3136xi32, #tpu.memory_space<vmem>>, vector<16xi32>,
      %get3A_339 = vector.shape_cast %get3A_338 : vector<16xi32> to vector<16xi32>
      %slice3A = vector.extract_strided_slice %get3A_339 {offsets = [0], sizes = [1], strides = [1]} : vector<16xi32> to vector<1xi32>
      %squeeze3A = vector.extract %slice3A[0] : i32 from vector<1xi32>
      %add3A_340 = vector.broadcast %squeeze3A : i32 to vector<16xi32>
      %add3A_341 = arith.addi %broadcast_in_dim3A_30, %add3A_340 : vector<16xi32>
      %add3A_342 = arith.constant 2080 : i32
      %add3A_343 = arith.addi %add3A_342, %scan3A_148#2 : i32
      %swap3A = arith.index_cast %add3A_343 : i32 to index
      %swap3A_344 = tpu.vector_load %arg10[%swap3A] {strides = array<i32>} : memref<3136xi32, #tpu.memory_space<vmem>>, vector<16xi32>,
      %swap3A_345 = vector.shape_cast %swap3A_344 : vector<16xi32> to vector<16xi32>
      %swap3A_346 = vector.shape_cast %add3A_341 : vector<16xi32> to vector<16xi32>
      tpu.vector_store %arg10[%swap3A], %swap3A_346 {strides = array<i32>} : memref<3136xi32, #tpu.memory_space<vmem>>, vector<16xi32>,
      %add3A_347 = arith.constant 16 : i32
      %add3A_348 = arith.addi %scan3A_148#2, %add3A_347 : i32
      %sub3A_349 = arith.constant 1 : i32
      %sub3A_350 = arith.subi %add3A_348, %sub3A_349 : i32
      %jit3A_351 = arith.constant 16 : i32
      %div3A_352 = arith.divsi %sub3A_350, %jit3A_351 : i32
      %sign3A_353 = arith.constant 0 : i32
      %sign3A_354 = arith.cmpi sgt, %sub3A_350, %sign3A_353 : i32
      %sign3A_355 = arith.extui %sign3A_354 : i1 to i32
      %sign3A_356 = arith.constant 0 : i32
      %sign3A_357 = arith.cmpi slt, %sub3A_350, %sign3A_356 : i32
      %sign3A_358 = arith.extui %sign3A_357 : i1 to i32
      %sign3A_359 = arith.subi %sign3A_355, %sign3A_358 : i32
      %sign3A_360 = arith.constant 0 : i32
      %sign3A_361 = arith.cmpi sgt, %jit3A_351, %sign3A_360 : i32
      %sign3A_362 = arith.extui %sign3A_361 : i1 to i32
      %sign3A_363 = arith.constant 0 : i32
      %sign3A_364 = arith.cmpi slt, %jit3A_351, %sign3A_363 : i32
      %sign3A_365 = arith.extui %sign3A_364 : i1 to i32
      %sign3A_366 = arith.subi %sign3A_362, %sign3A_365 : i32
      %ne3A_367 = arith.cmpi ne, %sign3A_359, %sign3A_366 : i32
      %rem3A_368 = arith.remsi %sub3A_350, %jit3A_351 : i32
      %ne3A_369 = arith.constant 0 : i32
      %ne3A_370 = arith.cmpi ne, %rem3A_368, %ne3A_369 : i32
      %and3A_371 = arith.andi %ne3A_367, %ne3A_370 : i1
      %sub3A_372 = arith.constant 1 : i32
      %sub3A_373 = arith.subi %div3A_352, %sub3A_372 : i32
      %select_n3A_374 = arith.select %and3A_371, %sub3A_373, %div3A_352 : i32
      %while3A_375 = arith.constant 0 : i32
      %while3A_376 = arith.subi %select_n3A_374, %select_n3A_233 : i32
      %while3A_377 = arith.addi %select_n3A_233, %while3A_376 : i32
      %while3A_378 = arith.constant 1 : i32
      %while3A_379 = arith.divsi %while3A_376, %while3A_378 : i32
      %while3A_380 = arith.muli %while3A_379, %while3A_378 : i32
      %while3A_381 = arith.addi %select_n3A_233, %while3A_380 : i32
      %while3A_382 = arith.constant 1 : i32
      scf.for %while3A_393 = %select_n3A_233 to %while3A_381 step %while3A_382  : i32 {
        %mul3A_394 = arith.constant 16 : i32
        %mul3A_395 = arith.muli %while3A_393, %mul3A_394 : i32
        %add3A_396 = arith.constant 2080 : i32
        %add3A_397 = arith.addi %add3A_396, %mul3A_395 : i32
        %get3A_398 = arith.index_cast %add3A_397 : i32 to index
        %get3A_399 = tpu.vector_load %arg10[%get3A_398] {strides = array<i32>} : memref<3136xi32, #tpu.memory_space<vmem>>, vector<16xi32>,
        %get3A_400 = vector.shape_cast %get3A_399 : vector<16xi32> to vector<16xi32>
        %add3A_401 = arith.constant 130 : i32
        %add3A_402 = arith.addi %add3A_401, %while3A_393 : i32
        %swap3A_403 = arith.index_cast %add3A_402 : i32 to index
        %swap3A_404 = arith.constant 0 : index
        %swap3A_405 = tpu.vector_load %arg11[%swap3A_403, %swap3A_404] {strides = array<i32>} : memref<195x16xi32, #tpu.memory_space<vmem>>, vector<1x16xi32>,
        %swap3A_406 = vector.shape_cast %swap3A_405 : vector<1x16xi32> to vector<16xi32>
        %swap3A_407 = vector.shape_cast %get3A_400 : vector<16xi32> to vector<1x16xi32>
        tpu.vector_store %arg11[%swap3A_403, %swap3A_404], %swap3A_407 {strides = array<i32>} : memref<195x16xi32, #tpu.memory_space<vmem>>, vector<1x16xi32>,
      }
      %while3A_383 = arith.constant 1 : i32
      scf.for %while3A_393 = %while3A_381 to %while3A_377 step %while3A_383  : i32 {
        %mul3A_394 = arith.constant 16 : i32
        %mul3A_395 = arith.muli %while3A_393, %mul3A_394 : i32
        %add3A_396 = arith.constant 2080 : i32
        %add3A_397 = arith.addi %add3A_396, %mul3A_395 : i32
        %get3A_398 = arith.index_cast %add3A_397 : i32 to index
        %get3A_399 = tpu.vector_load %arg10[%get3A_398] {strides = array<i32>} : memref<3136xi32, #tpu.memory_space<vmem>>, vector<16xi32>,
        %get3A_400 = vector.shape_cast %get3A_399 : vector<16xi32> to vector<16xi32>
        %add3A_401 = arith.constant 130 : i32
        %add3A_402 = arith.addi %add3A_401, %while3A_393 : i32
        %swap3A_403 = arith.index_cast %add3A_402 : i32 to index
        %swap3A_404 = arith.constant 0 : index
        %swap3A_405 = tpu.vector_load %arg11[%swap3A_403, %swap3A_404] {strides = array<i32>} : memref<195x16xi32, #tpu.memory_space<vmem>>, vector<1x16xi32>,
        %swap3A_406 = vector.shape_cast %swap3A_405 : vector<1x16xi32> to vector<16xi32>
        %swap3A_407 = vector.shape_cast %get3A_400 : vector<16xi32> to vector<1x16xi32>
        tpu.vector_store %arg11[%swap3A_403, %swap3A_404], %swap3A_407 {strides = array<i32>} : memref<195x16xi32, #tpu.memory_space<vmem>>, vector<1x16xi32>,
      }
      %while3A_384 = arith.constant 0 : i32
      %while3A_385 = arith.subi %select_n3A_374, %select_n3A_233 : i32
      %while3A_386 = arith.addi %select_n3A_233, %while3A_385 : i32
      %while3A_387 = arith.constant 1 : i32
      %while3A_388 = arith.divsi %while3A_385, %while3A_387 : i32
      %while3A_389 = arith.muli %while3A_388, %while3A_387 : i32
      %while3A_390 = arith.addi %select_n3A_233, %while3A_389 : i32
      %while3A_391 = arith.constant 1 : i32
      scf.for %while3A_393 = %select_n3A_233 to %while3A_390 step %while3A_391  : i32 {
        %add3A_394 = arith.constant 130 : i32
        %add3A_395 = arith.addi %add3A_394, %while3A_393 : i32
        %dma_start3A_396 = arith.constant 32 : i32
        %dma_start3A_397 = arith.constant 0 : i32
        %dma_start3A_398 = tpu.memref_slice %arg12[%dma_start3A_396, %dma_start3A_397] : memref<48x1024xf32, #tpu.memory_space<vmem>> -> memref<16x1024xf32, #tpu.memory_space<vmem>>
        %dma_start3A_399 = arith.constant 0 : i32
        %dma_start3A_400 = tpu.memref_slice %arg11[%add3A_395, %dma_start3A_399] : memref<195x16xi32, #tpu.memory_space<vmem>> -> memref<1x16xi32, #tpu.memory_space<vmem>>
        %dma_start3A_401 = tpu.memref_squeeze %dma_start3A_400 : memref<1x16xi32, #tpu.memory_space<vmem>> -> memref<16xi32, #tpu.memory_space<vmem>>
        %dma_start3A_402 = arith.constant 0 : i32
        %dma_start3A_403 = arith.constant 0 : i32
        %dma_start3A_404 = tpu.memref_slice %arg6[%dma_start3A_402, %dma_start3A_403] : memref<32768x1024xf32, #tpu.memory_space<hbm>> -> memref<32768x1024xf32, #tpu.memory_space<hbm>>
        tpu.enqueue_indirect_dma source(%dma_start3A_398 : memref<16x1024xf32, #tpu.memory_space<vmem>>) target(%dma_start3A_404 : memref<32768x1024xf32, #tpu.memory_space<hbm>>) offsets(%dma_start3A_401 : memref<16xi32, #tpu.memory_space<vmem>>) semaphore(%arg13 : memref<!tpu.dma_semaphore, #tpu.memory_space<semaphore_mem>>)
      }
      %while3A_392 = arith.constant 1 : i32
      scf.for %while3A_393 = %while3A_390 to %while3A_386 step %while3A_392  : i32 {
        %add3A_394 = arith.constant 130 : i32
        %add3A_395 = arith.addi %add3A_394, %while3A_393 : i32
        %dma_start3A_396 = arith.constant 32 : i32
        %dma_start3A_397 = arith.constant 0 : i32
        %dma_start3A_398 = tpu.memref_slice %arg12[%dma_start3A_396, %dma_start3A_397] : memref<48x1024xf32, #tpu.memory_space<vmem>> -> memref<16x1024xf32, #tpu.memory_space<vmem>>
        %dma_start3A_399 = arith.constant 0 : i32
        %dma_start3A_400 = tpu.memref_slice %arg11[%add3A_395, %dma_start3A_399] : memref<195x16xi32, #tpu.memory_space<vmem>> -> memref<1x16xi32, #tpu.memory_space<vmem>>
        %dma_start3A_401 = tpu.memref_squeeze %dma_start3A_400 : memref<1x16xi32, #tpu.memory_space<vmem>> -> memref<16xi32, #tpu.memory_space<vmem>>
        %dma_start3A_402 = arith.constant 0 : i32
        %dma_start3A_403 = arith.constant 0 : i32
        %dma_start3A_404 = tpu.memref_slice %arg6[%dma_start3A_402, %dma_start3A_403] : memref<32768x1024xf32, #tpu.memory_space<hbm>> -> memref<32768x1024xf32, #tpu.memory_space<hbm>>
        tpu.enqueue_indirect_dma source(%dma_start3A_398 : memref<16x1024xf32, #tpu.memory_space<vmem>>) target(%dma_start3A_404 : memref<32768x1024xf32, #tpu.memory_space<hbm>>) offsets(%dma_start3A_401 : memref<16xi32, #tpu.memory_space<vmem>>) semaphore(%arg13 : memref<!tpu.dma_semaphore, #tpu.memory_space<semaphore_mem>>)
      }
    } else {
    }
    %add3A_237 = arith.constant 16 : i32
    %add3A_238 = arith.addi %scan3A_148#0, %add3A_237 : i32
    %sub3A_239 = arith.constant 1 : i32
    %sub3A_240 = arith.subi %add3A_238, %sub3A_239 : i32
    %jit3A_241 = arith.constant 16 : i32
    %div3A_242 = arith.divsi %sub3A_240, %jit3A_241 : i32
    %sign3A_243 = arith.constant 0 : i32
    %sign3A_244 = arith.cmpi sgt, %sub3A_240, %sign3A_243 : i32
    %sign3A_245 = arith.extui %sign3A_244 : i1 to i32
    %sign3A_246 = arith.constant 0 : i32
    %sign3A_247 = arith.cmpi slt, %sub3A_240, %sign3A_246 : i32
    %sign3A_248 = arith.extui %sign3A_247 : i1 to i32
    %sign3A_249 = arith.subi %sign3A_245, %sign3A_248 : i32
    %sign3A_250 = arith.constant 0 : i32
    %sign3A_251 = arith.cmpi sgt, %jit3A_241, %sign3A_250 : i32
    %sign3A_252 = arith.extui %sign3A_251 : i1 to i32
    %sign3A_253 = arith.constant 0 : i32
    %sign3A_254 = arith.cmpi slt, %jit3A_241, %sign3A_253 : i32
    %sign3A_255 = arith.extui %sign3A_254 : i1 to i32
    %sign3A_256 = arith.subi %sign3A_252, %sign3A_255 : i32
    %ne3A_257 = arith.cmpi ne, %sign3A_249, %sign3A_256 : i32
    %rem3A_258 = arith.remsi %sub3A_240, %jit3A_241 : i32
    %ne3A_259 = arith.constant 0 : i32
    %ne3A_260 = arith.cmpi ne, %rem3A_258, %ne3A_259 : i32
    %and3A_261 = arith.andi %ne3A_257, %ne3A_260 : i1
    %sub3A_262 = arith.constant 1 : i32
    %sub3A_263 = arith.subi %div3A_242, %sub3A_262 : i32
    %select_n3A_264 = arith.select %and3A_261, %sub3A_263, %div3A_242 : i32
    %add3A_265 = arith.constant 0 : i32
    %add3A_266 = arith.addi %add3A_265, %select_n3A_264 : i32
    %add3A_267 = arith.constant 16 : i32
    %add3A_268 = arith.addi %scan3A_148#1, %add3A_267 : i32
    %sub3A_269 = arith.constant 1 : i32
    %sub3A_270 = arith.subi %add3A_268, %sub3A_269 : i32
    %jit3A_271 = arith.constant 16 : i32
    %div3A_272 = arith.divsi %sub3A_270, %jit3A_271 : i32
    %sign3A_273 = arith.constant 0 : i32
    %sign3A_274 = arith.cmpi sgt, %sub3A_270, %sign3A_273 : i32
    %sign3A_275 = arith.extui %sign3A_274 : i1 to i32
    %sign3A_276 = arith.constant 0 : i32
    %sign3A_277 = arith.cmpi slt, %sub3A_270, %sign3A_276 : i32
    %sign3A_278 = arith.extui %sign3A_277 : i1 to i32
    %sign3A_279 = arith.subi %sign3A_275, %sign3A_278 : i32
    %sign3A_280 = arith.constant 0 : i32
    %sign3A_281 = arith.cmpi sgt, %jit3A_271, %sign3A_280 : i32
    %sign3A_282 = arith.extui %sign3A_281 : i1 to i32
    %sign3A_283 = arith.constant 0 : i32
    %sign3A_284 = arith.cmpi slt, %jit3A_271, %sign3A_283 : i32
    %sign3A_285 = arith.extui %sign3A_284 : i1 to i32
    %sign3A_286 = arith.subi %sign3A_282, %sign3A_285 : i32
    %ne3A_287 = arith.cmpi ne, %sign3A_279, %sign3A_286 : i32
    %rem3A_288 = arith.remsi %sub3A_270, %jit3A_271 : i32
    %ne3A_289 = arith.constant 0 : i32
    %ne3A_290 = arith.cmpi ne, %rem3A_288, %ne3A_289 : i32
    %and3A_291 = arith.andi %ne3A_287, %ne3A_290 : i1
    %sub3A_292 = arith.constant 1 : i32
    %sub3A_293 = arith.subi %div3A_272, %sub3A_292 : i32
    %select_n3A_294 = arith.select %and3A_291, %sub3A_293, %div3A_272 : i32
    %add3A_295 = arith.addi %add3A_266, %select_n3A_294 : i32
    %add3A_296 = arith.constant 16 : i32
    %add3A_297 = arith.addi %scan3A_148#2, %add3A_296 : i32
    %sub3A_298 = arith.constant 1 : i32
    %sub3A_299 = arith.subi %add3A_297, %sub3A_298 : i32
    %jit3A_300 = arith.constant 16 : i32
    %div3A_301 = arith.divsi %sub3A_299, %jit3A_300 : i32
    %sign3A_302 = arith.constant 0 : i32
    %sign3A_303 = arith.cmpi sgt, %sub3A_299, %sign3A_302 : i32
    %sign3A_304 = arith.extui %sign3A_303 : i1 to i32
    %sign3A_305 = arith.constant 0 : i32
    %sign3A_306 = arith.cmpi slt, %sub3A_299, %sign3A_305 : i32
    %sign3A_307 = arith.extui %sign3A_306 : i1 to i32
    %sign3A_308 = arith.subi %sign3A_304, %sign3A_307 : i32
    %sign3A_309 = arith.constant 0 : i32
    %sign3A_310 = arith.cmpi sgt, %jit3A_300, %sign3A_309 : i32
    %sign3A_311 = arith.extui %sign3A_310 : i1 to i32
    %sign3A_312 = arith.constant 0 : i32
    %sign3A_313 = arith.cmpi slt, %jit3A_300, %sign3A_312 : i32
    %sign3A_314 = arith.extui %sign3A_313 : i1 to i32
    %sign3A_315 = arith.subi %sign3A_311, %sign3A_314 : i32
    %ne3A_316 = arith.cmpi ne, %sign3A_308, %sign3A_315 : i32
    %rem3A_317 = arith.remsi %sub3A_299, %jit3A_300 : i32
    %ne3A_318 = arith.constant 0 : i32
    %ne3A_319 = arith.cmpi ne, %rem3A_317, %ne3A_318 : i32
    %and3A_320 = arith.andi %ne3A_316, %ne3A_319 : i1
    %sub3A_321 = arith.constant 1 : i32
    %sub3A_322 = arith.subi %div3A_301, %sub3A_321 : i32
    %select_n3A_323 = arith.select %and3A_320, %sub3A_322, %div3A_301 : i32
    %add3A_324 = arith.addi %add3A_295, %select_n3A_323 : i32
    %while3A = arith.constant 0 : i32
    %while3A_325 = arith.constant 0 : i32
    %while3A_326 = arith.subi %add3A_324, %while3A_325 : i32
    %while3A_327 = arith.addi %while3A_325, %while3A_326 : i32
    %while3A_328 = arith.constant 1 : i32
    %while3A_329 = arith.divsi %while3A_326, %while3A_328 : i32
    %while3A_330 = arith.muli %while3A_329, %while3A_328 : i32
    %while3A_331 = arith.addi %while3A_325, %while3A_330 : i32
    %while3A_332 = arith.constant 1 : i32
    scf.for %while3A_334 = %while3A_325 to %while3A_331 step %while3A_332  : i32 {
      %dma_wait3A_335 = arith.constant 0 : i32
      %dma_wait3A_336 = arith.constant 0 : i32
      %dma_wait3A_337 = arith.constant 0 : i32
      %dma_wait3A_338 = tpu.memref_slice %arg12[%dma_wait3A_336, %dma_wait3A_337] : memref<48x1024xf32, #tpu.memory_space<vmem>> -> memref<16x1024xf32, #tpu.memory_space<vmem>>
      %dma_wait3A_339 = arith.constant 0 : i32
      %dma_wait3A_340 = tpu.memref_slice %arg11[%dma_wait3A_335, %dma_wait3A_339] : memref<195x16xi32, #tpu.memory_space<vmem>> -> memref<1x16xi32, #tpu.memory_space<vmem>>
      %dma_wait3A_341 = tpu.memref_squeeze %dma_wait3A_340 : memref<1x16xi32, #tpu.memory_space<vmem>> -> memref<16xi32, #tpu.memory_space<vmem>>
      %dma_wait3A_342 = arith.constant 0 : i32
      %dma_wait3A_343 = arith.constant 0 : i32
      %dma_wait3A_344 = tpu.memref_slice %arg6[%dma_wait3A_342, %dma_wait3A_343] : memref<32768x1024xf32, #tpu.memory_space<hbm>> -> memref<32768x1024xf32, #tpu.memory_space<hbm>>
      tpu.wait_indirect_dma semaphore(%arg13 : memref<!tpu.dma_semaphore, #tpu.memory_space<semaphore_mem>>) src(%dma_wait3A_338 : memref<16x1024xf32, #tpu.memory_space<vmem>>) dst(%dma_wait3A_344 : memref<32768x1024xf32, #tpu.memory_space<hbm>>)
    }
    %while3A_333 = arith.constant 1 : i32
    scf.for %while3A_334 = %while3A_331 to %while3A_327 step %while3A_333  : i32 {
      %dma_wait3A_335 = arith.constant 0 : i32
      %dma_wait3A_336 = arith.constant 0 : i32
      %dma_wait3A_337 = arith.constant 0 : i32
      %dma_wait3A_338 = tpu.memref_slice %arg12[%dma_wait3A_336, %dma_wait3A_337] : memref<48x1024xf32, #tpu.memory_space<vmem>> -> memref<16x1024xf32, #tpu.memory_space<vmem>>
      %dma_wait3A_339 = arith.constant 0 : i32
      %dma_wait3A_340 = tpu.memref_slice %arg11[%dma_wait3A_335, %dma_wait3A_339] : memref<195x16xi32, #tpu.memory_space<vmem>> -> memref<1x16xi32, #tpu.memory_space<vmem>>
      %dma_wait3A_341 = tpu.memref_squeeze %dma_wait3A_340 : memref<1x16xi32, #tpu.memory_space<vmem>> -> memref<16xi32, #tpu.memory_space<vmem>>
      %dma_wait3A_342 = arith.constant 0 : i32
      %dma_wait3A_343 = arith.constant 0 : i32
      %dma_wait3A_344 = tpu.memref_slice %arg6[%dma_wait3A_342, %dma_wait3A_343] : memref<32768x1024xf32, #tpu.memory_space<hbm>> -> memref<32768x1024xf32, #tpu.memory_space<hbm>>
      tpu.wait_indirect_dma semaphore(%arg13 : memref<!tpu.dma_semaphore, #tpu.memory_space<semaphore_mem>>) src(%dma_wait3A_338 : memref<16x1024xf32, #tpu.memory_space<vmem>>) dst(%dma_wait3A_344 : memref<32768x1024xf32, #tpu.memory_space<hbm>>)
    }
    return
  }
}

</mosaic_0001>

<sc_bundles>
// kernel: kernel.3.cloned.1.call-start
scs
__scs_entry_jumppad:
0x0: {  	(pc) =	sbr.rel $0x88, $3  }
0x1: {  	(tag) =	ssettag $0x0;
	lr =	simm.s32 $0x1  }
0x2: {  	[smem:$0x3F9F] =	sst lr;
	_ =	strace $0xD0000000  }
0x3: {  	_ = 	snop  }
0x4: {  	_ = 	snop  }
0x5: {  	_ = 	snop  }
0x6: {  	_ = 	snop  }
0x7: {  	_ = 	snop  }
__scs_overlays_trampoline_lowered:
0x8: {  	[smem:$0x3FAE] =	sst s0  }
0x9: {  	[smem:$0x3FAF] =	sst s1  }
0xa: {  	[smem:$0x3FB0] =	sst s2  }
0xb: {  	[smem:$0x3FB1] =	sst s3  }
0xc: {  	[smem:$0x3FB2] =	sst s4  }
0xd: {  	[smem:$0x3FB3] =	sst s5  }
0xe: {  	[smem:$0x3FB4] =	sst s6  }
0xf: {  	[smem:$0x3FB5] =	sst s7  }
0x10: {  	[smem:$0x3FB6] =	sst s8  }
0x11: {  	[smem:$0x3FB7] =	sst s9;
	s0 =	simm.s32 @!p0 $0x0  }
0x12: {  	s1 =	sld [smem:$0x3F9D];
	s0 =	simm.s32 @p0 $0x1  }
0x13: {  	[smem:$0x3FB8] =	sst s0;
	s0 =	simm.s32 @!p1 $0x0  }
0x14: {  	s2 =	sld [smem:$0x3F9C];
	s0 =	simm.s32 @p1 $0x1  }
0x15: {  	[smem:$0x3FB9] =	sst s0;
	s0 =	simm.s32 @!p2 $0x0  }
0x16: {  	s3 =	sld [smem:$0x3FDB];
	s0 =	simm.s32 @p2 $0x1  }
0x17: {  	s4 =	simm.s32 $0x1BF5;
	[smem:$0x3FBB] =	sst s0  }
0x18: {  	s0 =	sld [smem:$0x3F9E];
	_ =	swait.ge [sflag:s4], $0x0  }
0x19: {  	s7 =	sld [smem:$0x3F9F]  }
0x1a: {  	s8 =	sadd.s32 $0xFFFFE003, lr  }
0x1b: {  	s9 =	sadd.s32 $0xFFFFFEF7, lr;
	s5 =	simm.s32 $0xFFFFFFFF;
	p2 =	slt.u32 s8, $0xFFFFF086  }
0x1c: {  	p1 =	slt.u32 s9, $0xF7A;
	s5 =	simm.s32 @!p2 $0x0  }
0x1d: {  	s5 =	simm.s32 @p1 $0x1;
	p0 =	seq.s32 s7, s2  }
0x1e: {  	s7 =	smul.u32 @!p0 $0xF7A, s2;
	p2 =	seq.s32 @!p0 s5, $0x0  }
0x1f: {  	s9 =	smul.u32 $0xF7A, s1;
	s8 =	simm.s32 @!p0 $0x1BF5;
	p2 =	por !p2, p0  }
0x20: {  	[sflag:s8] =	ssyncset.s32 @!p0 $0xFFFFF086;
	s6 =	sadd.s32 @!p0 s3, s7;
	s7 =	simm.s32 @!p0 $0x108  }
0x21: {  	s3 =	sadd.s32 s3, s9;
	s6 =	sadd.s32 @!p0 $0x88, s6;
	s7 =	simm.s32 @p2 $0x1082  }
0x22: {  	[simem:s7], [sflag:s8] =	dma.local @!p0 [hbm:s6], $0xF7A  }
0x23: {  	s9 =	sor.u32 $0xD0000000, s2;
	s6 =	simm.s32 $0x108;
	_ =	swait.ge @!p0 [sflag:s8], $0x0  }
0x24: {  	s3 =	sadd.s32 $0x88, s3;
	s6 =	simm.s32 @!p1 $0x1082;
	[sflag:s4] =	ssyncset.s32 $0xFFFFF086  }
0x25: {  	[simem:s6], [sflag:s4] =	dma.local [hbm:s3], $0xF7A  }
0x26: {  	[smem:$0x3F9F] =	sst s1;
	(tag) =	ssettag s2;
	_ =	strace s9  }
0x27: {  	s1 =	sld [smem:$0x3FAF]  }
0x28: {  	s2 =	sld [smem:$0x3FB0]  }
0x29: {  	s4 =	sld [smem:$0x3FB2]  }
0x2a: {  	p0 =	seq.s32 s5, $0x0;
	s5 =	sld [smem:$0x3FB3]  }
0x2b: {  	s6 =	sld [smem:$0x3FB4]  }
0x2c: {  	s7 =	sld [smem:$0x3FB5]  }
0x2d: {  	s3 =	simm.s32 $0x108;
	s8 =	sld [smem:$0x3FB6]  }
0x2e: {  	s3 =	simm.s32 @!p0 $0x1082;
	s9 =	sld [smem:$0x3FB7]  }
0x2f: {  	lr =	sadd.s32 s0, s3;
	s0 =	sld [smem:$0x3FAE]  }
0x30: {  	s3 =	sld [smem:$0x3FB1]  }
0x31: {  	[smem:$0x3FBA] =	sst s10  }
0x32: {  	s10 =	sld [smem:$0x3FB8];
	_ =	sdelay $0x3  }
0x33: {  	p0 =	seq.s32 s10, $0x1;
	s10 =	sld [smem:$0x3FBA];
	_ =	sdelay $0x3  }
0x34: {  	[smem:$0x3FBA] =	sst s10  }
0x35: {  	s10 =	sld [smem:$0x3FB9];
	_ =	sdelay $0x3  }
0x36: {  	p1 =	seq.s32 s10, $0x1;
	s10 =	sld [smem:$0x3FBA];
	_ =	sdelay $0x3  }
0x37: {  	[smem:$0x3FBA] =	sst s10  }
0x38: {  	s10 =	sld [smem:$0x3FBB]  }
0x39: {  	_ = 	snop;
	(pc) =	sbr.ind lr, $3  }
0x3a: {  	_ = 	snop  }
0x3b: {  	_ = 	snop  }
0x3c: {  	p2 =	seq.s32 s10, $0x1;
	s10 =	sld [smem:$0x3FBA]  }
0x3d: {  	_ =	shalt  }
0x3e: {  	_ =	shalt  }
0x3f: {  	_ =	shalt  }
0x40: {  	_ =	shalt  }
0x41: {  	_ =	shalt  }
0x42: {  	_ =	shalt  }
0x43: {  	_ =	shalt  }
0x44: {  	_ =	shalt  }
0x45: {  	_ =	shalt  }
0x46: {  	_ =	shalt  }
0x47: {  	_ =	shalt  }
0x48: {  	_ =	shalt  }
0x49: {  	_ =	shalt  }
0x4a: {  	_ =	shalt  }
0x4b: {  	_ =	shalt  }
0x4c: {  	_ =	shalt  }
0x4d: {  	_ =	shalt  }
0x4e: {  	_ =	shalt  }
0x4f: {  	_ =	shalt  }
0x50: {  	_ =	shalt  }
0x51: {  	_ =	shalt  }
0x52: {  	_ =	shalt  }
0x53: {  	_ =	shalt  }
0x54: {  	_ =	shalt  }
0x55: {  	_ =	shalt  }
0x56: {  	_ =	shalt  }
0x57: {  	_ =	shalt  }
0x58: {  	_ =	shalt  }
0x59: {  	_ =	shalt  }
0x5a: {  	_ =	shalt  }
0x5b: {  	_ =	shalt  }
0x5c: {  	_ =	shalt  }
0x5d: {  	_ =	shalt  }
0x5e: {  	_ =	shalt  }
0x5f: {  	_ =	shalt  }
0x60: {  	_ =	shalt  }
0x61: {  	_ =	shalt  }
0x62: {  	_ =	shalt  }
0x63: {  	_ =	shalt  }
0x64: {  	_ =	shalt  }
0x65: {  	_ =	shalt  }
0x66: {  	_ =	shalt  }
0x67: {  	_ =	shalt  }
0x68: {  	_ =	shalt  }
0x69: {  	_ =	shalt  }
0x6a: {  	_ =	shalt  }
0x6b: {  	_ =	shalt  }
0x6c: {  	_ =	shalt  }
0x6d: {  	_ =	shalt  }
0x6e: {  	_ =	shalt  }
0x6f: {  	_ =	shalt  }
0x70: {  	_ =	shalt  }
0x71: {  	_ =	shalt  }
0x72: {  	_ =	shalt  }
0x73: {  	_ =	shalt  }
0x74: {  	_ =	shalt  }
0x75: {  	_ =	shalt  }
0x76: {  	_ =	shalt  }
0x77: {  	_ =	shalt  }
0x78: {  	_ =	shalt  }
0x79: {  	_ =	shalt  }
0x7a: {  	_ =	shalt  }
0x7b: {  	_ =	shalt  }
0x7c: {  	_ =	shalt  }
0x7d: {  	_ =	shalt  }
0x7e: {  	_ =	shalt  }
0x7f: {  	_ =	shalt  }
0x80: {  	_ =	shalt  }
0x81: {  	_ =	shalt  }
0x82: {  	_ =	shalt  }
0x83: {  	_ =	shalt  }
0x84: {  	_ =	shalt  }
0x85: {  	_ =	shalt  }
0x86: {  	_ =	shalt  }
0x87: {  	_ =	shalt  }
.Lfunc_end0:
.L_simem_size_0:
called_computation_lowered:
.L_overlay_start_0:
0x88: {  	s2 =	sld [smem:$0x3FD9]  }
0x89: {  	s3 =	sld [smem:$0x3FFE];
	_ =	sdelay $0x1  }
0x8a: {  	s1 =	srdreg.scid  }
0x8b: {  	s0 =	sand.u32 $0x1, s1  }
0x8c: {  	s17 =	sshll.u32 s0, $0xA;
	s2 =	sadd.s32 s3, s2  }
0x8d: {  	s2 =	sadd.s32 s2, s17  }
0x8e: {  	[smem:$0x3FC6] =	sst s2  }
0x8f: {  	_ = 	snop  }
0x90: {  	s2 =	sld [smem:$0x3FD0];
	(tm) =	ssettm $0x1  }
0x91: {  	s18 =	sld [smem:$0x3FFB];
	_ =	sdelay $0x3  }
0x92: {  	_ =	strace s18  }
0x93: {  	s3 =	sld [smem:$0x3FFC];
	_ =	sdelay $0x3  }
0x94: {  	_ =	strace s3  }
0x95: {  	s3 =	sld [smem:$0x3FFD];
	_ =	sdelay $0x3  }
0x96: {  	_ =	strace s3  }
0x97: {  	_ =	strace $0x8FFFFFFF  }
0x98: {  	s19 =	sld [smem:$0x3FDB];
	_ =	sdelay $0x1  }
0x99: {  	s4 =	simm.s32 $_scs_section_size  }
0x9a: {  	s5 =	simm.s32 $_size__tile_overlayer_lowered;
	s6 =	simm.s32 $_tile_overlayer_lowered  }
0x9b: {  	s22 =	simm.s32 $0x1BFF;
	s21 =	sshll.u32 s6, $0x1;
	s3 =	sadd.s32 s4, s19  }
0x9c: {  	s7 =	simm.s32 $0x0;
	s20 =	sshll.u32 s5, $0x1;
	s5 =	sadd.s32 s21, s3  }
0x9d: {  	[timem:s7], [sflag:s22] =	dma.local [hbm:s5], s20  }
0x9e: {  	_ =	swait.ge [sflag:s22], s20  }
0x9f: {  	s4 =	ssub.s32 $0x0, s20;
	[sflag:s22] =	ssyncset.done $0x0  }
0xa0: {  	[sflag:s22] =	ssyncadd.s32 s4;
	_ =	sdelay $0x1  }
0xa1: {  	s23 =	simm.s32 $0x1B8B  }
0xa2: {  	_ =	swait.ge [sflag:s23], $0x1  }
0xa3: {  	[sflag:s23] =	ssyncset.done $0x0  }
0xa4: {  	s25 =	simm.s32 $0x1B8E;
	s24 =	sld [smem:$0x3FFE];
	[sflag:s23] =	ssyncadd.s32 $0xFFFFFFFF  }
0xa5: {  	s26 =	simm.s32 $execute0_lowered;
	[smem:$0x3FD2] =	sst s25  }
0xa6: {  	s5 =	sshll.u32 s26, $0x1;
	_ =	strace $0x80000046;
	[dreg:$0x1] =	wrdreg $0xFFFFFFFF  }
0xa7: {  	s28 =	simm.s32 $_size_execute0_lowered;
	s3 =	sadd.s32 s3, s5;
	[dreg:$0x0] =	wrdreg $0x0  }
0xa8: {  	s5 =	sshll.u32 s28, $0x1;
	[dreg:$0x2] =	wrdreg s3  }
0xa9: {  	[dreg:$0x3] =	wrdreg s5  }
0xaa: {  	[dreg:$0x4] =	wrdreg $0xC0  }
0xab: {  	_ =	task [dreg:s7], $0x5FFFF  }
0xac: {  	[dreg:$0x1] =	wrdreg $0xFFFFFFFF  }
0xad: {  	[dreg:$0x0] =	wrdreg $0x60  }
0xae: {  	[dreg:$0x2] =	wrdreg s24  }
0xaf: {  	[dreg:$0x3] =	wrdreg s2  }
0xb0: {  	[dreg:$0x4] =	wrdreg $0x9  }
0xb1: {  	_ =	task.clear_ibuf [dreg:s7], $0x5FFFF;
	_ =	strace $0x90000046  }
0xb2: {  	s29 =	simm.s32 $0x9;
	_ =	strace $0x80000048  }
0xb3: {  	_ =	swait.ge [sflag:s29], $0x1  }
0xb4: {  	[sflag:s29] =	ssyncadd.s32 $0xFFFFFFFF  }
0xb5: {  	_ =	strace $0x90000048  }
0xb6: {  	_ =	sfence  }
0xb7: {  	s30 =	sld [smem:$0x0];
	_ =	sdelay $0x2  }
0xb8: {  	s31 =	sshll.u32 s1, $0xD;
	s1 =	sshrl.u32 s1, $0x2  }
0xb9: {  	s3 =	sand.u32 $0x4000, s31;
	s1 =	sadd.s32 s1, s30  }
0xba: {  	s0 =	sor.u32 s3, s0;
	s1 =	sshll.u32 s1, $0x11  }
0xbb: {  	s0 =	sor.u32 s1, s0  }
0xbc: {  	s0 =	sadd.s32 $0x8F2B, s0  }
0xbd: {  	[sflag:s0] =	ssyncadd.remote.s32 $0x1  }
0xbe: {  	_ =	sfence.sel $0xFFFF  }
0xbf: {  	[dreg:$0x0] =	wrdreg $0xFFFFFFFF;
	(pc) =	sbr.abs _section_cstart, $3  }
0xc0: {  	[dreg:$0x1] =	wrdreg $0xFFFFFFFF  }
0xc1: {  	_ =	task.clear_ibuf [dreg:s7], $0x2FFFF;
	_ =	strace $0x9FFFFFFF  }
0xc2: {  	(tm) =	ssettm $0x7FFFFFFF  }
0xc3: {  	_ =	shalt  }
tec
execute0_lowered:
.L_overlay_start_1:
0x0: {  	(tag) =	ssettag $0x1  }
0x1: {  	s0 =	srdreg.scid;
	s1 =	rddreg [dreg:$0x0]  }
0x2: {  	s11 =	stileid.u32;
	s2 =	rddreg [dreg:$0x1];
	s17 =	simm.s32 $0x7C80  }
0x3: {  	s0 =	sand.u32 $0x1, s0;
	s3 =	sshll.u32 s11, $0x1;
	s8 =	sadd.s32 $0x100, s2  }
0x4: {  	s30 =	sshll.u32 s11, $0xB;
	s4 =	sor.u32 s0, s3;
	s3 =	simm.s32 $0x0  }
0x5: {  	s6 =	ssub.s32 $0x2, s0;
	s0 =	sshll.u32 s0, $0xA;
	s5 =	sand.u32 $0x7, s4  }
0x6: {  	[smem:$0x7FF] =	sst s3;
	s4 =	sshll.u32 s4, $0x7;
	s7 =	sshrl.u32 s6, $0x1  }
0x7: {  	s29 =	sor.u32 s0, s30;
	s5 =	smul.u32 $0x1800, s5;
	s4 =	sadd.s32 s4, s1  }
0x8: {  	_ =	strace $0x80000047;
	[dreg:$0x8] =	wrdreg s29;
	s25 =	sadd.s32 $0x2600, s4  }
.Ltmp0:
0x9: {  	s26 =	sadd.s32 $0x1600, s4;
	[dreg:$0x4] =	wrdreg s25;
	(pc) =	sbr.rel .LBB2_1-.Ltmp0, $4  }
0xa: {  	s24 =	ssub.s32 s6, s7;
	s28 =	sadd.s32 $0x600, s4;
	[dreg:$0x5] =	wrdreg s26  }
0xb: {  	v3 =	vlaneseq.u32;
	s31 =	smax.u32 s24, $0x1;
	s1 =	sadd.s32 s5, s1;
	[dreg:$0x6] =	wrdreg s28  }
0xc: {  	v0 =	vimm.s32 $0x0;
	vm0 =	vmmov $0xffff;
	s9 =	sadd.s32 $0x200, s2;
	v2 =	vshrl.u32 v3, $0x3;
	[dreg:$0x7] =	wrdreg s31;
	s1 =	sadd.s32 $0x3600, s1  }
0xd: {  	s10 =	sadd.s32 $0x300, s2;
	v1 =	vand.u32 $0x7, v3;
	v3 =	vor.u32 $0x8, v3;
	v2 =	vmul.u32 $0x8, v2;
	[dreg:$0x3] =	wrdreg s1;
	s1 =	simm.s32 $0x0  }
.LBB2_46:
0xe: {  	[sflag:s5] =	ssyncadd.s32 $0xFFFFC000  }
.LBB2_47:
0xf: {  	s1 =	sadd.s32 $0x1, s1;
	s0 =	rddreg [dreg:$0x7]  }
0x10: {  	p0 =	sne.s32 s1, s0  }
.Ltmp1:
0x11: {  	_ = 	snop;
	(pc) =	sbr.rel @!p0 .LBB2_48-.Ltmp1, $1  }
0x12: {  	_ =	sdelay $0x3  }
.LBB2_1:
0x13: {  	[dreg:$0x9] =	wrdreg s1  }
0x14: {  	s0 =	rddreg [dreg:$0x3]  }
0x15: {  	[tilespmem:s17], [sflag:$0x2] =	stream.linear.gather [hbm4b:s0+s3], $0xC000, $0x38;
	[tilespmem:$0x13C80] =	vst v63  }
0x16: {  	s26 =	rddreg [dreg:$0x4]  }
0x17: {  	[tilespmem:s3], [sflag:$0x3] =	stream.linear.gather [hbm4b:s26+s3], $0x400, $0x38;
	[tilespmem:$0x13C80] =	vst v63  }
0x18: {  	s1 =	simm.s32 $0x400;
	s28 =	rddreg [dreg:$0x5]  }
0x19: {  	[tilespmem:s1], [sflag:$0x3] =	stream.linear.gather [hbm4b:s28+s3], $0x400, $0x38;
	[tilespmem:$0x13C80] =	vst v63  }
0x1a: {  	s4 =	simm.s32 $0x800;
	s30 =	rddreg [dreg:$0x6];
	s31 =	simm.s32 $0x3  }
0x1b: {  	[tilespmem:s4], [sflag:$0x3] =	stream.linear.gather [hbm4b:s30+s3], $0x400, $0x38;
	[tilespmem:$0x13C80] =	vst v63  }
0x1c: {  	_ =	swait.ge [sflag:s31], $0x400  }
0x1d: {  	[sflag:s31] =	ssyncset.done $0x0  }
0x1e: {  	[sflag:s31] =	ssyncadd.s32 $0xFFFFFC00  }
0x1f: {  	_ =	swait.ge [sflag:s31], $0x400  }
0x20: {  	[sflag:s31] =	ssyncset.done $0x0  }
0x21: {  	[sflag:s31] =	ssyncadd.s32 $0xFFFFFC00  }
0x22: {  	s5 =	simm.s32 $0x0;
	_ =	swait.ge [sflag:s31], $0x400  }
0x23: {  	s11 =	simm.s32 $0x0;
	s24 =	simm.s32 $0x0;
	[sflag:s31] =	ssyncset.done $0x0  }
0x24: {  	s12 =	simm.s32 $0x0;
	s0 =	simm.s32 $0x0;
	[sflag:s31] =	ssyncadd.s32 $0xFFFFFC00  }
.LBB2_2:
0x25: {  	v4 =	vld [tilespmem:s5+$0x0]  }
0x26: {  	v5 =	vld [tilespmem:s1+$0x0]  }
0x27: {  	v6 =	vld [tilespmem:s4+$0x0];
	_ =	sdelay $0x3  }
0x28: {  	vm1 =	vgt.f32 v5, v4;
	v4 =	vmax.f32 v4, v5  }
0x29: {  	v5 =	vsel vm1, $0x1, v0;
	vm1 =	vgt.f32 v6, v4  }
0x2a: {  	v4 =	vsel vm1, $0x2, v5  }
0x2b: {  	(v2sf) =	vpush v4, $0x0  }
0x2c: {  	(v2sf) =	vpush v4, $0x1;
	_ =	sdelay $0x1  }
0x2d: {  	(v2sf) =	vpush v4, $0x2  }
0x2e: {  	(v2sf) =	vpush v4, $0x3;
	_ =	sdelay $0x2  }
0x2f: {  	(v2sf) =	vpush v4, $0x4;
	_ =	sdelay $0x2  }
0x30: {  	(v2sf) =	vpush v4, $0x5;
	_ =	sdelay $0x1  }
0x31: {  	(v2sf) =	vpush v4, $0x6;
	_ =	sdelay $0x1  }
0x32: {  	(v2sf) =	vpush v4, $0x7  }
0x33: {  	[dreg:$0xd] =	wrdreg s4;
	s4 =	smov.u32 s24;
	s17 =	spop (v2sf)  }
0x34: {  	s26 =	simm.s32 $0x1;
	s28 =	simm.s32 $0x1;
	(v2sf) =	vpush v4, $0x8;
	s22 =	spop (v2sf)  }
0x35: {  	p0 =	seq.s32 s17, $0x1;
	s25 =	smul.u32 $0x1040, s17;
	p1 =	seq.s32 s17, $0x0  }
0x36: {  	(v2sf) =	vpush v4, $0x9;
	s23 =	spop (v2sf);
	s4 =	smov.u32 @p0 s0;
	s26 =	simm.s32 @!p1 $0x0  }
0x37: {  	s28 =	simm.s32 @!p0 $0x0;
	p0 =	sgt.u32 s22, $0x1;
	s20 =	spop (v2sf)  }
0x38: {  	s4 =	smov.u32 @p1 s12;
	s25 =	sshrl.u32 s25, $0x2;
	p1 =	sgt.u32 s17, $0x1  }
0x39: {  	s17 =	simm.s32 $0x1;
	s12 =	sadd.s32 s26, s12;
	s26 =	simm.s32 $0x1  }
0x3a: {  	s0 =	sadd.s32 s28, s0;
	s16 =	spop (v2sf);
	s17 =	simm.s32 @!p1 $0x0  }
0x3b: {  	p1 =	seq.s32 s22, $0x1;
	s26 =	simm.s32 @!p0 $0x0;
	p0 =	seq.s32 s22, $0x0  }
0x3c: {  	s22 =	smul.u32 $0x1040, s22;
	s6 =	sadd.s32 s4, s25;
	s25 =	simm.s32 $0x1  }
0x3d: {  	s31 =	smul.u32 $0x1040, s20;
	s21 =	spop (v2sf);
	s17 =	sadd.s32 s17, s24  }
0x3e: {  	s24 =	sadd.s32 s11, s29;
	s25 =	simm.s32 @!p1 $0x0;
	s29 =	simm.s32 $0x1  }
0x3f: {  	s19 =	spop (v2sf);
	s28 =	smov.u32 s17;
	s15 =	sshrl.u32 s22, $0x2  }
0x40: {  	(v2sf) =	vpush v4, $0xA;
	s22 =	simm.s32 $0x1;
	s26 =	sadd.s32 s26, s17;
	s7 =	sadd.s32 $0x1, s24  }
0x41: {  	s18 =	spop (v2sf);
	s28 =	smov.u32 @p1 s0;
	s22 =	simm.s32 @!p0 $0x0  }
0x42: {  	s0 =	sadd.s32 s25, s0;
	s17 =	smov.u32 s26;
	s25 =	smul.u32 $0x1040, s23  }
0x43: {  	p1 =	seq.s32 s23, $0x0;
	[dreg:$0x14] =	wrdreg s7;
	s13 =	spop (v2sf)  }
0x44: {  	s28 =	smov.u32 @p0 s12;
	s12 =	sadd.s32 s22, s12;
	p0 =	seq.s32 s23, $0x1  }
0x45: {  	s22 =	simm.s32 $0x1;
	s14 =	spop (v2sf);
	s17 =	smov.u32 @p0 s0  }
0x46: {  	s15 =	sadd.s32 s28, s15;
	s28 =	sadd.s32 $0x2, s24;
	s30 =	sshrl.u32 s25, $0x2  }
0x47: {  	s22 =	simm.s32 @!p1 $0x0;
	s25 =	simm.s32 $0x1;
	s17 =	smov.u32 @p1 s12  }
0x48: {  	[dreg:$0x12] =	wrdreg s28;
	p1 =	sgt.u32 s23, $0x1;
	s23 =	simm.s32 $0x1  }
0x49: {  	s12 =	sadd.s32 s22, s12;
	s28 =	sshrl.u32 s31, $0x2;
	s31 =	smul.u32 $0x1040, s16  }
0x4a: {  	s4 =	sadd.s32 s17, s30;
	s23 =	simm.s32 @!p1 $0x0;
	p1 =	sgt.u32 s20, $0x1  }
0x4b: {  	[dreg:$0xf] =	wrdreg s4;
	s4 =	simm.s32 $0x1;
	s25 =	simm.s32 @!p1 $0x0  }
0x4c: {  	p1 =	seq.s32 s20, $0x0;
	s7 =	sshrl.u32 s31, $0x2;
	s31 =	smul.u32 $0x1040, s19  }
0x4d: {  	s4 =	simm.s32 @!p0 $0x0;
	p0 =	seq.s32 s20, $0x1;
	s20 =	simm.s32 $0x1  }
0x4e: {  	s0 =	sadd.s32 s4, s0;
	s4 =	sadd.s32 s23, s26;
	s26 =	sadd.s32 $0x3, s24  }
0x4f: {  	s20 =	simm.s32 @!p1 $0x0;
	s23 =	simm.s32 $0x1;
	s17 =	spop (v2sf)  }
0x50: {  	(v2sf) =	vpush v4, $0xB;
	s22 =	smov.u32 s4;
	[dreg:$0x18] =	wrdreg s26;
	s4 =	sadd.s32 s25, s4  }
0x51: {  	s25 =	simm.s32 $0x1;
	s26 =	smul.u32 $0x1040, s21;
	s22 =	smov.u32 @p0 s0  }
0x52: {  	s22 =	smov.u32 @p1 s12;
	s12 =	sadd.s32 s20, s12;
	p1 =	seq.s32 s16, $0x0  }
0x53: {  	s30 =	sadd.s32 s22, s28;
	s22 =	simm.s32 $0x1;
	s28 =	sshrl.u32 s26, $0x2  }
0x54: {  	s26 =	simm.s32 $0x1;
	[dreg:$0x16] =	wrdreg s30;
	s22 =	simm.s32 @!p0 $0x0  }
0x55: {  	p0 =	seq.s32 s16, $0x1;
	s0 =	sadd.s32 s22, s0;
	s22 =	smov.u32 s4  }
0x56: {  	s23 =	simm.s32 @!p0 $0x0;
	s22 =	smov.u32 @p0 s0;
	p0 =	sgt.u32 s16, $0x1  }
0x57: {  	s0 =	sadd.s32 s23, s0;
	s16 =	smul.u32 $0x1040, s13;
	s22 =	smov.u32 @p1 s12  }
0x58: {  	s25 =	simm.s32 @!p0 $0x0;
	p0 =	seq.s32 s21, $0x1;
	s22 =	sadd.s32 s22, s7  }
0x59: {  	s4 =	sadd.s32 s25, s4;
	[dreg:$0x1a] =	wrdreg s22;
	s22 =	simm.s32 $0x1  }
0x5a: {  	s25 =	simm.s32 $0x1;
	s23 =	smov.u32 s4;
	s22 =	simm.s32 @!p1 $0x0  }
0x5b: {  	p1 =	seq.s32 s21, $0x0;
	s23 =	smov.u32 @p0 s0;
	s22 =	sadd.s32 s22, s12  }
0x5c: {  	s25 =	simm.s32 @!p1 $0x0;
	s23 =	smov.u32 @p1 s22;
	p1 =	sgt.u32 s21, $0x1  }
0x5d: {  	s21 =	simm.s32 $0x1;
	s22 =	sadd.s32 s25, s22;
	s25 =	simm.s32 $0x1  }
0x5e: {  	s30 =	sadd.s32 s23, s28;
	s23 =	simm.s32 $0x1;
	s21 =	simm.s32 @!p1 $0x0  }
0x5f: {  	p1 =	seq.s32 s19, $0x0;
	s28 =	simm.s32 $0x1;
	s20 =	spop (v2sf);
	(v2sf) =	vpush v4, $0xC  }
0x60: {  	[dreg:$0x1c] =	wrdreg s30;
	s23 =	simm.s32 @!p0 $0x0;
	s4 =	sadd.s32 s21, s4  }
0x61: {  	p0 =	seq.s32 s19, $0x1;
	s25 =	simm.s32 @!p1 $0x0;
	s30 =	sshrl.u32 s16, $0x2  }
0x62: {  	s0 =	sadd.s32 s23, s0;
	s21 =	smov.u32 s4;
	s23 =	sshrl.u32 s31, $0x2  }
0x63: {  	s26 =	simm.s32 @!p0 $0x0;
	s31 =	smul.u32 $0x1040, s14;
	s21 =	smov.u32 @p0 s0  }
0x64: {  	p0 =	seq.s32 s18, $0x1;
	s16 =	smul.u32 $0x1040, s20;
	s21 =	smov.u32 @p1 s22  }
0x65: {  	p1 =	sgt.u32 s19, $0x1;
	s19 =	simm.s32 $0x1;
	s22 =	sadd.s32 s25, s22  }
0x66: {  	s25 =	sadd.s32 s26, s0;
	s0 =	smul.u32 $0x1040, s18;
	s26 =	simm.s32 $0x1  }
0x67: {  	s19 =	simm.s32 @!p1 $0x0;
	p1 =	sgt.u32 s18, $0x1;
	s12 =	sadd.s32 s21, s23  }
0x68: {  	s23 =	simm.s32 $0x1;
	s26 =	simm.s32 @!p0 $0x0;
	s4 =	sadd.s32 s19, s4  }
0x69: {  	s28 =	simm.s32 @!p1 $0x0;
	p1 =	seq.s32 s18, $0x0;
	s7 =	sshrl.u32 s0, $0x2  }
0x6a: {  	s0 =	sshrl.u32 s31, $0x2;
	s19 =	smov.u32 s4;
	s23 =	simm.s32 @!p1 $0x0  }
0x6b: {  	s4 =	sadd.s32 s28, s4;
	s28 =	simm.s32 $0x1;
	s19 =	smov.u32 @p0 s25  }
0x6c: {  	s25 =	sadd.s32 s26, s25;
	p0 =	seq.s32 s13, $0x1;
	s26 =	smov.u32 s4  }
0x6d: {  	s19 =	smov.u32 @p1 s22;
	s22 =	sadd.s32 s23, s22;
	p1 =	seq.s32 s13, $0x0  }
0x6e: {  	s26 =	smov.u32 @p0 s25;
	s23 =	simm.s32 $0x1;
	s21 =	spop (v2sf);
	(v2sf) =	vpush v4, $0xD  }
0x6f: {  	s26 =	smov.u32 @p1 s22;
	s19 =	sadd.s32 s19, s7;
	s28 =	simm.s32 @!p1 $0x0  }
0x70: {  	p1 =	sgt.u32 s13, $0x1;
	s13 =	simm.s32 $0x1;
	s23 =	simm.s32 @!p0 $0x0  }
0x71: {  	p0 =	seq.s32 s14, $0x1;
	s7 =	smul.u32 $0x1040, s17;
	s18 =	sadd.s32 s26, s30  }
0x72: {  	s22 =	sadd.s32 s28, s22;
	s13 =	simm.s32 @!p1 $0x0;
	s23 =	sadd.s32 s23, s25  }
0x73: {  	p1 =	sgt.u32 s14, $0x1;
	s26 =	simm.s32 $0x1;
	s25 =	simm.s32 $0x1  }
0x74: {  	s28 =	simm.s32 $0x1;
	s30 =	sshrl.u32 s16, $0x2;
	s16 =	rddreg [dreg:$0xf]  }
0x75: {  	s4 =	sadd.s32 s13, s4;
	s26 =	simm.s32 @!p1 $0x0;
	p1 =	seq.s32 s14, $0x0  }
0x76: {  	s25 =	simm.s32 @!p0 $0x0;
	s14 =	sshrl.u32 s7, $0x2;
	s7 =	smov.u32 s1  }
0x77: {  	s1 =	sadd.s32 $0x8, s24;
	s13 =	smov.u32 s4;
	s4 =	sadd.s32 s26, s4  }
0x78: {  	s28 =	simm.s32 @!p1 $0x0;
	s13 =	smov.u32 @p0 s23;
	s23 =	sadd.s32 s25, s23  }
0x79: {  	p0 =	seq.s32 s17, $0x1;
	s25 =	smov.u32 s4;
	s26 =	sadd.s32 s28, s22  }
0x7a: {  	s28 =	simm.s32 $0x1;
	s13 =	smov.u32 @p1 s22;
	p1 =	seq.s32 s17, $0x0  }
0x7b: {  	s25 =	smov.u32 @p0 s23;
	s29 =	simm.s32 @!p0 $0x0;
	p0 =	seq.s32 s20, $0x1  }
0x7c: {  	s25 =	smov.u32 @p1 s26;
	s13 =	sadd.s32 s13, s0;
	s28 =	simm.s32 @!p1 $0x0  }
0x7d: {  	p1 =	sgt.u32 s17, $0x1;
	s17 =	simm.s32 $0x1;
	s22 =	spop (v2sf);
	(v2sf) =	vpush v4, $0xE  }
0x7e: {  	s23 =	sadd.s32 s29, s23;
	s29 =	simm.s32 $0x1;
	s17 =	simm.s32 @!p1 $0x0  }
0x7f: {  	s26 =	sadd.s32 s28, s26;
	p1 =	sgt.u32 s20, $0x1;
	s4 =	sadd.s32 s17, s4  }
0x80: {  	s29 =	simm.s32 @!p1 $0x0;
	p1 =	seq.s32 s20, $0x0;
	s17 =	sadd.s32 s25, s14  }
0x81: {  	s20 =	simm.s32 $0x1;
	s25 =	simm.s32 $0x1;
	s31 =	smul.u32 $0x1040, s21  }
0x82: {  	s28 =	smov.u32 s4;
	s20 =	simm.s32 @!p0 $0x0;
	s4 =	sadd.s32 s29, s4  }
0x83: {  	s25 =	simm.s32 @!p1 $0x0;
	s28 =	smov.u32 @p0 s23;
	s20 =	sadd.s32 s20, s23  }
0x84: {  	p0 =	seq.s32 s21, $0x1;
	s23 =	smov.u32 s4;
	s25 =	sadd.s32 s25, s26  }
0x85: {  	s28 =	smov.u32 @p1 s26;
	p1 =	seq.s32 s21, $0x0;
	s23 =	smov.u32 @p0 s20  }
0x86: {  	s26 =	sshrl.u32 s31, $0x2;
	s14 =	sadd.s32 s28, s30;
	s28 =	simm.s32 $0x1  }
0x87: {  	s23 =	smov.u32 @p1 s25;
	s28 =	simm.s32 @!p1 $0x0;
	p1 =	sgt.u32 s21, $0x1  }
0x88: {  	s21 =	simm.s32 $0x1;
	s25 =	sadd.s32 s28, s25;
	s28 =	simm.s32 $0x1  }
0x89: {  	s30 =	sadd.s32 $0x4, s24;
	s21 =	simm.s32 @!p1 $0x0;
	s28 =	simm.s32 @!p0 $0x0  }
0x8a: {  	s4 =	sadd.s32 s21, s4;
	s21 =	sadd.s32 s23, s26;
	s23 =	simm.s32 $0x1  }
0x8b: {  	s26 =	sadd.s32 $0x5, s24;
	s28 =	sadd.s32 s28, s20;
	s20 =	smov.u32 s4  }
0x8c: {  	p0 =	seq.s32 s22, $0x1;
	p1 =	seq.s32 s22, $0x0;
	s29 =	spop (v2sf);
	(v2sf) =	vpush v4, $0xF  }
0x8d: {  	s0 =	smul.u32 $0x1040, s22;
	s20 =	smov.u32 @p0 s28;
	s23 =	simm.s32 @!p1 $0x0  }
0x8e: {  	s20 =	smov.u32 @p1 s25;
	p1 =	sgt.u32 s22, $0x1;
	s22 =	simm.s32 $0x1  }
0x8f: {  	s31 =	sshrl.u32 s0, $0x2;
	s23 =	sadd.s32 s23, s25;
	s22 =	simm.s32 @!p1 $0x0  }
0x90: {  	s25 =	sadd.s32 $0x6, s24;
	s4 =	sadd.s32 s22, s4;
	s22 =	simm.s32 $0x1;
	v4 =	vmov s24  }
0x91: {  	s20 =	sadd.s32 s20, s31;
	s22 =	simm.s32 @!p0 $0x0;
	[tilespmem:s6+$0xC00] =	vst v4;
	s6 =	rddreg [dreg:$0x14]  }
0x92: {  	s31 =	sadd.s32 $0x7, s24;
	s22 =	sadd.s32 s22, s28;
	s28 =	smov.u32 s4;
	v4 =	vmov s6  }
0x93: {  	p0 =	seq.s32 s29, $0x1;
	s0 =	smul.u32 $0x1040, s29;
	[tilespmem:s15+$0xC00] =	vst v4;
	s15 =	rddreg [dreg:$0x12]  }
0x94: {  	p1 =	seq.s32 s29, $0x0;
	s28 =	smov.u32 @p0 s22;
	s6 =	sadd.s32 $0xA, s24;
	v4 =	vmov s15  }
0x95: {  	s28 =	smov.u32 @p1 s23;
	s0 =	sshrl.u32 s0, $0x2;
	[tilespmem:s16+$0xC00] =	vst v4;
	s16 =	rddreg [dreg:$0x18]  }
0x96: {  	s15 =	smov.u32 s5;
	s5 =	sadd.s32 $0x9, s24;
	v4 =	vmov s16;
	s16 =	rddreg [dreg:$0x16]  }
0x97: {  	s28 =	sadd.s32 s28, s0;
	s0 =	simm.s32 $0x1;
	[tilespmem:s16+$0xC00] =	vst v4;
	v4 =	vmov s30;
	s16 =	rddreg [dreg:$0x1a]  }
0x98: {  	s0 =	simm.s32 @!p1 $0x0;
	p1 =	sgt.u32 s29, $0x1;
	[tilespmem:s16+$0xC00] =	vst v4;
	v4 =	vmov s26;
	s16 =	rddreg [dreg:$0x1c]  }
0x99: {  	s0 =	sadd.s32 s0, s23;
	s26 =	simm.s32 $0x1;
	[tilespmem:s16+$0xC00] =	vst v4;
	v4 =	vmov s25;
	s16 =	simm.s32 $0x1  }
0x9a: {  	s30 =	sadd.s32 $0xB, s24;
	s26 =	simm.s32 @!p1 $0x0;
	[tilespmem:s12+$0xC00] =	vst v4;
	v4 =	vmov s31;
	s16 =	simm.s32 @!p0 $0x0  }
0x9b: {  	s4 =	sadd.s32 s26, s4;
	[tilespmem:s19+$0xC00] =	vst v4;
	v4 =	vmov s1;
	s1 =	sadd.s32 s16, s22;
	s23 =	spop (v2sf)  }
0x9c: {  	s12 =	smov.u32 s4;
	[tilespmem:s18+$0xC00] =	vst v4;
	v4 =	vmov s5;
	p0 =	seq.s32 s23, $0x1;
	s31 =	smul.u32 $0x1040, s23  }
0x9d: {  	[tilespmem:s13+$0xC00] =	vst v4;
	s13 =	simm.s32 $0x1;
	p1 =	seq.s32 s23, $0x0;
	s12 =	smov.u32 @p0 s1  }
0x9e: {  	s13 =	simm.s32 @!p1 $0x0;
	s12 =	smov.u32 @p1 s0;
	s22 =	sshrl.u32 s31, $0x2  }
0x9f: {  	v4 =	vmov s6;
	s6 =	sadd.s32 s12, s22;
	s12 =	sadd.s32 s13, s0;
	s0 =	simm.s32 $0x1  }
0xa0: {  	s13 =	simm.s32 $0x1;
	s0 =	simm.s32 @!p0 $0x0;
	p0 =	sgt.u32 s23, $0x1  }
0xa1: {  	s19 =	sadd.s32 $0xC, s24;
	[tilespmem:s17+$0xC00] =	vst v4;
	v4 =	vmov s30;
	s13 =	simm.s32 @!p0 $0x0;
	p0 =	sne.s32 s11, $0x1F0  }
.Ltmp2:
0xa2: {  	s25 =	sadd.s32 $0xD, s24;
	[tilespmem:s14+$0xC00] =	vst v4;
	v4 =	vmov s19;
	(pc) =	sbr.rel @p0 .LBB2_2-.Ltmp2, $4  }
0xa3: {  	s26 =	sadd.s32 $0xE, s24;
	[tilespmem:s21+$0xC00] =	vst v4;
	v4 =	vmov s25  }
0xa4: {  	s29 =	rddreg [dreg:$0x8];
	s5 =	sadd.s32 $0x10, s15;
	s30 =	sadd.s32 $0xF, s24;
	[tilespmem:s20+$0xC00] =	vst v4;
	v4 =	vmov s26  }
0xa5: {  	[tilespmem:s28+$0xC00] =	vst v4;
	v4 =	vmov s30;
	s31 =	rddreg [dreg:$0xd];
	s0 =	sadd.s32 s0, s1;
	s1 =	sadd.s32 $0x10, s7  }
0xa6: {  	[tilespmem:s6+$0xC00] =	vst v4;
	s11 =	sadd.s32 $0x10, s11;
	s24 =	sadd.s32 s13, s4;
	s4 =	sadd.s32 $0x10, s31  }
0xa7: {  	s1 =	sand.u32 $0xF, s12  }
0xa8: {  	s4 =	sshra.s32 s12, $0x1F;
	p0 =	slt.s32 s12, $0x1;
	p1 =	sne.s32 s1, $0x0  }
0xa9: {  	s31 =	sshrl.u32 s4, $0x1C;
	p0 =	por !p0, !p1  }
0xaa: {  	s4 =	simm.s32 $0x1;
	s1 =	sadd.s32 s31, s12;
	p0 =	por !p0, !p0  }
0xab: {  	s1 =	sshra.s32 s1, $0x4;
	s4 =	simm.s32 @!p0 $0x0  }
0xac: {  	s21 =	ssub.s32 s1, s4  }
0xad: {  	p0 =	slt.s32 s21, $0x1  }
.Ltmp3:
0xae: {  	s5 =	simm.s32 $0x2;
	s7 =	simm.s32 $0xC00;
	(pc) =	sbr.rel @p0 .LBB2_9-.Ltmp3, $4  }
0xaf: {  	s13 =	simm.s32 $0x8C80;
	s14 =	simm.s32 $0x9480;
	s16 =	simm.s32 $0x9C80  }
0xb0: {  	s17 =	simm.s32 $0xA480;
	s18 =	simm.s32 $0xAC80;
	_ =	swait.ge [sflag:s5], $0xC000  }
0xb1: {  	s19 =	simm.s32 $0xB480;
	s20 =	simm.s32 $0xF480;
	[sflag:s5] =	ssyncset.done $0x0  }
0xb2: {  	[sflag:s5] =	ssyncadd.s32 $0xFFFF4000;
	s5 =	simm.s32 $0x1880;
	s1 =	simm.s32 $0x7C80  }
0xb3: {  	v4 =	vld [tilespmem:s7+$0x0];
	p0 =	sne.s32 s21, $0x1  }
.Ltmp4:
0xb4: {  	_ = 	snop;
	(pc) =	sbr.rel @!p0 .LBB2_6-.Ltmp4, $2  }
0xb5: {  	_ =	sdelay $0x2  }
0xb6: {  	s6 =	sadd.s32 $0xFFFFFFFF, s21;
	s7 =	sadd.s32 $0x10, s7;
	s11 =	simm.s32 $0x1880;
	[tilespmem:s5+$0x0] =	vst v4  }
.LBB2_5:
0xb7: {  	v4 =	vld [tilespmem:s7+$0x0];
	p0 =	sne.s32 s6, $0x1;
	s6 =	sadd.s32 $0xFFFFFFFF, s6  }
.Ltmp5:
0xb8: {  	(pc) =	sbr.rel @p0 .LBB2_5-.Ltmp5, $3  }
0xb9: {  	_ =	sdelay $0x1  }
0xba: {  	s11 =	sadd.s32 $0x80, s11  }
0xbb: {  	s7 =	sadd.s32 $0x10, s7;
	[tilespmem:s11+$0x0] =	vst v4  }
.LBB2_6:
0xbc: {  	v4 =	vld [tilespmem:s5+$0x0];
	_ =	sdelay $0x4  }
0xbd: {  	v5 =	vshll.u32 v4, $0x3  }
0xbe: {  	v4 =	vand.u32 $0x7, v4;
	v5 =	vand.u32 $0xFFFFFFC0, v5  }
0xbf: {  	v4 =	vor.u32 v4, v5  }
0xc0: {  	v5 =	vperm.xlane v4, v1;
	_ =	sdelay $0x1  }
0xc1: {  	v5 =	vadd.s32 v2, v5;
	_ =	sdelay $0x4  }
0xc2: {  	[hbm4b:s2+s3] =	stream.indirect_vreg.scatter [tilespmem:s1], [sflag:$0x1], $0x80, v5, vm0, $0xb8;
	[tilespmem:$0x13C80] =	vst v63  }
0xc3: {  	s4 =	simm.s32 $0x8480;
	v4 =	vperm.xlane v4, v3  }
0xc4: {  	[hbm4b:s8+s3] =	stream.indirect_vreg.scatter [tilespmem:s4], [sflag:$0x1], $0x80, v5, vm0, $0xb8;
	[tilespmem:$0x13C80] =	vst v63  }
0xc5: {  	v4 =	vadd.s32 v2, v4  }
0xc6: {  	[hbm4b:s9+s3] =	stream.indirect_vreg.scatter [tilespmem:s13], [sflag:$0x1], $0x80, v5, vm0, $0xb8;
	[tilespmem:$0x13C80] =	vst v63  }
0xc7: {  	_ = 	snop  }
0xc8: {  	[hbm4b:s10+s3] =	stream.indirect_vreg.scatter [tilespmem:s14], [sflag:$0x1], $0x80, v5, vm0, $0xb8;
	[tilespmem:$0x13C80] =	vst v63  }
0xc9: {  	p0 =	sne.s32 s21, $0x1  }
0xca: {  	[hbm4b:s2+s3] =	stream.indirect_vreg.scatter [tilespmem:s16], [sflag:$0x1], $0x80, v4, vm0, $0xb8;
	[tilespmem:$0x13C80] =	vst v63  }
.Ltmp6:
0xcb: {  	_ = 	snop;
	(pc) =	sbr.rel @!p0 .LBB2_8-.Ltmp6, $4  }
0xcc: {  	_ = 	snop  }
0xcd: {  	[hbm4b:s8+s3] =	stream.indirect_vreg.scatter [tilespmem:s17], [sflag:$0x1], $0x80, v4, vm0, $0xb8;
	[tilespmem:$0x13C80] =	vst v63  }
0xce: {  	s5 =	sadd.s32 $0xFFFFFFFF, s21;
	s6 =	simm.s32 $0x1900  }
0xcf: {  	[hbm4b:s9+s3] =	stream.indirect_vreg.scatter [tilespmem:s18], [sflag:$0x1], $0x80, v4, vm0, $0xb8;
	[tilespmem:$0x13C80] =	vst v63  }
.LBB2_7:
0xd0: {  	[hbm4b:s10+s3] =	stream.indirect_vreg.scatter [tilespmem:s19], [sflag:$0x1], $0x80, v4, vm0, $0xb8;
	[tilespmem:$0x13C80] =	vst v63  }
0xd1: {  	p0 =	sne.s32 s5, $0x1;
	s5 =	sadd.s32 $0xFFFFFFFF, s5;
	v4 =	vld [tilespmem:s6+$0x0];
	_ =	sdelay $0x4  }
0xd2: {  	v5 =	vshll.u32 v4, $0x3  }
0xd3: {  	v4 =	vand.u32 $0x7, v4;
	v5 =	vand.u32 $0xFFFFFFC0, v5  }
0xd4: {  	v4 =	vor.u32 v4, v5  }
0xd5: {  	v5 =	vperm.xlane v4, v1;
	v4 =	vperm.xlane v4, v3;
	_ =	sdelay $0x1  }
0xd6: {  	v5 =	vadd.s32 v2, v5;
	_ =	sdelay $0x4  }
0xd7: {  	[hbm4b:s2+s3] =	stream.indirect_vreg.scatter [tilespmem:s1], [sflag:$0x1], $0x80, v5, vm0, $0xb8;
	[tilespmem:$0x13C80] =	vst v63  }
0xd8: {  	_ = 	snop  }
0xd9: {  	[hbm4b:s8+s3] =	stream.indirect_vreg.scatter [tilespmem:s4], [sflag:$0x1], $0x80, v5, vm0, $0xb8;
	[tilespmem:$0x13C80] =	vst v63  }
0xda: {  	v4 =	vadd.s32 v2, v4  }
0xdb: {  	[hbm4b:s9+s3] =	stream.indirect_vreg.scatter [tilespmem:s13], [sflag:$0x1], $0x80, v5, vm0, $0xb8;
	[tilespmem:$0x13C80] =	vst v63  }
0xdc: {  	_ = 	snop  }
0xdd: {  	[hbm4b:s10+s3] =	stream.indirect_vreg.scatter [tilespmem:s14], [sflag:$0x1], $0x80, v5, vm0, $0xb8;
	[tilespmem:$0x13C80] =	vst v63  }
0xde: {  	_ = 	snop  }
0xdf: {  	[hbm4b:s2+s3] =	stream.indirect_vreg.scatter [tilespmem:s16], [sflag:$0x1], $0x80, v4, vm0, $0xb8;
	[tilespmem:$0x13C80] =	vst v63  }
.Ltmp7:
0xe0: {  	(pc) =	sbr.rel @p0 .LBB2_7-.Ltmp7, $4  }
0xe1: {  	[hbm4b:s8+s3] =	stream.indirect_vreg.scatter [tilespmem:s17], [sflag:$0x1], $0x80, v4, vm0, $0xb8;
	[tilespmem:$0x13C80] =	vst v63  }
0xe2: {  	_ = 	snop  }
0xe3: {  	[hbm4b:s9+s3] =	stream.indirect_vreg.scatter [tilespmem:s18], [sflag:$0x1], $0x80, v4, vm0, $0xb8;
	[tilespmem:$0x13C80] =	vst v63  }
0xe4: {  	s6 =	sadd.s32 $0x80, s6  }
.LBB2_8:
0xe5: {  	_ =	sdelay $0x3  }
0xe6: {  	[hbm4b:s10+s3] =	stream.indirect_vreg.scatter [tilespmem:s19], [sflag:$0x1], $0x80, v4, vm0, $0xb8;
	[tilespmem:$0x13C80] =	vst v63  }
.LBB2_9:
0xe7: {  	s1 =	sand.u32 $0xF, s0  }
0xe8: {  	s4 =	sshra.s32 s0, $0x1F;
	p0 =	slt.s32 s0, $0x1;
	p1 =	sne.s32 s1, $0x0  }
0xe9: {  	s31 =	sshrl.u32 s4, $0x1C;
	p0 =	por !p0, !p1  }
0xea: {  	s4 =	simm.s32 $0x1;
	s1 =	sadd.s32 s31, s0;
	p0 =	por !p0, !p0  }
0xeb: {  	s1 =	sshra.s32 s1, $0x4;
	s4 =	simm.s32 @!p0 $0x0  }
0xec: {  	s22 =	ssub.s32 s1, s4  }
0xed: {  	p0 =	slt.s32 s22, $0x1  }
.Ltmp8:
0xee: {  	_ = 	snop;
	(pc) =	sbr.rel @p0 .LBB2_15-.Ltmp8, $4  }
0xef: {  	[dreg:$0xc] =	wrdreg s21  }
0xf0: {  	s5 =	simm.s32 $0x3900;
	s7 =	simm.s32 $0x1010;
	s13 =	simm.s32 $0xCC80  }
0xf1: {  	s14 =	simm.s32 $0xD480;
	s16 =	simm.s32 $0xDC80;
	s17 =	simm.s32 $0xE480  }
0xf2: {  	s18 =	simm.s32 $0xEC80;
	s19 =	simm.s32 $0x12C80;
	s21 =	simm.s32 $0x13480  }
0xf3: {  	v4 =	vld [tilespmem:s7+$0x0];
	p0 =	sne.s32 s22, $0x1  }
.Ltmp9:
0xf4: {  	_ = 	snop;
	(pc) =	sbr.rel @!p0 .LBB2_12-.Ltmp9, $2  }
0xf5: {  	_ =	sdelay $0x2  }
0xf6: {  	s6 =	sadd.s32 $0xFFFFFFFF, s22;
	s7 =	sadd.s32 $0x10, s7;
	s11 =	simm.s32 $0x3900;
	[tilespmem:s5+$0x0] =	vst v4  }
.LBB2_11:
0xf7: {  	v4 =	vld [tilespmem:s7+$0x0];
	p0 =	sne.s32 s6, $0x1;
	s6 =	sadd.s32 $0xFFFFFFFF, s6  }
.Ltmp10:
0xf8: {  	(pc) =	sbr.rel @p0 .LBB2_11-.Ltmp10, $3  }
0xf9: {  	_ =	sdelay $0x1  }
0xfa: {  	s11 =	sadd.s32 $0x80, s11  }
0xfb: {  	s7 =	sadd.s32 $0x10, s7;
	[tilespmem:s11+$0x0] =	vst v4  }
.LBB2_12:
0xfc: {  	v4 =	vld [tilespmem:s5+$0x0];
	_ =	sdelay $0x4  }
0xfd: {  	v5 =	vshll.u32 v4, $0x3  }
0xfe: {  	v4 =	vand.u32 $0x7, v4;
	v5 =	vand.u32 $0xFFFFFFC0, v5  }
0xff: {  	v4 =	vor.u32 v4, v5  }
0x100: {  	v5 =	vperm.xlane v4, v1;
	_ =	sdelay $0x1  }
0x101: {  	v5 =	vadd.s32 v2, v5;
	_ =	sdelay $0x3  }
0x102: {  	s1 =	simm.s32 $0xBC80  }
0x103: {  	[hbm4b:s2+s3] =	stream.indirect_vreg.scatter [tilespmem:s1], [sflag:$0x1], $0x80, v5, vm0, $0xb8;
	[tilespmem:$0x13C80] =	vst v63  }
0x104: {  	s4 =	simm.s32 $0xC480;
	v4 =	vperm.xlane v4, v3  }
0x105: {  	[hbm4b:s8+s3] =	stream.indirect_vreg.scatter [tilespmem:s4], [sflag:$0x1], $0x80, v5, vm0, $0xb8;
	[tilespmem:$0x13C80] =	vst v63  }
0x106: {  	v4 =	vadd.s32 v2, v4  }
0x107: {  	[hbm4b:s9+s3] =	stream.indirect_vreg.scatter [tilespmem:s13], [sflag:$0x1], $0x80, v5, vm0, $0xb8;
	[tilespmem:$0x13C80] =	vst v63  }
0x108: {  	_ = 	snop  }
0x109: {  	[hbm4b:s10+s3] =	stream.indirect_vreg.scatter [tilespmem:s14], [sflag:$0x1], $0x80, v5, vm0, $0xb8;
	[tilespmem:$0x13C80] =	vst v63  }
0x10a: {  	p0 =	sne.s32 s22, $0x1  }
0x10b: {  	[hbm4b:s2+s3] =	stream.indirect_vreg.scatter [tilespmem:s16], [sflag:$0x1], $0x80, v4, vm0, $0xb8;
	[tilespmem:$0x13C80] =	vst v63  }
.Ltmp11:
0x10c: {  	_ = 	snop;
	(pc) =	sbr.rel @!p0 .LBB2_14-.Ltmp11, $4  }
0x10d: {  	_ = 	snop  }
0x10e: {  	[hbm4b:s8+s3] =	stream.indirect_vreg.scatter [tilespmem:s17], [sflag:$0x1], $0x80, v4, vm0, $0xb8;
	[tilespmem:$0x13C80] =	vst v63  }
0x10f: {  	s5 =	sadd.s32 $0xFFFFFFFF, s22;
	s6 =	simm.s32 $0x3980  }
0x110: {  	[hbm4b:s9+s3] =	stream.indirect_vreg.scatter [tilespmem:s18], [sflag:$0x1], $0x80, v4, vm0, $0xb8;
	[tilespmem:$0x13C80] =	vst v63  }
.LBB2_13:
0x111: {  	[hbm4b:s10+s3] =	stream.indirect_vreg.scatter [tilespmem:s20], [sflag:$0x1], $0x80, v4, vm0, $0xb8;
	[tilespmem:$0x13C80] =	vst v63  }
0x112: {  	p0 =	sne.s32 s5, $0x1;
	s5 =	sadd.s32 $0xFFFFFFFF, s5;
	v4 =	vld [tilespmem:s6+$0x0];
	_ =	sdelay $0x4  }
0x113: {  	v5 =	vshll.u32 v4, $0x3  }
0x114: {  	v4 =	vand.u32 $0x7, v4;
	v5 =	vand.u32 $0xFFFFFFC0, v5  }
0x115: {  	v4 =	vor.u32 v4, v5  }
0x116: {  	v5 =	vperm.xlane v4, v1;
	v4 =	vperm.xlane v4, v3;
	_ =	sdelay $0x1  }
0x117: {  	v5 =	vadd.s32 v2, v5;
	_ =	sdelay $0x4  }
0x118: {  	[hbm4b:s2+s3] =	stream.indirect_vreg.scatter [tilespmem:s1], [sflag:$0x1], $0x80, v5, vm0, $0xb8;
	[tilespmem:$0x13C80] =	vst v63  }
0x119: {  	_ = 	snop  }
0x11a: {  	[hbm4b:s8+s3] =	stream.indirect_vreg.scatter [tilespmem:s4], [sflag:$0x1], $0x80, v5, vm0, $0xb8;
	[tilespmem:$0x13C80] =	vst v63  }
0x11b: {  	v4 =	vadd.s32 v2, v4  }
0x11c: {  	[hbm4b:s9+s3] =	stream.indirect_vreg.scatter [tilespmem:s13], [sflag:$0x1], $0x80, v5, vm0, $0xb8;
	[tilespmem:$0x13C80] =	vst v63  }
0x11d: {  	_ = 	snop  }
0x11e: {  	[hbm4b:s10+s3] =	stream.indirect_vreg.scatter [tilespmem:s14], [sflag:$0x1], $0x80, v5, vm0, $0xb8;
	[tilespmem:$0x13C80] =	vst v63  }
0x11f: {  	_ = 	snop  }
0x120: {  	[hbm4b:s2+s3] =	stream.indirect_vreg.scatter [tilespmem:s16], [sflag:$0x1], $0x80, v4, vm0, $0xb8;
	[tilespmem:$0x13C80] =	vst v63  }
.Ltmp12:
0x121: {  	(pc) =	sbr.rel @p0 .LBB2_13-.Ltmp12, $4  }
0x122: {  	[hbm4b:s8+s3] =	stream.indirect_vreg.scatter [tilespmem:s17], [sflag:$0x1], $0x80, v4, vm0, $0xb8;
	[tilespmem:$0x13C80] =	vst v63  }
0x123: {  	_ = 	snop  }
0x124: {  	[hbm4b:s9+s3] =	stream.indirect_vreg.scatter [tilespmem:s18], [sflag:$0x1], $0x80, v4, vm0, $0xb8;
	[tilespmem:$0x13C80] =	vst v63  }
0x125: {  	s6 =	sadd.s32 $0x80, s6  }
.LBB2_14:
0x126: {  	_ =	sdelay $0x3  }
0x127: {  	[hbm4b:s10+s3] =	stream.indirect_vreg.scatter [tilespmem:s20], [sflag:$0x1], $0x80, v4, vm0, $0xb8;
	[tilespmem:$0x13C80] =	vst v63  }
.LBB2_15:
0x128: {  	s1 =	sand.u32 $0xF, s24  }
0x129: {  	s4 =	sshra.s32 s24, $0x1F;
	p0 =	slt.s32 s24, $0x1;
	p1 =	sne.s32 s1, $0x0  }
0x12a: {  	s31 =	sshrl.u32 s4, $0x1C;
	p0 =	por !p0, !p1  }
0x12b: {  	s4 =	simm.s32 $0x1;
	s1 =	sadd.s32 s31, s24;
	p0 =	por !p0, !p0  }
0x12c: {  	s1 =	sshra.s32 s1, $0x4;
	s4 =	simm.s32 @!p0 $0x0  }
0x12d: {  	s16 =	ssub.s32 s1, s4  }
0x12e: {  	p0 =	slt.s32 s16, $0x1  }
.Ltmp13:
0x12f: {  	_ = 	snop;
	(pc) =	sbr.rel @p0 .LBB2_21-.Ltmp13, $2  }
0x130: {  	_ =	sdelay $0x2  }
0x131: {  	s5 =	simm.s32 $0x5980;
	s7 =	simm.s32 $0x1420  }
0x132: {  	v4 =	vld [tilespmem:s7+$0x0];
	p0 =	sne.s32 s16, $0x1  }
.Ltmp14:
0x133: {  	_ = 	snop;
	(pc) =	sbr.rel @!p0 .LBB2_18-.Ltmp14, $2  }
0x134: {  	_ =	sdelay $0x2  }
0x135: {  	s6 =	sadd.s32 $0xFFFFFFFF, s16;
	s7 =	sadd.s32 $0x10, s7;
	s11 =	simm.s32 $0x5980;
	[tilespmem:s5+$0x0] =	vst v4  }
.LBB2_17:
0x136: {  	v4 =	vld [tilespmem:s7+$0x0];
	p0 =	sne.s32 s6, $0x1;
	s6 =	sadd.s32 $0xFFFFFFFF, s6  }
.Ltmp15:
0x137: {  	(pc) =	sbr.rel @p0 .LBB2_17-.Ltmp15, $3  }
0x138: {  	_ =	sdelay $0x1  }
0x139: {  	s11 =	sadd.s32 $0x80, s11  }
0x13a: {  	s7 =	sadd.s32 $0x10, s7;
	[tilespmem:s11+$0x0] =	vst v4  }
.LBB2_18:
0x13b: {  	v4 =	vld [tilespmem:s5+$0x0];
	_ =	sdelay $0x4  }
0x13c: {  	v5 =	vshll.u32 v4, $0x3  }
0x13d: {  	v4 =	vand.u32 $0x7, v4;
	v5 =	vand.u32 $0xFFFFFFC0, v5  }
0x13e: {  	v4 =	vor.u32 v4, v5  }
0x13f: {  	v5 =	vperm.xlane v4, v1;
	_ =	sdelay $0x1  }
0x140: {  	v5 =	vadd.s32 v2, v5;
	_ =	sdelay $0x3  }
0x141: {  	s1 =	simm.s32 $0xFC80  }
0x142: {  	[hbm4b:s2+s3] =	stream.indirect_vreg.scatter [tilespmem:s1], [sflag:$0x1], $0x80, v5, vm0, $0xb8;
	[tilespmem:$0x13C80] =	vst v63  }
0x143: {  	s4 =	simm.s32 $0x10480;
	v4 =	vperm.xlane v4, v3  }
0x144: {  	[hbm4b:s8+s3] =	stream.indirect_vreg.scatter [tilespmem:s4], [sflag:$0x1], $0x80, v5, vm0, $0xb8;
	[tilespmem:$0x13C80] =	vst v63  }
0x145: {  	s7 =	simm.s32 $0x10C80;
	v4 =	vadd.s32 v2, v4  }
0x146: {  	[hbm4b:s9+s3] =	stream.indirect_vreg.scatter [tilespmem:s7], [sflag:$0x1], $0x80, v5, vm0, $0xb8;
	[tilespmem:$0x13C80] =	vst v63  }
0x147: {  	s11 =	simm.s32 $0x11480  }
0x148: {  	[hbm4b:s10+s3] =	stream.indirect_vreg.scatter [tilespmem:s11], [sflag:$0x1], $0x80, v5, vm0, $0xb8;
	[tilespmem:$0x13C80] =	vst v63  }
0x149: {  	s13 =	simm.s32 $0x11C80;
	p0 =	sne.s32 s16, $0x1  }
0x14a: {  	[hbm4b:s2+s3] =	stream.indirect_vreg.scatter [tilespmem:s13], [sflag:$0x1], $0x80, v4, vm0, $0xb8;
	[tilespmem:$0x13C80] =	vst v63  }
.Ltmp16:
0x14b: {  	_ = 	snop;
	(pc) =	sbr.rel @!p0 .LBB2_20-.Ltmp16, $4  }
0x14c: {  	s14 =	simm.s32 $0x12480  }
0x14d: {  	[hbm4b:s8+s3] =	stream.indirect_vreg.scatter [tilespmem:s14], [sflag:$0x1], $0x80, v4, vm0, $0xb8;
	[tilespmem:$0x13C80] =	vst v63  }
0x14e: {  	s5 =	sadd.s32 $0xFFFFFFFF, s16;
	s6 =	simm.s32 $0x5A00  }
0x14f: {  	[hbm4b:s9+s3] =	stream.indirect_vreg.scatter [tilespmem:s19], [sflag:$0x1], $0x80, v4, vm0, $0xb8;
	[tilespmem:$0x13C80] =	vst v63  }
.LBB2_19:
0x150: {  	[hbm4b:s10+s3] =	stream.indirect_vreg.scatter [tilespmem:s21], [sflag:$0x1], $0x80, v4, vm0, $0xb8;
	[tilespmem:$0x13C80] =	vst v63  }
0x151: {  	p0 =	sne.s32 s5, $0x1;
	s5 =	sadd.s32 $0xFFFFFFFF, s5;
	v4 =	vld [tilespmem:s6+$0x0];
	_ =	sdelay $0x4  }
0x152: {  	v5 =	vshll.u32 v4, $0x3  }
0x153: {  	v4 =	vand.u32 $0x7, v4;
	v5 =	vand.u32 $0xFFFFFFC0, v5  }
0x154: {  	v4 =	vor.u32 v4, v5  }
0x155: {  	v5 =	vperm.xlane v4, v1;
	v4 =	vperm.xlane v4, v3;
	_ =	sdelay $0x1  }
0x156: {  	v5 =	vadd.s32 v2, v5;
	_ =	sdelay $0x4  }
0x157: {  	[hbm4b:s2+s3] =	stream.indirect_vreg.scatter [tilespmem:s1], [sflag:$0x1], $0x80, v5, vm0, $0xb8;
	[tilespmem:$0x13C80] =	vst v63  }
0x158: {  	_ = 	snop  }
0x159: {  	[hbm4b:s8+s3] =	stream.indirect_vreg.scatter [tilespmem:s4], [sflag:$0x1], $0x80, v5, vm0, $0xb8;
	[tilespmem:$0x13C80] =	vst v63  }
0x15a: {  	v4 =	vadd.s32 v2, v4  }
0x15b: {  	[hbm4b:s9+s3] =	stream.indirect_vreg.scatter [tilespmem:s7], [sflag:$0x1], $0x80, v5, vm0, $0xb8;
	[tilespmem:$0x13C80] =	vst v63  }
0x15c: {  	_ = 	snop  }
0x15d: {  	[hbm4b:s10+s3] =	stream.indirect_vreg.scatter [tilespmem:s11], [sflag:$0x1], $0x80, v5, vm0, $0xb8;
	[tilespmem:$0x13C80] =	vst v63  }
0x15e: {  	_ = 	snop  }
0x15f: {  	[hbm4b:s2+s3] =	stream.indirect_vreg.scatter [tilespmem:s13], [sflag:$0x1], $0x80, v4, vm0, $0xb8;
	[tilespmem:$0x13C80] =	vst v63  }
.Ltmp17:
0x160: {  	(pc) =	sbr.rel @p0 .LBB2_19-.Ltmp17, $4  }
0x161: {  	[hbm4b:s8+s3] =	stream.indirect_vreg.scatter [tilespmem:s14], [sflag:$0x1], $0x80, v4, vm0, $0xb8;
	[tilespmem:$0x13C80] =	vst v63  }
0x162: {  	_ = 	snop  }
0x163: {  	[hbm4b:s9+s3] =	stream.indirect_vreg.scatter [tilespmem:s19], [sflag:$0x1], $0x80, v4, vm0, $0xb8;
	[tilespmem:$0x13C80] =	vst v63  }
0x164: {  	s6 =	sadd.s32 $0x80, s6  }
.LBB2_20:
0x165: {  	_ =	sdelay $0x3  }
0x166: {  	[hbm4b:s10+s3] =	stream.indirect_vreg.scatter [tilespmem:s21], [sflag:$0x1], $0x80, v4, vm0, $0xb8;
	[tilespmem:$0x13C80] =	vst v63  }
.LBB2_21:
0x167: {  	[dreg:$0xb] =	wrdreg s22  }
0x168: {  	[dreg:$0xa] =	wrdreg s16;
	s5 =	simm.s32 $0x0  }
0x169: {  	s1 =	simm.s32 $0x200;
	s7 =	simm.s32 $0x600;
	s11 =	simm.s32 $0xA00  }
.LBB2_22:
0x16a: {  	v4 =	vld [tilespmem:s1+$0x0]  }
0x16b: {  	v5 =	vld [tilespmem:s7+$0x0]  }
0x16c: {  	v6 =	vld [tilespmem:s11+$0x0];
	_ =	sdelay $0x3  }
0x16d: {  	vm1 =	vgt.f32 v5, v4;
	v4 =	vmax.f32 v4, v5  }
0x16e: {  	v5 =	vsel vm1, $0x1, v0;
	vm1 =	vgt.f32 v6, v4  }
0x16f: {  	v4 =	vsel vm1, $0x2, v5  }
0x170: {  	(v2sf) =	vpush v4, $0x0  }
0x171: {  	(v2sf) =	vpush v4, $0x1  }
0x172: {  	(v2sf) =	vpush v4, $0x2;
	_ =	sdelay $0x1  }
0x173: {  	(v2sf) =	vpush v4, $0x3;
	_ =	sdelay $0x2  }
0x174: {  	(v2sf) =	vpush v4, $0x4;
	_ =	sdelay $0x1  }
0x175: {  	(v2sf) =	vpush v4, $0x5;
	_ =	sdelay $0x1  }
0x176: {  	(v2sf) =	vpush v4, $0x6  }
0x177: {  	[dreg:$0xe] =	wrdreg s1;
	(v2sf) =	vpush v4, $0x7  }
0x178: {  	s16 =	sadd.s32 s5, s29;
	s17 =	smov.u32 s24;
	s26 =	simm.s32 $0x1  }
0x179: {  	s28 =	simm.s32 $0x1;
	s1 =	simm.s32 $0x1;
	s31 =	sadd.s32 $0x201, s16  }
0x17a: {  	[dreg:$0x15] =	wrdreg s31;
	s31 =	sadd.s32 $0x203, s16;
	(v2sf) =	vpush v4, $0x8;
	s15 =	spop (v2sf)  }
0x17b: {  	[dreg:$0x19] =	wrdreg s31;
	s4 =	spop (v2sf);
	p0 =	seq.s32 s15, $0x1  }
0x17c: {  	s25 =	smul.u32 $0x1040, s15;
	p1 =	seq.s32 s15, $0x0;
	s23 =	spop (v2sf)  }
0x17d: {  	s17 =	smov.u32 @p0 s0;
	s26 =	simm.s32 @!p1 $0x0;
	s28 =	simm.s32 @!p0 $0x0  }
0x17e: {  	(v2sf) =	vpush v4, $0x9;
	p0 =	sgt.u32 s4, $0x1;
	s22 =	spop (v2sf);
	s17 =	smov.u32 @p1 s12  }
0x17f: {  	s25 =	sshrl.u32 s25, $0x2;
	p1 =	sgt.u32 s15, $0x1;
	s12 =	sadd.s32 s26, s12  }
0x180: {  	s0 =	sadd.s32 s28, s0;
	s15 =	sadd.s32 $0x200, s16;
	s30 =	smul.u32 $0x1040, s23  }
0x181: {  	s20 =	spop (v2sf);
	s1 =	simm.s32 @!p1 $0x0;
	p1 =	seq.s32 s4, $0x1  }
0x182: {  	s6 =	sadd.s32 s17, s25;
	s17 =	simm.s32 $0x1;
	s25 =	simm.s32 $0x1  }
0x183: {  	s21 =	spop (v2sf);
	s1 =	sadd.s32 s1, s24;
	s24 =	simm.s32 $0x1  }
0x184: {  	s25 =	simm.s32 @!p1 $0x0;
	s28 =	sshrl.u32 s30, $0x2;
	s30 =	smul.u32 $0x1040, s22  }
0x185: {  	s19 =	spop (v2sf);
	s26 =	smov.u32 s1;
	s24 =	simm.s32 @!p0 $0x0  }
0x186: {  	(v2sf) =	vpush v4, $0xA;
	p0 =	seq.s32 s4, $0x0;
	s4 =	smul.u32 $0x1040, s4;
	s18 =	spop (v2sf)  }
0x187: {  	s26 =	smov.u32 @p1 s0;
	s17 =	simm.s32 @!p0 $0x0;
	s1 =	sadd.s32 s24, s1  }
0x188: {  	s0 =	sadd.s32 s25, s0;
	p1 =	seq.s32 s23, $0x0;
	s24 =	simm.s32 $0x1  }
0x189: {  	s13 =	spop (v2sf);
	s26 =	smov.u32 @p0 s12;
	s4 =	sshrl.u32 s4, $0x2  }
0x18a: {  	s12 =	sadd.s32 s17, s12;
	p0 =	seq.s32 s23, $0x1;
	s17 =	smov.u32 s1  }
0x18b: {  	s24 =	simm.s32 @!p1 $0x0;
	s31 =	smul.u32 $0x1040, s18;
	s4 =	sadd.s32 s26, s4  }
0x18c: {  	s17 =	smov.u32 @p0 s0;
	s26 =	sadd.s32 $0x202, s16;
	[dreg:$0x10] =	wrdreg s4  }
0x18d: {  	s14 =	spop (v2sf);
	s17 =	smov.u32 @p1 s12;
	[dreg:$0x13] =	wrdreg s26  }
0x18e: {  	p1 =	sgt.u32 s23, $0x1;
	s23 =	simm.s32 $0x1;
	s12 =	sadd.s32 s24, s12  }
0x18f: {  	s24 =	simm.s32 $0x1;
	s26 =	smul.u32 $0x1040, s21;
	s4 =	sadd.s32 s17, s28  }
0x190: {  	s23 =	simm.s32 @!p1 $0x0;
	p1 =	sgt.u32 s22, $0x1;
	[dreg:$0x11] =	wrdreg s4  }
0x191: {  	s4 =	simm.s32 $0x1;
	s1 =	sadd.s32 s23, s1;
	s24 =	simm.s32 @!p1 $0x0  }
0x192: {  	p1 =	seq.s32 s22, $0x0;
	s23 =	sshrl.u32 s30, $0x2;
	s28 =	sshrl.u32 s26, $0x2  }
0x193: {  	s30 =	smul.u32 $0x1040, s19;
	s26 =	simm.s32 $0x1;
	s4 =	simm.s32 @!p0 $0x0  }
0x194: {  	p0 =	seq.s32 s22, $0x1;
	s22 =	simm.s32 $0x1;
	s0 =	sadd.s32 s4, s0  }
0x195: {  	s4 =	smov.u32 s1;
	s22 =	simm.s32 @!p0 $0x0;
	s17 =	spop (v2sf);
	(v2sf) =	vpush v4, $0xB  }
0x196: {  	s1 =	sadd.s32 s24, s1;
	s24 =	smul.u32 $0x1040, s20;
	s4 =	smov.u32 @p0 s0  }
0x197: {  	s0 =	sadd.s32 s22, s0;
	p0 =	seq.s32 s20, $0x1;
	s22 =	smov.u32 s1  }
0x198: {  	s4 =	smov.u32 @p1 s12;
	s22 =	smov.u32 @p0 s0;
	s25 =	sshrl.u32 s24, $0x2  }
0x199: {  	s24 =	simm.s32 $0x1;
	s4 =	sadd.s32 s4, s23;
	s23 =	simm.s32 $0x1  }
0x19a: {  	[dreg:$0x17] =	wrdreg s4;
	s4 =	simm.s32 $0x1;
	s23 =	simm.s32 @!p0 $0x0  }
0x19b: {  	p0 =	sgt.u32 s20, $0x1;
	s4 =	simm.s32 @!p1 $0x0;
	p1 =	seq.s32 s20, $0x0  }
0x19c: {  	s20 =	simm.s32 $0x1;
	s0 =	sadd.s32 s23, s0;
	s4 =	sadd.s32 s4, s12  }
0x19d: {  	s20 =	simm.s32 @!p0 $0x0;
	p0 =	seq.s32 s21, $0x1;
	s22 =	smov.u32 @p1 s4  }
0x19e: {  	s1 =	sadd.s32 s20, s1;
	s12 =	sadd.s32 s22, s25;
	s22 =	simm.s32 $0x1  }
0x19f: {  	s23 =	smov.u32 s1;
	s25 =	simm.s32 $0x1;
	s22 =	simm.s32 @!p1 $0x0  }
0x1a0: {  	p1 =	seq.s32 s21, $0x0;
	s23 =	smov.u32 @p0 s0;
	s22 =	sadd.s32 s22, s4  }
0x1a1: {  	[dreg:$0x1b] =	wrdreg s12;
	s24 =	simm.s32 @!p1 $0x0;
	s23 =	smov.u32 @p1 s22  }
0x1a2: {  	p1 =	sgt.u32 s21, $0x1;
	s21 =	simm.s32 $0x1;
	s22 =	sadd.s32 s24, s22  }
0x1a3: {  	s24 =	simm.s32 $0x1;
	s4 =	sadd.s32 s23, s28;
	s23 =	simm.s32 $0x1  }
0x1a4: {  	s21 =	simm.s32 @!p1 $0x0;
	p1 =	seq.s32 s19, $0x0;
	s20 =	spop (v2sf);
	(v2sf) =	vpush v4, $0xC  }
0x1a5: {  	[dreg:$0x1d] =	wrdreg s4;
	s23 =	simm.s32 @!p0 $0x0;
	s1 =	sadd.s32 s21, s1  }
0x1a6: {  	p0 =	seq.s32 s19, $0x1;
	s24 =	simm.s32 @!p1 $0x0;
	s4 =	smul.u32 $0x1040, s13  }
0x1a7: {  	s0 =	sadd.s32 s23, s0;
	s21 =	smov.u32 s1;
	s23 =	sshrl.u32 s30, $0x2  }
0x1a8: {  	s25 =	simm.s32 @!p0 $0x0;
	s30 =	smul.u32 $0x1040, s14;
	s21 =	smov.u32 @p0 s0  }
0x1a9: {  	p0 =	seq.s32 s18, $0x1;
	s28 =	sshrl.u32 s4, $0x2;
	s21 =	smov.u32 @p1 s22  }
0x1aa: {  	p1 =	sgt.u32 s19, $0x1;
	s19 =	simm.s32 $0x1;
	s22 =	sadd.s32 s24, s22  }
0x1ab: {  	s24 =	sadd.s32 s25, s0;
	s0 =	sshrl.u32 s31, $0x2;
	s25 =	simm.s32 $0x1  }
0x1ac: {  	s31 =	sshrl.u32 s30, $0x2;
	s19 =	simm.s32 @!p1 $0x0;
	p1 =	sgt.u32 s18, $0x1  }
0x1ad: {  	s12 =	sadd.s32 s21, s23;
	s23 =	simm.s32 $0x1;
	s4 =	smul.u32 $0x1040, s20  }
0x1ae: {  	s1 =	sadd.s32 s19, s1;
	s26 =	simm.s32 @!p1 $0x0;
	p1 =	seq.s32 s18, $0x0  }
0x1af: {  	s25 =	simm.s32 @!p0 $0x0;
	s19 =	smov.u32 s1;
	s23 =	simm.s32 @!p1 $0x0  }
0x1b0: {  	s1 =	sadd.s32 s26, s1;
	s26 =	simm.s32 $0x1;
	s30 =	sshrl.u32 s4, $0x2  }
0x1b1: {  	s19 =	smov.u32 @p0 s24;
	s24 =	sadd.s32 s25, s24;
	p0 =	seq.s32 s13, $0x1  }
0x1b2: {  	s25 =	smov.u32 s1;
	s19 =	smov.u32 @p1 s22;
	s22 =	sadd.s32 s23, s22  }
0x1b3: {  	p1 =	seq.s32 s13, $0x0;
	s25 =	smov.u32 @p0 s24;
	s21 =	spop (v2sf);
	(v2sf) =	vpush v4, $0xD  }
0x1b4: {  	s23 =	simm.s32 $0x1;
	s25 =	smov.u32 @p1 s22;
	s19 =	sadd.s32 s19, s0  }
0x1b5: {  	s26 =	simm.s32 @!p1 $0x0;
	p1 =	sgt.u32 s13, $0x1;
	s13 =	simm.s32 $0x1  }
0x1b6: {  	s23 =	simm.s32 @!p0 $0x0;
	p0 =	seq.s32 s14, $0x1;
	s0 =	smul.u32 $0x1040, s17  }
0x1b7: {  	s18 =	sadd.s32 s25, s28;
	s22 =	sadd.s32 s26, s22;
	s13 =	simm.s32 @!p1 $0x0  }
0x1b8: {  	s23 =	sadd.s32 s23, s24;
	p1 =	sgt.u32 s14, $0x1;
	s25 =	simm.s32 $0x1  }
0x1b9: {  	s24 =	simm.s32 $0x1;
	s26 =	simm.s32 $0x1;
	s28 =	simm.s32 $0x1  }
0x1ba: {  	s1 =	sadd.s32 s13, s1;
	s25 =	simm.s32 @!p1 $0x0;
	p1 =	seq.s32 s14, $0x0  }
0x1bb: {  	s24 =	simm.s32 @!p0 $0x0;
	s14 =	sshrl.u32 s0, $0x2;
	s13 =	smov.u32 s1  }
0x1bc: {  	s1 =	sadd.s32 s25, s1;
	s26 =	simm.s32 @!p1 $0x0;
	s13 =	smov.u32 @p0 s23  }
0x1bd: {  	s23 =	sadd.s32 s24, s23;
	p0 =	seq.s32 s17, $0x1;
	s24 =	smov.u32 s1  }
0x1be: {  	s25 =	sadd.s32 s26, s22;
	s26 =	simm.s32 $0x1;
	s13 =	smov.u32 @p1 s22  }
0x1bf: {  	p1 =	seq.s32 s17, $0x0;
	s24 =	smov.u32 @p0 s23;
	s28 =	simm.s32 @!p0 $0x0  }
0x1c0: {  	p0 =	seq.s32 s20, $0x1;
	s24 =	smov.u32 @p1 s25;
	s13 =	sadd.s32 s13, s31  }
0x1c1: {  	s26 =	simm.s32 @!p1 $0x0;
	p1 =	sgt.u32 s17, $0x1;
	s17 =	simm.s32 $0x1  }
0x1c2: {  	s23 =	sadd.s32 s28, s23;
	s28 =	simm.s32 $0x1;
	s22 =	spop (v2sf);
	(v2sf) =	vpush v4, $0xE  }
0x1c3: {  	s25 =	sadd.s32 s26, s25;
	s17 =	simm.s32 @!p1 $0x0;
	p1 =	sgt.u32 s20, $0x1  }
0x1c4: {  	s1 =	sadd.s32 s17, s1;
	s28 =	simm.s32 @!p1 $0x0;
	p1 =	seq.s32 s20, $0x0  }
0x1c5: {  	s17 =	sadd.s32 s24, s14;
	s20 =	simm.s32 $0x1;
	s24 =	simm.s32 $0x1  }
0x1c6: {  	s26 =	smov.u32 s1;
	s20 =	simm.s32 @!p0 $0x0;
	s1 =	sadd.s32 s28, s1  }
0x1c7: {  	s24 =	simm.s32 @!p1 $0x0;
	s26 =	smov.u32 @p0 s23;
	s20 =	sadd.s32 s20, s23  }
0x1c8: {  	p0 =	seq.s32 s21, $0x1;
	s23 =	smov.u32 s1;
	s24 =	sadd.s32 s24, s25  }
0x1c9: {  	s31 =	smul.u32 $0x1040, s21;
	s26 =	smov.u32 @p1 s25;
	p1 =	seq.s32 s21, $0x0  }
0x1ca: {  	s23 =	smov.u32 @p0 s20;
	s25 =	sadd.s32 $0x204, s16;
	s14 =	sadd.s32 s26, s30  }
0x1cb: {  	s23 =	smov.u32 @p1 s24;
	s26 =	simm.s32 $0x1;
	s0 =	sshrl.u32 s31, $0x2  }
0x1cc: {  	s26 =	simm.s32 @!p1 $0x0;
	p1 =	sgt.u32 s21, $0x1;
	s21 =	simm.s32 $0x1  }
0x1cd: {  	s24 =	sadd.s32 s26, s24;
	s26 =	simm.s32 $0x1;
	s21 =	simm.s32 @!p1 $0x0  }
0x1ce: {  	s30 =	sadd.s32 $0x207, s16;
	s26 =	simm.s32 @!p0 $0x0;
	s1 =	sadd.s32 s21, s1  }
0x1cf: {  	s21 =	sadd.s32 s23, s0;
	s23 =	simm.s32 $0x1;
	s26 =	sadd.s32 s26, s20  }
0x1d0: {  	s20 =	smov.u32 s1;
	p0 =	seq.s32 s22, $0x1;
	s29 =	smul.u32 $0x1040, s22  }
0x1d1: {  	p1 =	seq.s32 s22, $0x0;
	s20 =	smov.u32 @p0 s26;
	s28 =	spop (v2sf);
	(v2sf) =	vpush v4, $0xF  }
0x1d2: {  	s31 =	sadd.s32 $0x208, s16;
	s23 =	simm.s32 @!p1 $0x0;
	s20 =	smov.u32 @p1 s24  }
0x1d3: {  	s4 =	sshrl.u32 s29, $0x2;
	p1 =	sgt.u32 s22, $0x1;
	s22 =	simm.s32 $0x1  }
0x1d4: {  	s23 =	sadd.s32 s23, s24;
	s24 =	sadd.s32 $0x205, s16;
	s29 =	simm.s32 $0x1  }
0x1d5: {  	s20 =	sadd.s32 s20, s4;
	s22 =	simm.s32 @!p1 $0x0;
	s29 =	simm.s32 @!p0 $0x0  }
0x1d6: {  	s4 =	sadd.s32 $0x209, s16;
	s1 =	sadd.s32 s22, s1;
	v4 =	vmov s15;
	s15 =	rddreg [dreg:$0x10]  }
0x1d7: {  	s22 =	sadd.s32 $0x206, s16;
	s26 =	sadd.s32 s29, s26;
	[tilespmem:s6+$0xC00] =	vst v4;
	s6 =	rddreg [dreg:$0x15]  }
0x1d8: {  	s29 =	smov.u32 s1;
	p0 =	seq.s32 s28, $0x1;
	v4 =	vmov s6;
	s6 =	rddreg [dreg:$0x13]  }
0x1d9: {  	s0 =	smul.u32 $0x1040, s28;
	p1 =	seq.s32 s28, $0x0;
	[tilespmem:s15+$0xC00] =	vst v4;
	v4 =	vmov s6;
	s15 =	rddreg [dreg:$0x11]  }
0x1da: {  	s29 =	smov.u32 @p0 s26;
	s6 =	sadd.s32 $0x20A, s16;
	[tilespmem:s15+$0xC00] =	vst v4;
	s15 =	rddreg [dreg:$0x19]  }
0x1db: {  	s29 =	smov.u32 @p1 s23;
	s0 =	sshrl.u32 s0, $0x2;
	v4 =	vmov s15;
	s15 =	rddreg [dreg:$0x17]  }
0x1dc: {  	s29 =	sadd.s32 s29, s0;
	s0 =	simm.s32 $0x1;
	[tilespmem:s15+$0xC00] =	vst v4;
	v4 =	vmov s25;
	s15 =	rddreg [dreg:$0x1b]  }
0x1dd: {  	s0 =	simm.s32 @!p1 $0x0;
	p1 =	sgt.u32 s28, $0x1;
	s28 =	rddreg [dreg:$0x1d];
	[tilespmem:s15+$0xC00] =	vst v4;
	v4 =	vmov s24  }
0x1de: {  	s25 =	sadd.s32 $0x20B, s16;
	s24 =	simm.s32 $0x1;
	[tilespmem:s28+$0xC00] =	vst v4;
	v4 =	vmov s22;
	s22 =	simm.s32 $0x1  }
0x1df: {  	s0 =	sadd.s32 s0, s23;
	s24 =	simm.s32 @!p1 $0x0;
	[tilespmem:s12+$0xC00] =	vst v4;
	v4 =	vmov s30;
	s22 =	simm.s32 @!p0 $0x0  }
0x1e0: {  	s1 =	sadd.s32 s24, s1;
	[tilespmem:s19+$0xC00] =	vst v4;
	v4 =	vmov s31;
	s19 =	sadd.s32 s22, s26;
	s30 =	spop (v2sf)  }
0x1e1: {  	s12 =	smov.u32 s1;
	[tilespmem:s18+$0xC00] =	vst v4;
	v4 =	vmov s4;
	p0 =	seq.s32 s30, $0x1;
	s15 =	smul.u32 $0x1040, s30  }
0x1e2: {  	[tilespmem:s13+$0xC00] =	vst v4;
	s13 =	simm.s32 $0x1;
	p1 =	seq.s32 s30, $0x0;
	s12 =	smov.u32 @p0 s19  }
0x1e3: {  	s13 =	simm.s32 @!p1 $0x0;
	s12 =	smov.u32 @p1 s0;
	s24 =	sshrl.u32 s15, $0x2  }
0x1e4: {  	v4 =	vmov s6;
	s6 =	sadd.s32 s12, s24;
	s12 =	sadd.s32 s13, s0;
	s0 =	simm.s32 $0x1  }
0x1e5: {  	s13 =	simm.s32 $0x1;
	s0 =	simm.s32 @!p0 $0x0;
	p0 =	sgt.u32 s30, $0x1  }
0x1e6: {  	s18 =	sadd.s32 $0x20C, s16;
	[tilespmem:s17+$0xC00] =	vst v4;
	v4 =	vmov s25;
	s13 =	simm.s32 @!p0 $0x0;
	p0 =	sne.s32 s5, $0x1F0  }
.Ltmp18:
0x1e7: {  	s26 =	sadd.s32 $0x20D, s16;
	[tilespmem:s14+$0xC00] =	vst v4;
	v4 =	vmov s18;
	(pc) =	sbr.rel @p0 .LBB2_22-.Ltmp18, $4  }
0x1e8: {  	s28 =	sadd.s32 $0x20E, s16;
	[tilespmem:s21+$0xC00] =	vst v4;
	v4 =	vmov s26  }
0x1e9: {  	s7 =	sadd.s32 $0x10, s7;
	s31 =	rddreg [dreg:$0xe];
	[tilespmem:s20+$0xC00] =	vst v4;
	v4 =	vmov s28;
	s30 =	sadd.s32 $0x20F, s16  }
0x1ea: {  	s11 =	sadd.s32 $0x10, s11;
	[tilespmem:s29+$0xC00] =	vst v4;
	s29 =	rddreg [dreg:$0x8];
	s0 =	sadd.s32 s0, s19;
	v4 =	vmov s30  }
0x1eb: {  	s5 =	sadd.s32 $0x10, s5;
	s24 =	sadd.s32 s13, s1;
	s1 =	sadd.s32 $0x10, s31;
	[tilespmem:s6+$0xC00] =	vst v4  }
0x1ec: {  	p0 =	slt.s32 s12, $0x1  }
0x1ed: {  	s1 =	sadd.s32 @!p0 $0xF, s12  }
0x1ee: {  	s4 =	sand.u32 @!p0 $0xF, s1  }
0x1ef: {  	p1 =	slt.s32 @!p0 s1, $0x0;
	p2 =	sne.s32 @!p0 s4, $0x0  }
0x1f0: {  	s4 =	sshra.s32 @!p0 s1, $0x1F;
	p1 =	por @!p0 !p1, !p2  }
0x1f1: {  	s4 =	sshrl.u32 @!p0 s4, $0x1C;
	p1 =	por @!p0 !p1, !p1  }
0x1f2: {  	s1 =	sadd.s32 @!p0 s4, s1;
	s4 =	simm.s32 @!p0 $0x1;
	p1 =	por !p1, p0  }
0x1f3: {  	s1 =	sshra.s32 @!p0 s1, $0x4;
	s4 =	simm.s32 @p1 $0x0  }
0x1f4: {  	s22 =	rddreg [dreg:$0xc];
	s5 =	ssub.s32 @!p0 s1, s4  }
0x1f5: {  	p1 =	sge.s32 @!p0 s22, s5  }
0x1f6: {  	v4 =	vld.msk @!p0 [tilespmem:s12+$0xBFF ss:$0x0], $0xffff;
	p1 =	por p0, p1  }
.Ltmp19:
0x1f7: {  	_ = 	snop;
	(pc) =	sbr.rel @p1 .LBB2_29-.Ltmp19, $4  }
0x1f8: {  	_ = 	snop  }
0x1f9: {  	s17 =	simm.s32 $0x7C80;
	s14 =	simm.s32 $0x8C80  }
0x1fa: {  	s16 =	simm.s32 $0x9480;
	s18 =	simm.s32 $0x9C80;
	s19 =	simm.s32 $0xA480  }
0x1fb: {  	s20 =	simm.s32 $0xAC80;
	s21 =	simm.s32 $0xB480;
	s25 =	rddreg [dreg:$0xb];
	[tilespmem:s12+$0xC00] =	vst @!p0 v4  }
0x1fc: {  	s6 =	sadd.s32 $0x1, s22  }
0x1fd: {  	p0 =	slt.s32 s6, s5  }
.Ltmp20:
0x1fe: {  	_ = 	snop;
	(pc) =	sbr.rel @!p0 .LBB2_26-.Ltmp20, $4  }
0x1ff: {  	s1 =	sshll.u32 s22, $0x9;
	s4 =	sshll.u32 s22, $0x6  }
0x200: {  	s1 =	sshra.s32 s1, $0x2;
	s4 =	sshra.s32 s4, $0x2  }
0x201: {  	s7 =	sadd.s32 $0x1880, s1;
	s11 =	sadd.s32 $0xC00, s4  }
0x202: {  	v4 =	vld [tilespmem:s11+$0x0];
	s13 =	smov.u32 s7  }
.LBB2_25:
0x203: {  	s6 =	sadd.s32 $0x1, s6  }
0x204: {  	p0 =	slt.s32 s6, s5  }
.Ltmp21:
0x205: {  	_ = 	snop;
	(pc) =	sbr.rel @p0 .LBB2_25-.Ltmp21, $3  }
0x206: {  	_ =	sdelay $0x1  }
0x207: {  	s11 =	sadd.s32 $0x10, s11;
	[tilespmem:s13+$0x0] =	vst v4;
	s13 =	sadd.s32 $0x80, s13  }
0x208: {  	v4 =	vld [tilespmem:s11+$0x0]  }
.LBB2_26:
0x209: {  	_ =	sdelay $0x3  }
0x20a: {  	[tilespmem:s13+$0x0] =	vst v4  }
0x20b: {  	v4 =	vld [tilespmem:s7+$0x0];
	_ =	sdelay $0x4  }
0x20c: {  	v5 =	vshll.u32 v4, $0x3  }
0x20d: {  	v4 =	vand.u32 $0x7, v4;
	v5 =	vand.u32 $0xFFFFFFC0, v5  }
0x20e: {  	v4 =	vor.u32 v4, v5  }
0x20f: {  	v5 =	vperm.xlane v4, v1;
	_ =	sdelay $0x1  }
0x210: {  	v5 =	vadd.s32 v2, v5;
	_ =	sdelay $0x4  }
0x211: {  	[hbm4b:s2+s3] =	stream.indirect_vreg.scatter [tilespmem:s17], [sflag:$0x1], $0x80, v5, vm0, $0xb8;
	[tilespmem:$0x13C80] =	vst v63  }
0x212: {  	s1 =	simm.s32 $0x8480;
	v4 =	vperm.xlane v4, v3  }
0x213: {  	[hbm4b:s8+s3] =	stream.indirect_vreg.scatter [tilespmem:s1], [sflag:$0x1], $0x80, v5, vm0, $0xb8;
	[tilespmem:$0x13C80] =	vst v63  }
0x214: {  	v4 =	vadd.s32 v2, v4  }
0x215: {  	[hbm4b:s9+s3] =	stream.indirect_vreg.scatter [tilespmem:s14], [sflag:$0x1], $0x80, v5, vm0, $0xb8;
	[tilespmem:$0x13C80] =	vst v63  }
0x216: {  	s6 =	sadd.s32 $0x1, s22  }
0x217: {  	[hbm4b:s10+s3] =	stream.indirect_vreg.scatter [tilespmem:s16], [sflag:$0x1], $0x80, v5, vm0, $0xb8;
	[tilespmem:$0x13C80] =	vst v63  }
0x218: {  	p0 =	slt.s32 s6, s5  }
0x219: {  	[hbm4b:s2+s3] =	stream.indirect_vreg.scatter [tilespmem:s18], [sflag:$0x1], $0x80, v4, vm0, $0xb8;
	[tilespmem:$0x13C80] =	vst v63  }
.Ltmp22:
0x21a: {  	_ = 	snop;
	(pc) =	sbr.rel @!p0 .LBB2_28-.Ltmp22, $4  }
0x21b: {  	_ = 	snop  }
0x21c: {  	[hbm4b:s8+s3] =	stream.indirect_vreg.scatter [tilespmem:s19], [sflag:$0x1], $0x80, v4, vm0, $0xb8;
	[tilespmem:$0x13C80] =	vst v63  }
0x21d: {  	s7 =	sadd.s32 $0x80, s7  }
0x21e: {  	[hbm4b:s9+s3] =	stream.indirect_vreg.scatter [tilespmem:s20], [sflag:$0x1], $0x80, v4, vm0, $0xb8;
	[tilespmem:$0x13C80] =	vst v63  }
.LBB2_27:
0x21f: {  	[hbm4b:s10+s3] =	stream.indirect_vreg.scatter [tilespmem:s21], [sflag:$0x1], $0x80, v4, vm0, $0xb8;
	[tilespmem:$0x13C80] =	vst v63  }
0x220: {  	s6 =	sadd.s32 $0x1, s6;
	v4 =	vld [tilespmem:s7+$0x0]  }
0x221: {  	p0 =	slt.s32 s6, s5;
	_ =	sdelay $0x3  }
0x222: {  	v5 =	vshll.u32 v4, $0x3  }
0x223: {  	v4 =	vand.u32 $0x7, v4;
	v5 =	vand.u32 $0xFFFFFFC0, v5  }
0x224: {  	v4 =	vor.u32 v4, v5  }
0x225: {  	v5 =	vperm.xlane v4, v1;
	v4 =	vperm.xlane v4, v3;
	_ =	sdelay $0x1  }
0x226: {  	v5 =	vadd.s32 v2, v5;
	_ =	sdelay $0x4  }
0x227: {  	[hbm4b:s2+s3] =	stream.indirect_vreg.scatter [tilespmem:s17], [sflag:$0x1], $0x80, v5, vm0, $0xb8;
	[tilespmem:$0x13C80] =	vst v63  }
0x228: {  	_ = 	snop  }
0x229: {  	[hbm4b:s8+s3] =	stream.indirect_vreg.scatter [tilespmem:s1], [sflag:$0x1], $0x80, v5, vm0, $0xb8;
	[tilespmem:$0x13C80] =	vst v63  }
0x22a: {  	v4 =	vadd.s32 v2, v4  }
0x22b: {  	[hbm4b:s9+s3] =	stream.indirect_vreg.scatter [tilespmem:s14], [sflag:$0x1], $0x80, v5, vm0, $0xb8;
	[tilespmem:$0x13C80] =	vst v63  }
0x22c: {  	_ = 	snop  }
0x22d: {  	[hbm4b:s10+s3] =	stream.indirect_vreg.scatter [tilespmem:s16], [sflag:$0x1], $0x80, v5, vm0, $0xb8;
	[tilespmem:$0x13C80] =	vst v63  }
0x22e: {  	_ = 	snop  }
0x22f: {  	[hbm4b:s2+s3] =	stream.indirect_vreg.scatter [tilespmem:s18], [sflag:$0x1], $0x80, v4, vm0, $0xb8;
	[tilespmem:$0x13C80] =	vst v63  }
.Ltmp23:
0x230: {  	(pc) =	sbr.rel @p0 .LBB2_27-.Ltmp23, $4  }
0x231: {  	[hbm4b:s8+s3] =	stream.indirect_vreg.scatter [tilespmem:s19], [sflag:$0x1], $0x80, v4, vm0, $0xb8;
	[tilespmem:$0x13C80] =	vst v63  }
0x232: {  	_ = 	snop  }
0x233: {  	[hbm4b:s9+s3] =	stream.indirect_vreg.scatter [tilespmem:s20], [sflag:$0x1], $0x80, v4, vm0, $0xb8;
	[tilespmem:$0x13C80] =	vst v63  }
0x234: {  	s7 =	sadd.s32 $0x80, s7  }
.LBB2_28:
0x235: {  	_ =	sdelay $0x3  }
0x236: {  	[hbm4b:s10+s3] =	stream.indirect_vreg.scatter [tilespmem:s21], [sflag:$0x1], $0x80, v4, vm0, $0xb8;
	[tilespmem:$0x13C80] =	vst v63  }
.LBB2_29:
0x237: {  	p0 =	slt.s32 s0, $0x1  }
0x238: {  	s1 =	sadd.s32 @!p0 $0xF, s0  }
0x239: {  	s4 =	sand.u32 @!p0 $0xF, s1  }
0x23a: {  	p1 =	slt.s32 @!p0 s1, $0x0;
	p2 =	sne.s32 @!p0 s4, $0x0  }
0x23b: {  	s4 =	sshra.s32 @!p0 s1, $0x1F;
	p1 =	por @!p0 !p1, !p2  }
0x23c: {  	s4 =	sshrl.u32 @!p0 s4, $0x1C;
	p1 =	por @!p0 !p1, !p1  }
0x23d: {  	s1 =	sadd.s32 @!p0 s4, s1;
	s4 =	simm.s32 @!p0 $0x1;
	p1 =	por !p1, p0  }
0x23e: {  	s1 =	sshra.s32 @!p0 s1, $0x4;
	s4 =	simm.s32 @p1 $0x0  }
0x23f: {  	s5 =	ssub.s32 @!p0 s1, s4  }
0x240: {  	p1 =	sge.s32 @!p0 s25, s5  }
0x241: {  	v4 =	vld.msk @!p0 [tilespmem:s0+$0x100F ss:$0x0], $0xffff;
	p1 =	por p0, p1  }
.Ltmp24:
0x242: {  	_ = 	snop;
	(pc) =	sbr.rel @p1 .LBB2_35-.Ltmp24, $4  }
0x243: {  	_ = 	snop  }
0x244: {  	s14 =	simm.s32 $0xCC80;
	s16 =	simm.s32 $0xD480  }
0x245: {  	s18 =	simm.s32 $0xDC80;
	s19 =	simm.s32 $0xE480;
	s20 =	simm.s32 $0xEC80  }
0x246: {  	s21 =	simm.s32 $0xF480;
	s22 =	simm.s32 $0x13480;
	s23 =	rddreg [dreg:$0xa];
	[tilespmem:s0+$0x1010] =	vst @!p0 v4  }
0x247: {  	s6 =	sadd.s32 $0x1, s25  }
0x248: {  	p0 =	slt.s32 s6, s5  }
.Ltmp25:
0x249: {  	_ = 	snop;
	(pc) =	sbr.rel @!p0 .LBB2_32-.Ltmp25, $4  }
0x24a: {  	s1 =	sshll.u32 s25, $0x9;
	s4 =	sshll.u32 s25, $0x6  }
0x24b: {  	s1 =	sshra.s32 s1, $0x2;
	s4 =	sshra.s32 s4, $0x2  }
0x24c: {  	s7 =	sadd.s32 $0x3900, s1;
	s11 =	sadd.s32 $0x1010, s4  }
0x24d: {  	v4 =	vld [tilespmem:s11+$0x0];
	s13 =	smov.u32 s7  }
.LBB2_31:
0x24e: {  	s6 =	sadd.s32 $0x1, s6  }
0x24f: {  	p0 =	slt.s32 s6, s5  }
.Ltmp26:
0x250: {  	_ = 	snop;
	(pc) =	sbr.rel @p0 .LBB2_31-.Ltmp26, $3  }
0x251: {  	_ =	sdelay $0x1  }
0x252: {  	s11 =	sadd.s32 $0x10, s11;
	[tilespmem:s13+$0x0] =	vst v4;
	s13 =	sadd.s32 $0x80, s13  }
0x253: {  	v4 =	vld [tilespmem:s11+$0x0]  }
.LBB2_32:
0x254: {  	_ =	sdelay $0x3  }
0x255: {  	[tilespmem:s13+$0x0] =	vst v4  }
0x256: {  	v4 =	vld [tilespmem:s7+$0x0];
	_ =	sdelay $0x4  }
0x257: {  	v5 =	vshll.u32 v4, $0x3  }
0x258: {  	v4 =	vand.u32 $0x7, v4;
	v5 =	vand.u32 $0xFFFFFFC0, v5  }
0x259: {  	v4 =	vor.u32 v4, v5  }
0x25a: {  	v5 =	vperm.xlane v4, v1;
	_ =	sdelay $0x1  }
0x25b: {  	v5 =	vadd.s32 v2, v5;
	_ =	sdelay $0x3  }
0x25c: {  	s1 =	simm.s32 $0xBC80  }
0x25d: {  	[hbm4b:s2+s3] =	stream.indirect_vreg.scatter [tilespmem:s1], [sflag:$0x1], $0x80, v5, vm0, $0xb8;
	[tilespmem:$0x13C80] =	vst v63  }
0x25e: {  	s4 =	simm.s32 $0xC480;
	v4 =	vperm.xlane v4, v3  }
0x25f: {  	[hbm4b:s8+s3] =	stream.indirect_vreg.scatter [tilespmem:s4], [sflag:$0x1], $0x80, v5, vm0, $0xb8;
	[tilespmem:$0x13C80] =	vst v63  }
0x260: {  	v4 =	vadd.s32 v2, v4  }
0x261: {  	[hbm4b:s9+s3] =	stream.indirect_vreg.scatter [tilespmem:s14], [sflag:$0x1], $0x80, v5, vm0, $0xb8;
	[tilespmem:$0x13C80] =	vst v63  }
0x262: {  	s6 =	sadd.s32 $0x1, s25  }
0x263: {  	[hbm4b:s10+s3] =	stream.indirect_vreg.scatter [tilespmem:s16], [sflag:$0x1], $0x80, v5, vm0, $0xb8;
	[tilespmem:$0x13C80] =	vst v63  }
0x264: {  	p0 =	slt.s32 s6, s5  }
0x265: {  	[hbm4b:s2+s3] =	stream.indirect_vreg.scatter [tilespmem:s18], [sflag:$0x1], $0x80, v4, vm0, $0xb8;
	[tilespmem:$0x13C80] =	vst v63  }
.Ltmp27:
0x266: {  	_ = 	snop;
	(pc) =	sbr.rel @!p0 .LBB2_34-.Ltmp27, $4  }
0x267: {  	_ = 	snop  }
0x268: {  	[hbm4b:s8+s3] =	stream.indirect_vreg.scatter [tilespmem:s19], [sflag:$0x1], $0x80, v4, vm0, $0xb8;
	[tilespmem:$0x13C80] =	vst v63  }
0x269: {  	s7 =	sadd.s32 $0x80, s7  }
0x26a: {  	[hbm4b:s9+s3] =	stream.indirect_vreg.scatter [tilespmem:s20], [sflag:$0x1], $0x80, v4, vm0, $0xb8;
	[tilespmem:$0x13C80] =	vst v63  }
.LBB2_33:
0x26b: {  	[hbm4b:s10+s3] =	stream.indirect_vreg.scatter [tilespmem:s21], [sflag:$0x1], $0x80, v4, vm0, $0xb8;
	[tilespmem:$0x13C80] =	vst v63  }
0x26c: {  	s6 =	sadd.s32 $0x1, s6;
	v4 =	vld [tilespmem:s7+$0x0]  }
0x26d: {  	p0 =	slt.s32 s6, s5;
	_ =	sdelay $0x3  }
0x26e: {  	v5 =	vshll.u32 v4, $0x3  }
0x26f: {  	v4 =	vand.u32 $0x7, v4;
	v5 =	vand.u32 $0xFFFFFFC0, v5  }
0x270: {  	v4 =	vor.u32 v4, v5  }
0x271: {  	v5 =	vperm.xlane v4, v1;
	v4 =	vperm.xlane v4, v3;
	_ =	sdelay $0x1  }
0x272: {  	v5 =	vadd.s32 v2, v5;
	_ =	sdelay $0x4  }
0x273: {  	[hbm4b:s2+s3] =	stream.indirect_vreg.scatter [tilespmem:s1], [sflag:$0x1], $0x80, v5, vm0, $0xb8;
	[tilespmem:$0x13C80] =	vst v63  }
0x274: {  	_ = 	snop  }
0x275: {  	[hbm4b:s8+s3] =	stream.indirect_vreg.scatter [tilespmem:s4], [sflag:$0x1], $0x80, v5, vm0, $0xb8;
	[tilespmem:$0x13C80] =	vst v63  }
0x276: {  	v4 =	vadd.s32 v2, v4  }
0x277: {  	[hbm4b:s9+s3] =	stream.indirect_vreg.scatter [tilespmem:s14], [sflag:$0x1], $0x80, v5, vm0, $0xb8;
	[tilespmem:$0x13C80] =	vst v63  }
0x278: {  	_ = 	snop  }
0x279: {  	[hbm4b:s10+s3] =	stream.indirect_vreg.scatter [tilespmem:s16], [sflag:$0x1], $0x80, v5, vm0, $0xb8;
	[tilespmem:$0x13C80] =	vst v63  }
0x27a: {  	_ = 	snop  }
0x27b: {  	[hbm4b:s2+s3] =	stream.indirect_vreg.scatter [tilespmem:s18], [sflag:$0x1], $0x80, v4, vm0, $0xb8;
	[tilespmem:$0x13C80] =	vst v63  }
.Ltmp28:
0x27c: {  	(pc) =	sbr.rel @p0 .LBB2_33-.Ltmp28, $4  }
0x27d: {  	[hbm4b:s8+s3] =	stream.indirect_vreg.scatter [tilespmem:s19], [sflag:$0x1], $0x80, v4, vm0, $0xb8;
	[tilespmem:$0x13C80] =	vst v63  }
0x27e: {  	_ = 	snop  }
0x27f: {  	[hbm4b:s9+s3] =	stream.indirect_vreg.scatter [tilespmem:s20], [sflag:$0x1], $0x80, v4, vm0, $0xb8;
	[tilespmem:$0x13C80] =	vst v63  }
0x280: {  	s7 =	sadd.s32 $0x80, s7  }
.LBB2_34:
0x281: {  	_ =	sdelay $0x3  }
0x282: {  	[hbm4b:s10+s3] =	stream.indirect_vreg.scatter [tilespmem:s21], [sflag:$0x1], $0x80, v4, vm0, $0xb8;
	[tilespmem:$0x13C80] =	vst v63  }
.LBB2_35:
0x283: {  	p0 =	sgt.s32 s24, $0x0  }
.Ltmp29:
0x284: {  	_ = 	snop;
	(pc) =	sbr.rel @!p0 .LBB2_36-.Ltmp29, $2  }
0x285: {  	_ =	sdelay $0x2  }
0x286: {  	s5 =	sadd.s32 $0xF, s24  }
0x287: {  	s5 =	sadd.s32 $0xF, s24  }
0x288: {  	s6 =	sand.u32 $0xF, s5  }
0x289: {  	s1 =	sshra.s32 s5, $0x1F;
	p0 =	slt.s32 s5, $0x0;
	p1 =	sne.s32 s6, $0x0  }
0x28a: {  	s1 =	sshrl.u32 s1, $0x1C;
	p0 =	por !p0, !p1  }
0x28b: {  	s4 =	simm.s32 $0x1;
	s1 =	sadd.s32 s1, s5;
	p0 =	por !p0, !p0  }
0x28c: {  	s7 =	sshra.s32 s1, $0x4;
	s4 =	simm.s32 @!p0 $0x0  }
0x28d: {  	s11 =	ssub.s32 s7, s4  }
0x28e: {  	v4 =	vld.msk [tilespmem:s24+$0x141F ss:$0x0], $0xffff;
	p0 =	sge.s32 s23, s11  }
.Ltmp30:
0x28f: {  	_ = 	snop;
	(pc) =	sbr.rel @p0 .LBB2_43-.Ltmp30, $3  }
0x290: {  	_ =	sdelay $0x1  }
0x291: {  	s18 =	simm.s32 $0x11480  }
0x292: {  	s19 =	simm.s32 $0x11C80;
	s20 =	simm.s32 $0x12480;
	s21 =	simm.s32 $0x12C80;
	[tilespmem:s24+$0x1420] =	vst v4  }
0x293: {  	s4 =	sshll.u32 s23, $0x6  }
0x294: {  	s14 =	sshra.s32 s4, $0x2;
	s4 =	sadd.s32 $0x1, s23  }
0x295: {  	p0 =	slt.s32 s4, s11  }
.Ltmp31:
0x296: {  	_ = 	snop;
	(pc) =	sbr.rel @!p0 .LBB2_40-.Ltmp31, $4  }
0x297: {  	s1 =	sshll.u32 s23, $0x9  }
0x298: {  	s1 =	sshra.s32 s1, $0x2  }
0x299: {  	s13 =	sadd.s32 $0x5980, s1;
	s14 =	sadd.s32 $0x1420, s14  }
0x29a: {  	v4 =	vld [tilespmem:s14+$0x0];
	s16 =	smov.u32 s13  }
.LBB2_39:
0x29b: {  	s4 =	sadd.s32 $0x1, s4  }
0x29c: {  	p0 =	slt.s32 s4, s11  }
.Ltmp32:
0x29d: {  	_ = 	snop;
	(pc) =	sbr.rel @p0 .LBB2_39-.Ltmp32, $3  }
0x29e: {  	_ =	sdelay $0x1  }
0x29f: {  	s14 =	sadd.s32 $0x10, s14;
	[tilespmem:s16+$0x0] =	vst v4;
	s16 =	sadd.s32 $0x80, s16  }
0x2a0: {  	v4 =	vld [tilespmem:s14+$0x0]  }
.LBB2_40:
0x2a1: {  	_ =	sdelay $0x3  }
0x2a2: {  	[tilespmem:s16+$0x0] =	vst v4  }
0x2a3: {  	v4 =	vld [tilespmem:s13+$0x0];
	_ =	sdelay $0x4  }
0x2a4: {  	v5 =	vshll.u32 v4, $0x3  }
0x2a5: {  	v4 =	vand.u32 $0x7, v4;
	v5 =	vand.u32 $0xFFFFFFC0, v5  }
0x2a6: {  	v4 =	vor.u32 v4, v5  }
0x2a7: {  	v5 =	vperm.xlane v4, v1;
	_ =	sdelay $0x1  }
0x2a8: {  	v5 =	vadd.s32 v2, v5;
	_ =	sdelay $0x3  }
0x2a9: {  	s1 =	simm.s32 $0xFC80  }
0x2aa: {  	[hbm4b:s2+s3] =	stream.indirect_vreg.scatter [tilespmem:s1], [sflag:$0x1], $0x80, v5, vm0, $0xb8;
	[tilespmem:$0x13C80] =	vst v63  }
0x2ab: {  	s14 =	simm.s32 $0x10480;
	v4 =	vperm.xlane v4, v3  }
0x2ac: {  	[hbm4b:s8+s3] =	stream.indirect_vreg.scatter [tilespmem:s14], [sflag:$0x1], $0x80, v5, vm0, $0xb8;
	[tilespmem:$0x13C80] =	vst v63  }
0x2ad: {  	s16 =	simm.s32 $0x10C80;
	v4 =	vadd.s32 v2, v4  }
0x2ae: {  	[hbm4b:s9+s3] =	stream.indirect_vreg.scatter [tilespmem:s16], [sflag:$0x1], $0x80, v5, vm0, $0xb8;
	[tilespmem:$0x13C80] =	vst v63  }
0x2af: {  	s4 =	sadd.s32 $0x1, s23  }
0x2b0: {  	[hbm4b:s10+s3] =	stream.indirect_vreg.scatter [tilespmem:s18], [sflag:$0x1], $0x80, v5, vm0, $0xb8;
	[tilespmem:$0x13C80] =	vst v63  }
0x2b1: {  	p0 =	slt.s32 s4, s11  }
0x2b2: {  	[hbm4b:s2+s3] =	stream.indirect_vreg.scatter [tilespmem:s19], [sflag:$0x1], $0x80, v4, vm0, $0xb8;
	[tilespmem:$0x13C80] =	vst v63  }
.Ltmp33:
0x2b3: {  	_ = 	snop;
	(pc) =	sbr.rel @!p0 .LBB2_42-.Ltmp33, $4  }
0x2b4: {  	_ = 	snop  }
0x2b5: {  	[hbm4b:s8+s3] =	stream.indirect_vreg.scatter [tilespmem:s20], [sflag:$0x1], $0x80, v4, vm0, $0xb8;
	[tilespmem:$0x13C80] =	vst v63  }
0x2b6: {  	s13 =	sadd.s32 $0x80, s13  }
0x2b7: {  	[hbm4b:s9+s3] =	stream.indirect_vreg.scatter [tilespmem:s21], [sflag:$0x1], $0x80, v4, vm0, $0xb8;
	[tilespmem:$0x13C80] =	vst v63  }
.LBB2_41:
0x2b8: {  	[hbm4b:s10+s3] =	stream.indirect_vreg.scatter [tilespmem:s22], [sflag:$0x1], $0x80, v4, vm0, $0xb8;
	[tilespmem:$0x13C80] =	vst v63  }
0x2b9: {  	s4 =	sadd.s32 $0x1, s4;
	v4 =	vld [tilespmem:s13+$0x0]  }
0x2ba: {  	p0 =	slt.s32 s4, s11;
	_ =	sdelay $0x3  }
0x2bb: {  	v5 =	vshll.u32 v4, $0x3  }
0x2bc: {  	v4 =	vand.u32 $0x7, v4;
	v5 =	vand.u32 $0xFFFFFFC0, v5  }
0x2bd: {  	v4 =	vor.u32 v4, v5  }
0x2be: {  	v5 =	vperm.xlane v4, v1;
	v4 =	vperm.xlane v4, v3;
	_ =	sdelay $0x1  }
0x2bf: {  	v5 =	vadd.s32 v2, v5;
	_ =	sdelay $0x4  }
0x2c0: {  	[hbm4b:s2+s3] =	stream.indirect_vreg.scatter [tilespmem:s1], [sflag:$0x1], $0x80, v5, vm0, $0xb8;
	[tilespmem:$0x13C80] =	vst v63  }
0x2c1: {  	_ = 	snop  }
0x2c2: {  	[hbm4b:s8+s3] =	stream.indirect_vreg.scatter [tilespmem:s14], [sflag:$0x1], $0x80, v5, vm0, $0xb8;
	[tilespmem:$0x13C80] =	vst v63  }
0x2c3: {  	v4 =	vadd.s32 v2, v4  }
0x2c4: {  	[hbm4b:s9+s3] =	stream.indirect_vreg.scatter [tilespmem:s16], [sflag:$0x1], $0x80, v5, vm0, $0xb8;
	[tilespmem:$0x13C80] =	vst v63  }
0x2c5: {  	_ = 	snop  }
0x2c6: {  	[hbm4b:s10+s3] =	stream.indirect_vreg.scatter [tilespmem:s18], [sflag:$0x1], $0x80, v5, vm0, $0xb8;
	[tilespmem:$0x13C80] =	vst v63  }
0x2c7: {  	_ = 	snop  }
0x2c8: {  	[hbm4b:s2+s3] =	stream.indirect_vreg.scatter [tilespmem:s19], [sflag:$0x1], $0x80, v4, vm0, $0xb8;
	[tilespmem:$0x13C80] =	vst v63  }
.Ltmp34:
0x2c9: {  	(pc) =	sbr.rel @p0 .LBB2_41-.Ltmp34, $4  }
0x2ca: {  	[hbm4b:s8+s3] =	stream.indirect_vreg.scatter [tilespmem:s20], [sflag:$0x1], $0x80, v4, vm0, $0xb8;
	[tilespmem:$0x13C80] =	vst v63  }
0x2cb: {  	_ = 	snop  }
0x2cc: {  	[hbm4b:s9+s3] =	stream.indirect_vreg.scatter [tilespmem:s21], [sflag:$0x1], $0x80, v4, vm0, $0xb8;
	[tilespmem:$0x13C80] =	vst v63  }
0x2cd: {  	s13 =	sadd.s32 $0x80, s13  }
.LBB2_42:
.Ltmp35:
0x2ce: {  	_ = 	snop;
	(pc) =	sbr.rel .LBB2_43-.Ltmp35, $2  }
0x2cf: {  	_ =	sdelay $0x2  }
0x2d0: {  	[hbm4b:s10+s3] =	stream.indirect_vreg.scatter [tilespmem:s22], [sflag:$0x1], $0x80, v4, vm0, $0xb8;
	[tilespmem:$0x13C80] =	vst v63  }
.LBB2_36:
0x2d1: {  	s1 =	sshra.s32 s5, $0x1F  }
0x2d2: {  	s1 =	sshrl.u32 s1, $0x1C  }
0x2d3: {  	s1 =	sadd.s32 s1, s5  }
0x2d4: {  	s6 =	sand.u32 $0xF, s5;
	s7 =	sshra.s32 s1, $0x4  }
.LBB2_43:
0x2d5: {  	s1 =	sadd.s32 $0xF, s12;
	s0 =	sadd.s32 $0xF, s0  }
0x2d6: {  	p6 =	slt.s32 s5, $0x1;
	p3 =	sne.s32 s6, $0x0;
	s4 =	sshra.s32 s1, $0x1F  }
0x2d7: {  	s11 =	sand.u32 $0xF, s1;
	p0 =	slt.s32 s1, $0x1;
	s28 =	sshra.s32 s0, $0x1F  }
0x2d8: {  	p5 =	slt.s32 s0, $0x1;
	s4 =	sshrl.u32 s4, $0x1C;
	p1 =	sne.s32 s11, $0x0  }
0x2d9: {  	s30 =	sshrl.u32 s28, $0x1C;
	s1 =	sadd.s32 s4, s1;
	p0 =	por !p0, !p1  }
0x2da: {  	s4 =	sadd.s32 s30, s0;
	s0 =	sand.u32 $0xF, s0;
	s1 =	sshra.s32 s1, $0x4  }
0x2db: {  	p0 =	por !p0, !p0;
	p2 =	sne.s32 s0, $0x0;
	s31 =	sshra.s32 s4, $0x4  }
0x2dc: {  	s4 =	simm.s32 $0x1;
	p1 =	por !p5, !p2;
	p2 =	por !p6, !p3  }
0x2dd: {  	s0 =	sadd.s32 s1, s31;
	s1 =	simm.s32 $0x1;
	p1 =	por !p1, !p1  }
0x2de: {  	p2 =	por !p2, !p2;
	s0 =	sadd.s32 s7, s0;
	s1 =	simm.s32 @!p0 $0x0  }
0x2df: {  	s0 =	ssub.s32 s0, s1;
	s4 =	simm.s32 @!p1 $0x0;
	s1 =	simm.s32 $0x1  }
0x2e0: {  	s0 =	ssub.s32 s0, s4;
	s1 =	simm.s32 @!p2 $0x0  }
0x2e1: {  	s0 =	ssub.s32 s0, s1  }
0x2e2: {  	p0 =	slt.s32 s0, $0x1  }
.Ltmp36:
0x2e3: {  	_ = 	snop;
	(pc) =	sbr.rel @p0 .LBB2_47-.Ltmp36, $2  }
0x2e4: {  	_ =	sdelay $0x2  }
0x2e5: {  	s5 =	simm.s32 $0x1;
	s4 =	simm.s32 $0x0;
	s1 =	rddreg [dreg:$0x9]  }
0x2e6: {  	s4 =	sadd.s32 $0x1, s4  }
0x2e7: {  	p0 =	slt.s32 s4, s0  }
.Ltmp37:
0x2e8: {  	_ = 	snop;
	(pc) =	sbr.rel @!p0 .LBB2_46-.Ltmp37, $3  }
0x2e9: {  	_ =	sdelay $0x1  }
0x2ea: {  	_ =	swait.ge [sflag:s5], $0x4000  }
0x2eb: {  	[sflag:s5] =	ssyncset.done $0x0  }
.LBB2_45:
0x2ec: {  	s4 =	sadd.s32 $0x1, s4  }
0x2ed: {  	[sflag:s5] =	ssyncadd.s32 $0xFFFFC000;
	p0 =	slt.s32 s4, s0  }
.Ltmp38:
0x2ee: {  	(pc) =	sbr.rel @p0 .LBB2_45-.Ltmp38, $3  }
0x2ef: {  	_ =	sdelay $0x1  }
0x2f0: {  	_ =	swait.ge [sflag:s5], $0x4000  }
0x2f1: {  	[sflag:s5] =	ssyncset.done $0x0  }
.Ltmp39:
0x2f2: {  	_ = 	snop;
	(pc) =	sbr.rel .LBB2_46-.Ltmp39, $1  }
0x2f3: {  	_ =	sdelay $0x3  }
.LBB2_48:
0x2f4: {  	_ =	sfence.sel $0x180000  }
0x2f5: {  	[bflag:$0x0] =	sbarrier.arrive $0xFFFF  }
0x2f6: {  	_ =	strace $0x90000047  }
0x2f7: {  	s0 =	stileid.u32;
	[bflag:$0x2] =	sbarrier.arrive $0xFFFF  }
0x2f8: {  	p0 =	sne.s32 s0, $0x0;
	s0 =	rddreg [dreg:$0x2]  }
0x2f9: {  	s0 =	sadd.s32 @!p0 $0x100000, s0  }
0x2fa: {  	[sflag:s0] =	ssyncadd.tile.s32 @!p0 $0x1;
	_ =	shalt  }
.Lfunc_end2:
_tile_overlayer_lowered:
.L_overlay_start_2:
0x2fb: {  	(tag) =	ssettag $0x2  }
0x2fc: {  	s0 =	rddreg [dreg:$0x0];
	s2 =	stileid.u32  }
0x2fd: {  	s1 =	rddreg [dreg:$0x1];
	p0 =	sne.s32 s2, $0x0  }
0x2fe: {  	s3 =	rddreg [dreg:$0x2];
	[bflag:$0x3] =	sbarrier.arrive $0xFFFF;
	s2 =	simm.s32 @!p0 $0x1C04  }
0x2ff: {  	[timem:s3], [sflag:s2] =	dma.local @!p0 [hbm:s0], s1  }
0x300: {  	s0 =	simm.s32 @!p0 $0x4  }
0x301: {  	_ =	swait.ge @!p0 [sflag:s0], s1  }
0x302: {  	s1 =	ssub.s32 @!p0 $0x0, s1;
	[sflag:s0] =	ssyncset.done @!p0 $0x0  }
0x303: {  	[sflag:s0] =	ssyncadd.s32 @!p0 s1  }
0x304: {  	[bflag:$0x3] =	sbarrier.arrive $0xFFFF  }
0x305: {  	_ =	shalt  }

</sc_bundles>
